<compile_context>
chip_gen: v7x
topology: tpu7x:2x2x1
jax: 0.10.2.dev20260603
libtpu: 0.0.44.dev20260713+nightly
codegen_flags: <defaults>
</compile_context>

<pallas_src>
import functools

import jax
import jax.numpy as jnp
from jax import lax
from jax.experimental import pallas as pl
from jax.experimental.pallas import tpu as pltpu
from jax.experimental.pallas import tpu_sc as plsc

_RB = 8000
_CHUNK = 128


@functools.cache
def _tc_copy(m, d, dtype):
    def body(x_ref, o_ref):
        o_ref[...] = x_ref[...]

    return pl.pallas_call(
        body,
        grid=(-(-m // _RB),),
        in_specs=[pl.BlockSpec((_RB, d), lambda i: (i, 0))],
        out_specs=pl.BlockSpec((_RB, d), lambda i: (i, 0)),
        out_shape=jax.ShapeDtypeStruct((m, d), dtype),
    )


@functools.cache
def _sc_scatter(m, d, b, dtype):
    try:
        info = plsc.get_sparse_core_info()
        nc, ns, nl = info.num_cores, info.num_subcores, info.num_lanes
    except ValueError:
        nc, ns, nl = 2, 16, 16
    nw = nc * ns
    tile_rows = -(-m // nw)
    c = _CHUNK
    nch = (b + c) // c
    mesh = plsc.VectorSubcoreMesh(
        core_axis_name="c", subcore_axis_name="s",
        num_cores=nc, num_subcores=ns)

    @functools.partial(
        pl.kernel,
        mesh=mesh,
        out_type=(),
        compiler_params=pltpu.CompilerParams(
            needs_layout_passes=False, use_tc_tiling_on_sc=False),
        scratch_types=[
            pltpu.VMEM((b,), jnp.int32),
            pltpu.VMEM((tile_rows,), jnp.int32),
            pltpu.VMEM((nch, c), jnp.int32),
            pltpu.VMEM((nch, c), jnp.int32),
            pltpu.VMEM((c, d), dtype),
            pltpu.SemaphoreType.DMA,
            pltpu.SemaphoreType.DMA,
            pltpu.SemaphoreType.DMA,
        ],
    )
    def scatter(out_ref, idx_ref, val_ref, idx_v, tag, wrow, wpos,
                rows_buf, isem, sem_g, sem_s):
        wid = lax.axis_index("s") * nc + lax.axis_index("c")
        lo = wid * tile_rows
        iota = lax.iota(jnp.int32, nl)
        pltpu.async_copy(idx_ref, idx_v, isem).wait()

        def in_range(q):
            v = idx_v[pl.ds(q * nl, nl)]
            vloc = v - lo
            msk = (vloc >= 0) & (vloc < tile_rows)
            return v, jnp.where(msk, vloc, 0), msk, q * nl + iota

        def pass_a(q, carry):
            _, safe, msk, pos = in_range(q)
            plsc.store_scatter(tag, [safe], pos, mask=msk)
            return carry

        lax.fori_loop(0, b // nl, pass_a, 0, unroll=8)

        def pass_b(q, cnt):
            v, safe, msk, pos = in_range(q)
            t = plsc.load_gather(tag, [safe], mask=msk)
            win = msk & (t == pos)
            incl = plsc.cumsum(win.astype(jnp.int32))
            slot = jnp.where(win, cnt + incl - 1, 0)
            plsc.store_scatter(wrow, [slot // c, slot % c], v, mask=win)
            plsc.store_scatter(wpos, [slot // c, slot % c], pos, mask=win)
            return cnt + jnp.max(incl)

        cnt = lax.fori_loop(0, b // nl, pass_b, jnp.int32(0), unroll=8)

        @pl.when(cnt > 0)
        def _():
            head = wrow[0, pl.ds(0, nl)]
            headp = wpos[0, pl.ds(0, nl)]
            fr = jnp.max(jnp.where(iota == 0, head, -1))
            fp = jnp.max(jnp.where(iota == 0, headp, -1))
            for k in range(c // nl):
                slots = cnt + k * nl + iota
                plsc.store_scatter(wrow, [slots // c, slots % c],
                                   jnp.full((nl,), fr, jnp.int32))
                plsc.store_scatter(wpos, [slots // c, slots % c],
                                   jnp.full((nl,), fp, jnp.int32))

            def chunk(cc, carry):
                pltpu.async_copy(val_ref.at[wpos.at[cc]], rows_buf, sem_g).wait()
                pltpu.async_copy(rows_buf, out_ref.at[wrow.at[cc]], sem_s).wait()
                return carry

            lax.fori_loop(0, (cnt + c - 1) // c, chunk, 0)

    return scatter


def kernel(mem, idx, val):
    m, d = mem.shape
    b = idx.shape[0]
    out = _tc_copy(m, d, mem.dtype)(mem)
    ref = jax.new_ref(out)
    _sc_scatter(m, d, b, mem.dtype)(ref, idx, val)
    return ref[...]

# --- scband reference (transcript-rebuilt; emitter-appended) ---
"""Pipeline reference for scband-editable-memory-72919954751822 (READ-ONLY COPY).

The authoritative reference and input builder live on the scoring server;
editing this copy changes nothing except your own understanding.
"""

import jax, jax.numpy as jnp
import numpy as np

M = 100000
D = 128
B = 4096

def setup_inputs(seed: int = 0) -> dict:
    key = jax.random.key(seed)
    k1, k2, k3 = jax.random.split(key, 3)
    mem = jax.random.normal(k1, (M, D), dtype=jnp.float32)
    idx = jax.random.randint(k2, (B,), 0, M, dtype=jnp.int32)
    val = jax.random.normal(k3, (B, D), dtype=jnp.float32)
    return {"mem": mem, "idx": idx, "val": val}

def reference(mem, idx, val):
    # EditableMemory semantics: value setter performs a stateful overwrite of the
    # memory slots addressed by idx (scatter-overwrite), value getter returns the
    # current memory state. Functionally: new_mem = mem with rows idx replaced by val.
    new_mem = mem.at[idx].set(val)
    return new_mem

if __name__ == "__main__":
    import jax
    _d = setup_inputs()
    print(jax.jit(kernel)(*tuple(_d.values())))

</pallas_src>

<mosaic_0001>
#map = affine_map<(d0, d1) -> (0, 0)>
#map1 = affine_map<(d0, d1) -> (0)>
module attributes {stable_mosaic.version = 14 : i64} {
  func.func @new_body(%arg0: i32, %arg1: i32, %arg2: memref<100000x128xf32, #tpu.memory_space<hbm>>, %arg3: memref<4096xi32, #tpu.memory_space<hbm>>, %arg4: memref<4096x128xf32, #tpu.memory_space<hbm>>, %arg5: memref<100000x128xf32, #tpu.memory_space<hbm>>, %arg6: memref<4096xi32, #tpu.memory_space<vmem>>, %arg7: memref<3125xi32, #tpu.memory_space<vmem>>, %arg8: memref<33x128xi32, #tpu.memory_space<vmem>>, %arg9: memref<33x128xi32, #tpu.memory_space<vmem>>, %arg10: memref<128x128xf32, #tpu.memory_space<vmem>>, %arg11: memref<!tpu.dma_semaphore, #tpu.memory_space<semaphore_mem>>, %arg12: memref<!tpu.dma_semaphore, #tpu.memory_space<semaphore_mem>>, %arg13: memref<!tpu.dma_semaphore, #tpu.memory_space<semaphore_mem>>) attributes {dimension_semantics = [#tpu.dimension_semantics<core_parallel>, #tpu.dimension_semantics<subcore_parallel>], iteration_bounds = array<i64: 2, 16>, scalar_prefetch = 0 : i64, scratch_operands = 8 : i64, tpu.core_type = #tpu.core_type<sc_vector_subcore>, window_params = [{transform_indices = #map}, {transform_indices = #map1}, {transform_indices = #map}, {transform_indices = #map}]} {
    %mul3A = arith.constant 2 : i32
    %mul3A_0 = arith.muli %arg1, %mul3A : i32
    %add3A = arith.addi %mul3A_0, %arg0 : i32
    %mul3A_1 = arith.constant 3125 : i32
    %mul3A_2 = arith.muli %add3A, %mul3A_1 : i32
    %iota3A = tpu.iota {dimensions = array<i32: 0>} : vector<16xi32>
    tpu.enqueue_dma source(%arg3 : memref<4096xi32, #tpu.memory_space<hbm>>) target(%arg6 : memref<4096xi32, #tpu.memory_space<vmem>>) target_semaphore(%arg11 : memref<!tpu.dma_semaphore, #tpu.memory_space<semaphore_mem>>)
    tpu.wait_dma2 semaphore(%arg11 : memref<!tpu.dma_semaphore, #tpu.memory_space<semaphore_mem>>) src(%arg3 : memref<4096xi32, #tpu.memory_space<hbm>>) dst(%arg6 : memref<4096xi32, #tpu.memory_space<vmem>>)
    %scan3A = arith.constant 0 : i32
    %scan3A_3 = arith.constant 0 : i32
    %scan3A_4 = arith.constant 256 : i32
    %scan3A_5 = arith.addi %scan3A_3, %scan3A_4 : i32
    %scan3A_6 = arith.constant 8 : i32
    scf.for %scan3A_17 = %scan3A_3 to %scan3A_5 step %scan3A_6  : i32 {
      %mul3A_18 = arith.constant 16 : i32
      %mul3A_19 = arith.muli %scan3A_17, %mul3A_18 : i32
      %get3A = arith.index_cast %mul3A_19 : i32 to index
      %get3A_20 = tpu.vector_load %arg6[%get3A] {strides = array<i32>} : memref<4096xi32, #tpu.memory_space<vmem>>, vector<16xi32>,
      %sub3A = vector.broadcast %mul3A_2 : i32 to vector<16xi32>
      %sub3A_21 = arith.subi %get3A_20, %sub3A : vector<16xi32>
      %ge3A = arith.constant 0 : i32
      %ge3A_22 = vector.broadcast %ge3A : i32 to vector<16xi32>
      %ge3A_23 = arith.cmpi sge, %sub3A_21, %ge3A_22 : vector<16xi32>
      %lt3A = arith.constant 3125 : i32
      %lt3A_24 = vector.broadcast %lt3A : i32 to vector<16xi32>
      %lt3A_25 = arith.cmpi slt, %sub3A_21, %lt3A_24 : vector<16xi32>
      %and3A = arith.andi %ge3A_23, %lt3A_25 : vector<16xi1>
      %jit3A = arith.constant 0 : i32
      %broadcast_in_dim3A = vector.broadcast %jit3A : i32 to vector<16xi32>
      %select_n3A = arith.select %and3A, %sub3A_21, %broadcast_in_dim3A : vector<16xi1>, vector<16xi32>
      %mul3A_26 = arith.constant 16 : i32
      %mul3A_27 = arith.muli %scan3A_17, %mul3A_26 : i32
      %add3A_28 = vector.broadcast %mul3A_27 : i32 to vector<16xi32>
      %add3A_29 = arith.addi %add3A_28, %iota3A : vector<16xi32>
      tpu.vector_store_idx %arg7[%select_n3A], %add3A_29 masked %and3A : memref<3125xi32, #tpu.memory_space<vmem>>[vector<16xi32>], vector<16xi32>, vector<16xi1>
      %scan3A_30 = arith.constant 1 : i32
      %scan3A_31 = arith.addi %scan3A_17, %scan3A_30 : i32
      %mul3A_32 = arith.constant 16 : i32
      %mul3A_33 = arith.muli %scan3A_31, %mul3A_32 : i32
      %get3A_34 = arith.index_cast %mul3A_33 : i32 to index
      %get3A_35 = tpu.vector_load %arg6[%get3A_34] {strides = array<i32>} : memref<4096xi32, #tpu.memory_space<vmem>>, vector<16xi32>,
      %sub3A_36 = vector.broadcast %mul3A_2 : i32 to vector<16xi32>
      %sub3A_37 = arith.subi %get3A_35, %sub3A_36 : vector<16xi32>
      %ge3A_38 = arith.constant 0 : i32
      %ge3A_39 = vector.broadcast %ge3A_38 : i32 to vector<16xi32>
      %ge3A_40 = arith.cmpi sge, %sub3A_37, %ge3A_39 : vector<16xi32>
      %lt3A_41 = arith.constant 3125 : i32
      %lt3A_42 = vector.broadcast %lt3A_41 : i32 to vector<16xi32>
      %lt3A_43 = arith.cmpi slt, %sub3A_37, %lt3A_42 : vector<16xi32>
      %and3A_44 = arith.andi %ge3A_40, %lt3A_43 : vector<16xi1>
      %jit3A_45 = arith.constant 0 : i32
      %broadcast_in_dim3A_46 = vector.broadcast %jit3A_45 : i32 to vector<16xi32>
      %select_n3A_47 = arith.select %and3A_44, %sub3A_37, %broadcast_in_dim3A_46 : vector<16xi1>, vector<16xi32>
      %mul3A_48 = arith.constant 16 : i32
      %mul3A_49 = arith.muli %scan3A_31, %mul3A_48 : i32
      %add3A_50 = vector.broadcast %mul3A_49 : i32 to vector<16xi32>
      %add3A_51 = arith.addi %add3A_50, %iota3A : vector<16xi32>
      tpu.vector_store_idx %arg7[%select_n3A_47], %add3A_51 masked %and3A_44 : memref<3125xi32, #tpu.memory_space<vmem>>[vector<16xi32>], vector<16xi32>, vector<16xi1>
      %scan3A_52 = arith.constant 2 : i32
      %scan3A_53 = arith.addi %scan3A_17, %scan3A_52 : i32
      %mul3A_54 = arith.constant 16 : i32
      %mul3A_55 = arith.muli %scan3A_53, %mul3A_54 : i32
      %get3A_56 = arith.index_cast %mul3A_55 : i32 to index
      %get3A_57 = tpu.vector_load %arg6[%get3A_56] {strides = array<i32>} : memref<4096xi32, #tpu.memory_space<vmem>>, vector<16xi32>,
      %sub3A_58 = vector.broadcast %mul3A_2 : i32 to vector<16xi32>
      %sub3A_59 = arith.subi %get3A_57, %sub3A_58 : vector<16xi32>
      %ge3A_60 = arith.constant 0 : i32
      %ge3A_61 = vector.broadcast %ge3A_60 : i32 to vector<16xi32>
      %ge3A_62 = arith.cmpi sge, %sub3A_59, %ge3A_61 : vector<16xi32>
      %lt3A_63 = arith.constant 3125 : i32
      %lt3A_64 = vector.broadcast %lt3A_63 : i32 to vector<16xi32>
      %lt3A_65 = arith.cmpi slt, %sub3A_59, %lt3A_64 : vector<16xi32>
      %and3A_66 = arith.andi %ge3A_62, %lt3A_65 : vector<16xi1>
      %jit3A_67 = arith.constant 0 : i32
      %broadcast_in_dim3A_68 = vector.broadcast %jit3A_67 : i32 to vector<16xi32>
      %select_n3A_69 = arith.select %and3A_66, %sub3A_59, %broadcast_in_dim3A_68 : vector<16xi1>, vector<16xi32>
      %mul3A_70 = arith.constant 16 : i32
      %mul3A_71 = arith.muli %scan3A_53, %mul3A_70 : i32
      %add3A_72 = vector.broadcast %mul3A_71 : i32 to vector<16xi32>
      %add3A_73 = arith.addi %add3A_72, %iota3A : vector<16xi32>
      tpu.vector_store_idx %arg7[%select_n3A_69], %add3A_73 masked %and3A_66 : memref<3125xi32, #tpu.memory_space<vmem>>[vector<16xi32>], vector<16xi32>, vector<16xi1>
      %scan3A_74 = arith.constant 3 : i32
      %scan3A_75 = arith.addi %scan3A_17, %scan3A_74 : i32
      %mul3A_76 = arith.constant 16 : i32
      %mul3A_77 = arith.muli %scan3A_75, %mul3A_76 : i32
      %get3A_78 = arith.index_cast %mul3A_77 : i32 to index
      %get3A_79 = tpu.vector_load %arg6[%get3A_78] {strides = array<i32>} : memref<4096xi32, #tpu.memory_space<vmem>>, vector<16xi32>,
      %sub3A_80 = vector.broadcast %mul3A_2 : i32 to vector<16xi32>
      %sub3A_81 = arith.subi %get3A_79, %sub3A_80 : vector<16xi32>
      %ge3A_82 = arith.constant 0 : i32
      %ge3A_83 = vector.broadcast %ge3A_82 : i32 to vector<16xi32>
      %ge3A_84 = arith.cmpi sge, %sub3A_81, %ge3A_83 : vector<16xi32>
      %lt3A_85 = arith.constant 3125 : i32
      %lt3A_86 = vector.broadcast %lt3A_85 : i32 to vector<16xi32>
      %lt3A_87 = arith.cmpi slt, %sub3A_81, %lt3A_86 : vector<16xi32>
      %and3A_88 = arith.andi %ge3A_84, %lt3A_87 : vector<16xi1>
      %jit3A_89 = arith.constant 0 : i32
      %broadcast_in_dim3A_90 = vector.broadcast %jit3A_89 : i32 to vector<16xi32>
      %select_n3A_91 = arith.select %and3A_88, %sub3A_81, %broadcast_in_dim3A_90 : vector<16xi1>, vector<16xi32>
      %mul3A_92 = arith.constant 16 : i32
      %mul3A_93 = arith.muli %scan3A_75, %mul3A_92 : i32
      %add3A_94 = vector.broadcast %mul3A_93 : i32 to vector<16xi32>
      %add3A_95 = arith.addi %add3A_94, %iota3A : vector<16xi32>
      tpu.vector_store_idx %arg7[%select_n3A_91], %add3A_95 masked %and3A_88 : memref<3125xi32, #tpu.memory_space<vmem>>[vector<16xi32>], vector<16xi32>, vector<16xi1>
      %scan3A_96 = arith.constant 4 : i32
      %scan3A_97 = arith.addi %scan3A_17, %scan3A_96 : i32
      %mul3A_98 = arith.constant 16 : i32
      %mul3A_99 = arith.muli %scan3A_97, %mul3A_98 : i32
      %get3A_100 = arith.index_cast %mul3A_99 : i32 to index
      %get3A_101 = tpu.vector_load %arg6[%get3A_100] {strides = array<i32>} : memref<4096xi32, #tpu.memory_space<vmem>>, vector<16xi32>,
      %sub3A_102 = vector.broadcast %mul3A_2 : i32 to vector<16xi32>
      %sub3A_103 = arith.subi %get3A_101, %sub3A_102 : vector<16xi32>
      %ge3A_104 = arith.constant 0 : i32
      %ge3A_105 = vector.broadcast %ge3A_104 : i32 to vector<16xi32>
      %ge3A_106 = arith.cmpi sge, %sub3A_103, %ge3A_105 : vector<16xi32>
      %lt3A_107 = arith.constant 3125 : i32
      %lt3A_108 = vector.broadcast %lt3A_107 : i32 to vector<16xi32>
      %lt3A_109 = arith.cmpi slt, %sub3A_103, %lt3A_108 : vector<16xi32>
      %and3A_110 = arith.andi %ge3A_106, %lt3A_109 : vector<16xi1>
      %jit3A_111 = arith.constant 0 : i32
      %broadcast_in_dim3A_112 = vector.broadcast %jit3A_111 : i32 to vector<16xi32>
      %select_n3A_113 = arith.select %and3A_110, %sub3A_103, %broadcast_in_dim3A_112 : vector<16xi1>, vector<16xi32>
      %mul3A_114 = arith.constant 16 : i32
      %mul3A_115 = arith.muli %scan3A_97, %mul3A_114 : i32
      %add3A_116 = vector.broadcast %mul3A_115 : i32 to vector<16xi32>
      %add3A_117 = arith.addi %add3A_116, %iota3A : vector<16xi32>
      tpu.vector_store_idx %arg7[%select_n3A_113], %add3A_117 masked %and3A_110 : memref<3125xi32, #tpu.memory_space<vmem>>[vector<16xi32>], vector<16xi32>, vector<16xi1>
      %scan3A_118 = arith.constant 5 : i32
      %scan3A_119 = arith.addi %scan3A_17, %scan3A_118 : i32
      %mul3A_120 = arith.constant 16 : i32
      %mul3A_121 = arith.muli %scan3A_119, %mul3A_120 : i32
      %get3A_122 = arith.index_cast %mul3A_121 : i32 to index
      %get3A_123 = tpu.vector_load %arg6[%get3A_122] {strides = array<i32>} : memref<4096xi32, #tpu.memory_space<vmem>>, vector<16xi32>,
      %sub3A_124 = vector.broadcast %mul3A_2 : i32 to vector<16xi32>
      %sub3A_125 = arith.subi %get3A_123, %sub3A_124 : vector<16xi32>
      %ge3A_126 = arith.constant 0 : i32
      %ge3A_127 = vector.broadcast %ge3A_126 : i32 to vector<16xi32>
      %ge3A_128 = arith.cmpi sge, %sub3A_125, %ge3A_127 : vector<16xi32>
      %lt3A_129 = arith.constant 3125 : i32
      %lt3A_130 = vector.broadcast %lt3A_129 : i32 to vector<16xi32>
      %lt3A_131 = arith.cmpi slt, %sub3A_125, %lt3A_130 : vector<16xi32>
      %and3A_132 = arith.andi %ge3A_128, %lt3A_131 : vector<16xi1>
      %jit3A_133 = arith.constant 0 : i32
      %broadcast_in_dim3A_134 = vector.broadcast %jit3A_133 : i32 to vector<16xi32>
      %select_n3A_135 = arith.select %and3A_132, %sub3A_125, %broadcast_in_dim3A_134 : vector<16xi1>, vector<16xi32>
      %mul3A_136 = arith.constant 16 : i32
      %mul3A_137 = arith.muli %scan3A_119, %mul3A_136 : i32
      %add3A_138 = vector.broadcast %mul3A_137 : i32 to vector<16xi32>
      %add3A_139 = arith.addi %add3A_138, %iota3A : vector<16xi32>
      tpu.vector_store_idx %arg7[%select_n3A_135], %add3A_139 masked %and3A_132 : memref<3125xi32, #tpu.memory_space<vmem>>[vector<16xi32>], vector<16xi32>, vector<16xi1>
      %scan3A_140 = arith.constant 6 : i32
      %scan3A_141 = arith.addi %scan3A_17, %scan3A_140 : i32
      %mul3A_142 = arith.constant 16 : i32
      %mul3A_143 = arith.muli %scan3A_141, %mul3A_142 : i32
      %get3A_144 = arith.index_cast %mul3A_143 : i32 to index
      %get3A_145 = tpu.vector_load %arg6[%get3A_144] {strides = array<i32>} : memref<4096xi32, #tpu.memory_space<vmem>>, vector<16xi32>,
      %sub3A_146 = vector.broadcast %mul3A_2 : i32 to vector<16xi32>
      %sub3A_147 = arith.subi %get3A_145, %sub3A_146 : vector<16xi32>
      %ge3A_148 = arith.constant 0 : i32
      %ge3A_149 = vector.broadcast %ge3A_148 : i32 to vector<16xi32>
      %ge3A_150 = arith.cmpi sge, %sub3A_147, %ge3A_149 : vector<16xi32>
      %lt3A_151 = arith.constant 3125 : i32
      %lt3A_152 = vector.broadcast %lt3A_151 : i32 to vector<16xi32>
      %lt3A_153 = arith.cmpi slt, %sub3A_147, %lt3A_152 : vector<16xi32>
      %and3A_154 = arith.andi %ge3A_150, %lt3A_153 : vector<16xi1>
      %jit3A_155 = arith.constant 0 : i32
      %broadcast_in_dim3A_156 = vector.broadcast %jit3A_155 : i32 to vector<16xi32>
      %select_n3A_157 = arith.select %and3A_154, %sub3A_147, %broadcast_in_dim3A_156 : vector<16xi1>, vector<16xi32>
      %mul3A_158 = arith.constant 16 : i32
      %mul3A_159 = arith.muli %scan3A_141, %mul3A_158 : i32
      %add3A_160 = vector.broadcast %mul3A_159 : i32 to vector<16xi32>
      %add3A_161 = arith.addi %add3A_160, %iota3A : vector<16xi32>
      tpu.vector_store_idx %arg7[%select_n3A_157], %add3A_161 masked %and3A_154 : memref<3125xi32, #tpu.memory_space<vmem>>[vector<16xi32>], vector<16xi32>, vector<16xi1>
      %scan3A_162 = arith.constant 7 : i32
      %scan3A_163 = arith.addi %scan3A_17, %scan3A_162 : i32
      %mul3A_164 = arith.constant 16 : i32
      %mul3A_165 = arith.muli %scan3A_163, %mul3A_164 : i32
      %get3A_166 = arith.index_cast %mul3A_165 : i32 to index
      %get3A_167 = tpu.vector_load %arg6[%get3A_166] {strides = array<i32>} : memref<4096xi32, #tpu.memory_space<vmem>>, vector<16xi32>,
      %sub3A_168 = vector.broadcast %mul3A_2 : i32 to vector<16xi32>
      %sub3A_169 = arith.subi %get3A_167, %sub3A_168 : vector<16xi32>
      %ge3A_170 = arith.constant 0 : i32
      %ge3A_171 = vector.broadcast %ge3A_170 : i32 to vector<16xi32>
      %ge3A_172 = arith.cmpi sge, %sub3A_169, %ge3A_171 : vector<16xi32>
      %lt3A_173 = arith.constant 3125 : i32
      %lt3A_174 = vector.broadcast %lt3A_173 : i32 to vector<16xi32>
      %lt3A_175 = arith.cmpi slt, %sub3A_169, %lt3A_174 : vector<16xi32>
      %and3A_176 = arith.andi %ge3A_172, %lt3A_175 : vector<16xi1>
      %jit3A_177 = arith.constant 0 : i32
      %broadcast_in_dim3A_178 = vector.broadcast %jit3A_177 : i32 to vector<16xi32>
      %select_n3A_179 = arith.select %and3A_176, %sub3A_169, %broadcast_in_dim3A_178 : vector<16xi1>, vector<16xi32>
      %mul3A_180 = arith.constant 16 : i32
      %mul3A_181 = arith.muli %scan3A_163, %mul3A_180 : i32
      %add3A_182 = vector.broadcast %mul3A_181 : i32 to vector<16xi32>
      %add3A_183 = arith.addi %add3A_182, %iota3A : vector<16xi32>
      tpu.vector_store_idx %arg7[%select_n3A_179], %add3A_183 masked %and3A_176 : memref<3125xi32, #tpu.memory_space<vmem>>[vector<16xi32>], vector<16xi32>, vector<16xi1>
    }
    %scan3A_7 = arith.constant 256 : i32
    %scan3A_8 = arith.constant 0 : i32
    %scan3A_9 = arith.constant 0 : i32
    %scan3A_10 = arith.constant 256 : i32
    %scan3A_11 = arith.addi %scan3A_9, %scan3A_10 : i32
    %scan3A_12 = arith.constant 8 : i32
    %scan3A_13 = scf.for %scan3A_17 = %scan3A_9 to %scan3A_11 step %scan3A_12 iter_args(%scan3A_18 = %scan3A_8) -> (i32)  : i32 {
      %mul3A_19 = arith.constant 16 : i32
      %mul3A_20 = arith.muli %scan3A_17, %mul3A_19 : i32
      %get3A = arith.index_cast %mul3A_20 : i32 to index
      %get3A_21 = tpu.vector_load %arg6[%get3A] {strides = array<i32>} : memref<4096xi32, #tpu.memory_space<vmem>>, vector<16xi32>,
      %sub3A = vector.broadcast %mul3A_2 : i32 to vector<16xi32>
      %sub3A_22 = arith.subi %get3A_21, %sub3A : vector<16xi32>
      %ge3A = arith.constant 0 : i32
      %ge3A_23 = vector.broadcast %ge3A : i32 to vector<16xi32>
      %ge3A_24 = arith.cmpi sge, %sub3A_22, %ge3A_23 : vector<16xi32>
      %lt3A = arith.constant 3125 : i32
      %lt3A_25 = vector.broadcast %lt3A : i32 to vector<16xi32>
      %lt3A_26 = arith.cmpi slt, %sub3A_22, %lt3A_25 : vector<16xi32>
      %and3A = arith.andi %ge3A_24, %lt3A_26 : vector<16xi1>
      %jit3A = arith.constant 0 : i32
      %broadcast_in_dim3A = vector.broadcast %jit3A : i32 to vector<16xi32>
      %select_n3A = arith.select %and3A, %sub3A_22, %broadcast_in_dim3A : vector<16xi1>, vector<16xi32>
      %mul3A_27 = arith.constant 16 : i32
      %mul3A_28 = arith.muli %scan3A_17, %mul3A_27 : i32
      %add3A_29 = vector.broadcast %mul3A_28 : i32 to vector<16xi32>
      %add3A_30 = arith.addi %add3A_29, %iota3A : vector<16xi32>
      %gather3A = tpu.vector_load_idx %arg7[%select_n3A] masked %and3A : memref<3125xi32, #tpu.memory_space<vmem>>[vector<16xi32>], vector<16xi32>, vector<16xi1>
      %eq3A = arith.cmpi eq, %gather3A, %add3A_30 : vector<16xi32>
      %and3A_31 = arith.andi %and3A, %eq3A : vector<16xi1>
      %convert_element_type3A_32 = arith.extui %and3A_31 : vector<16xi1> to vector<16xi32>
      %broadcast_in_dim3A_33 = arith.constant true
      %broadcast_in_dim3A_34 = vector.broadcast %broadcast_in_dim3A_33 : i1 to vector<16xi1>
      %masked_cumsum3A = tpu.scan <sum>, %convert_element_type3A_32 masked %broadcast_in_dim3A_34 : vector<16xi32>, vector<16xi1> -> vector<16xi32>
      %add3A_35 = vector.broadcast %scan3A_18 : i32 to vector<16xi32>
      %add3A_36 = arith.addi %add3A_35, %masked_cumsum3A : vector<16xi32>
      %sub3A_37 = arith.constant 1 : i32
      %sub3A_38 = vector.broadcast %sub3A_37 : i32 to vector<16xi32>
      %sub3A_39 = arith.subi %add3A_36, %sub3A_38 : vector<16xi32>
      %jit3A_40 = arith.constant 0 : i32
      %broadcast_in_dim3A_41 = vector.broadcast %jit3A_40 : i32 to vector<16xi32>
      %select_n3A_42 = arith.select %and3A_31, %sub3A_39, %broadcast_in_dim3A_41 : vector<16xi1>, vector<16xi32>
      %jit3A_43 = arith.constant 128 : i32
      %div3A = vector.broadcast %jit3A_43 : i32 to vector<16xi32>
      %div3A_44 = arith.divsi %select_n3A_42, %div3A : vector<16xi32>
      %sign3A = arith.constant 0 : i32
      %sign3A_45 = vector.broadcast %sign3A : i32 to vector<16xi32>
      %sign3A_46 = arith.cmpi sgt, %select_n3A_42, %sign3A_45 : vector<16xi32>
      %sign3A_47 = arith.extui %sign3A_46 : vector<16xi1> to vector<16xi32>
      %sign3A_48 = arith.constant 0 : i32
      %sign3A_49 = vector.broadcast %sign3A_48 : i32 to vector<16xi32>
      %sign3A_50 = arith.cmpi slt, %select_n3A_42, %sign3A_49 : vector<16xi32>
      %sign3A_51 = arith.extui %sign3A_50 : vector<16xi1> to vector<16xi32>
      %sign3A_52 = arith.subi %sign3A_47, %sign3A_51 : vector<16xi32>
      %sign3A_53 = arith.constant 0 : i32
      %sign3A_54 = arith.cmpi sgt, %jit3A_43, %sign3A_53 : i32
      %sign3A_55 = arith.extui %sign3A_54 : i1 to i32
      %sign3A_56 = arith.constant 0 : i32
      %sign3A_57 = arith.cmpi slt, %jit3A_43, %sign3A_56 : i32
      %sign3A_58 = arith.extui %sign3A_57 : i1 to i32
      %sign3A_59 = arith.subi %sign3A_55, %sign3A_58 : i32
      %ne3A = vector.broadcast %sign3A_59 : i32 to vector<16xi32>
      %ne3A_60 = arith.cmpi ne, %sign3A_52, %ne3A : vector<16xi32>
      %rem3A = vector.broadcast %jit3A_43 : i32 to vector<16xi32>
      %rem3A_61 = arith.remsi %select_n3A_42, %rem3A : vector<16xi32>
      %ne3A_62 = arith.constant 0 : i32
      %ne3A_63 = vector.broadcast %ne3A_62 : i32 to vector<16xi32>
      %ne3A_64 = arith.cmpi ne, %rem3A_61, %ne3A_63 : vector<16xi32>
      %and3A_65 = arith.andi %ne3A_60, %ne3A_64 : vector<16xi1>
      %sub3A_66 = arith.constant 1 : i32
      %sub3A_67 = vector.broadcast %sub3A_66 : i32 to vector<16xi32>
      %sub3A_68 = arith.subi %div3A_44, %sub3A_67 : vector<16xi32>
      %select_n3A_69 = arith.select %and3A_65, %sub3A_68, %div3A_44 : vector<16xi1>, vector<16xi32>
      %jit3A_70 = arith.constant 128 : i32
      %eq3A_71 = arith.constant 0 : i32
      %eq3A_72 = arith.cmpi eq, %jit3A_70, %eq3A_71 : i32
      %jit3A_73 = arith.constant 1 : i32
      %select_n3A_74 = arith.select %eq3A_72, %jit3A_73, %jit3A_70 : i32
      %rem3A_75 = vector.broadcast %select_n3A_74 : i32 to vector<16xi32>
      %rem3A_76 = arith.remsi %select_n3A_42, %rem3A_75 : vector<16xi32>
      %ne3A_77 = arith.constant 0 : i32
      %ne3A_78 = vector.broadcast %ne3A_77 : i32 to vector<16xi32>
      %ne3A_79 = arith.cmpi ne, %rem3A_76, %ne3A_78 : vector<16xi32>
      %lt3A_80 = arith.constant 0 : i32
      %lt3A_81 = vector.broadcast %lt3A_80 : i32 to vector<16xi32>
      %lt3A_82 = arith.cmpi slt, %rem3A_76, %lt3A_81 : vector<16xi32>
      %lt3A_83 = arith.constant 0 : i32
      %lt3A_84 = arith.cmpi slt, %select_n3A_74, %lt3A_83 : i32
      %ne3A_85 = vector.broadcast %lt3A_84 : i1 to vector<16xi1>
      %ne3A_86 = vector.broadcast %ne3A_85 : vector<16xi1> to vector<16xi1>
      %ne3A_87 = arith.xori %lt3A_82, %ne3A_86 : vector<16xi1>
      %and3A_88 = arith.andi %ne3A_87, %ne3A_79 : vector<16xi1>
      %add3A_89 = vector.broadcast %select_n3A_74 : i32 to vector<16xi32>
      %add3A_90 = arith.addi %rem3A_76, %add3A_89 : vector<16xi32>
      %select_n3A_91 = arith.select %and3A_88, %add3A_90, %rem3A_76 : vector<16xi1>, vector<16xi32>
      tpu.vector_store_idx %arg8[%select_n3A_69, %select_n3A_91], %get3A_21 masked %and3A_31 : memref<33x128xi32, #tpu.memory_space<vmem>>[vector<16xi32>, vector<16xi32>], vector<16xi32>, vector<16xi1>
      %jit3A_92 = arith.constant 128 : i32
      %div3A_93 = vector.broadcast %jit3A_92 : i32 to vector<16xi32>
      %div3A_94 = arith.divsi %select_n3A_42, %div3A_93 : vector<16xi32>
      %sign3A_95 = arith.constant 0 : i32
      %sign3A_96 = vector.broadcast %sign3A_95 : i32 to vector<16xi32>
      %sign3A_97 = arith.cmpi sgt, %select_n3A_42, %sign3A_96 : vector<16xi32>
      %sign3A_98 = arith.extui %sign3A_97 : vector<16xi1> to vector<16xi32>
      %sign3A_99 = arith.constant 0 : i32
      %sign3A_100 = vector.broadcast %sign3A_99 : i32 to vector<16xi32>
      %sign3A_101 = arith.cmpi slt, %select_n3A_42, %sign3A_100 : vector<16xi32>
      %sign3A_102 = arith.extui %sign3A_101 : vector<16xi1> to vector<16xi32>
      %sign3A_103 = arith.subi %sign3A_98, %sign3A_102 : vector<16xi32>
      %sign3A_104 = arith.constant 0 : i32
      %sign3A_105 = arith.cmpi sgt, %jit3A_92, %sign3A_104 : i32
      %sign3A_106 = arith.extui %sign3A_105 : i1 to i32
      %sign3A_107 = arith.constant 0 : i32
      %sign3A_108 = arith.cmpi slt, %jit3A_92, %sign3A_107 : i32
      %sign3A_109 = arith.extui %sign3A_108 : i1 to i32
      %sign3A_110 = arith.subi %sign3A_106, %sign3A_109 : i32
      %ne3A_111 = vector.broadcast %sign3A_110 : i32 to vector<16xi32>
      %ne3A_112 = arith.cmpi ne, %sign3A_103, %ne3A_111 : vector<16xi32>
      %rem3A_113 = vector.broadcast %jit3A_92 : i32 to vector<16xi32>
      %rem3A_114 = arith.remsi %select_n3A_42, %rem3A_113 : vector<16xi32>
      %ne3A_115 = arith.constant 0 : i32
      %ne3A_116 = vector.broadcast %ne3A_115 : i32 to vector<16xi32>
      %ne3A_117 = arith.cmpi ne, %rem3A_114, %ne3A_116 : vector<16xi32>
      %and3A_118 = arith.andi %ne3A_112, %ne3A_117 : vector<16xi1>
      %sub3A_119 = arith.constant 1 : i32
      %sub3A_120 = vector.broadcast %sub3A_119 : i32 to vector<16xi32>
      %sub3A_121 = arith.subi %div3A_94, %sub3A_120 : vector<16xi32>
      %select_n3A_122 = arith.select %and3A_118, %sub3A_121, %div3A_94 : vector<16xi1>, vector<16xi32>
      %jit3A_123 = arith.constant 128 : i32
      %eq3A_124 = arith.constant 0 : i32
      %eq3A_125 = arith.cmpi eq, %jit3A_123, %eq3A_124 : i32
      %jit3A_126 = arith.constant 1 : i32
      %select_n3A_127 = arith.select %eq3A_125, %jit3A_126, %jit3A_123 : i32
      %rem3A_128 = vector.broadcast %select_n3A_127 : i32 to vector<16xi32>
      %rem3A_129 = arith.remsi %select_n3A_42, %rem3A_128 : vector<16xi32>
      %ne3A_130 = arith.constant 0 : i32
      %ne3A_131 = vector.broadcast %ne3A_130 : i32 to vector<16xi32>
      %ne3A_132 = arith.cmpi ne, %rem3A_129, %ne3A_131 : vector<16xi32>
      %lt3A_133 = arith.constant 0 : i32
      %lt3A_134 = vector.broadcast %lt3A_133 : i32 to vector<16xi32>
      %lt3A_135 = arith.cmpi slt, %rem3A_129, %lt3A_134 : vector<16xi32>
      %lt3A_136 = arith.constant 0 : i32
      %lt3A_137 = arith.cmpi slt, %select_n3A_127, %lt3A_136 : i32
      %ne3A_138 = vector.broadcast %lt3A_137 : i1 to vector<16xi1>
      %ne3A_139 = vector.broadcast %ne3A_138 : vector<16xi1> to vector<16xi1>
      %ne3A_140 = arith.xori %lt3A_135, %ne3A_139 : vector<16xi1>
      %and3A_141 = arith.andi %ne3A_140, %ne3A_132 : vector<16xi1>
      %add3A_142 = vector.broadcast %select_n3A_127 : i32 to vector<16xi32>
      %add3A_143 = arith.addi %rem3A_129, %add3A_142 : vector<16xi32>
      %select_n3A_144 = arith.select %and3A_141, %add3A_143, %rem3A_129 : vector<16xi1>, vector<16xi32>
      tpu.vector_store_idx %arg9[%select_n3A_122, %select_n3A_144], %add3A_30 masked %and3A_31 : memref<33x128xi32, #tpu.memory_space<vmem>>[vector<16xi32>, vector<16xi32>], vector<16xi32>, vector<16xi1>
      %reduce_max3A = arith.constant true
      %reduce_max3A_145 = vector.broadcast %reduce_max3A : i1 to vector<16xi1>
      %reduce_max3A_146 = arith.constant -2147483648 : i32
      %reduce_max3A_147 = vector.broadcast %reduce_max3A_146 : i32 to vector<16xi32>
      %reduce_max3A_148 = arith.xori %masked_cumsum3A, %reduce_max3A_147 : vector<16xi32>
      %reduce_max3A_149 = tpu.scan <max>, %reduce_max3A_148 masked %reduce_max3A_145 : vector<16xi32>, vector<16xi1> -> vector<16xi32>
      %reduce_max3A_150 = arith.xori %reduce_max3A_149, %reduce_max3A_147 : vector<16xi32>
      %reduce_max3A_151 = vector.extract %reduce_max3A_150[15] : i32 from vector<16xi32>
      %add3A_152 = arith.addi %scan3A_18, %reduce_max3A_151 : i32
      %scan3A_153 = arith.constant 1 : i32
      %scan3A_154 = arith.addi %scan3A_17, %scan3A_153 : i32
      %mul3A_155 = arith.constant 16 : i32
      %mul3A_156 = arith.muli %scan3A_154, %mul3A_155 : i32
      %get3A_157 = arith.index_cast %mul3A_156 : i32 to index
      %get3A_158 = tpu.vector_load %arg6[%get3A_157] {strides = array<i32>} : memref<4096xi32, #tpu.memory_space<vmem>>, vector<16xi32>,
      %sub3A_159 = vector.broadcast %mul3A_2 : i32 to vector<16xi32>
      %sub3A_160 = arith.subi %get3A_158, %sub3A_159 : vector<16xi32>
      %ge3A_161 = arith.constant 0 : i32
      %ge3A_162 = vector.broadcast %ge3A_161 : i32 to vector<16xi32>
      %ge3A_163 = arith.cmpi sge, %sub3A_160, %ge3A_162 : vector<16xi32>
      %lt3A_164 = arith.constant 3125 : i32
      %lt3A_165 = vector.broadcast %lt3A_164 : i32 to vector<16xi32>
      %lt3A_166 = arith.cmpi slt, %sub3A_160, %lt3A_165 : vector<16xi32>
      %and3A_167 = arith.andi %ge3A_163, %lt3A_166 : vector<16xi1>
      %jit3A_168 = arith.constant 0 : i32
      %broadcast_in_dim3A_169 = vector.broadcast %jit3A_168 : i32 to vector<16xi32>
      %select_n3A_170 = arith.select %and3A_167, %sub3A_160, %broadcast_in_dim3A_169 : vector<16xi1>, vector<16xi32>
      %mul3A_171 = arith.constant 16 : i32
      %mul3A_172 = arith.muli %scan3A_154, %mul3A_171 : i32
      %add3A_173 = vector.broadcast %mul3A_172 : i32 to vector<16xi32>
      %add3A_174 = arith.addi %add3A_173, %iota3A : vector<16xi32>
      %gather3A_175 = tpu.vector_load_idx %arg7[%select_n3A_170] masked %and3A_167 : memref<3125xi32, #tpu.memory_space<vmem>>[vector<16xi32>], vector<16xi32>, vector<16xi1>
      %eq3A_176 = arith.cmpi eq, %gather3A_175, %add3A_174 : vector<16xi32>
      %and3A_177 = arith.andi %and3A_167, %eq3A_176 : vector<16xi1>
      %convert_element_type3A_178 = arith.extui %and3A_177 : vector<16xi1> to vector<16xi32>
      %broadcast_in_dim3A_179 = arith.constant true
      %broadcast_in_dim3A_180 = vector.broadcast %broadcast_in_dim3A_179 : i1 to vector<16xi1>
      %masked_cumsum3A_181 = tpu.scan <sum>, %convert_element_type3A_178 masked %broadcast_in_dim3A_180 : vector<16xi32>, vector<16xi1> -> vector<16xi32>
      %add3A_182 = vector.broadcast %add3A_152 : i32 to vector<16xi32>
      %add3A_183 = arith.addi %add3A_182, %masked_cumsum3A_181 : vector<16xi32>
      %sub3A_184 = arith.constant 1 : i32
      %sub3A_185 = vector.broadcast %sub3A_184 : i32 to vector<16xi32>
      %sub3A_186 = arith.subi %add3A_183, %sub3A_185 : vector<16xi32>
      %jit3A_187 = arith.constant 0 : i32
      %broadcast_in_dim3A_188 = vector.broadcast %jit3A_187 : i32 to vector<16xi32>
      %select_n3A_189 = arith.select %and3A_177, %sub3A_186, %broadcast_in_dim3A_188 : vector<16xi1>, vector<16xi32>
      %jit3A_190 = arith.constant 128 : i32
      %div3A_191 = vector.broadcast %jit3A_190 : i32 to vector<16xi32>
      %div3A_192 = arith.divsi %select_n3A_189, %div3A_191 : vector<16xi32>
      %sign3A_193 = arith.constant 0 : i32
      %sign3A_194 = vector.broadcast %sign3A_193 : i32 to vector<16xi32>
      %sign3A_195 = arith.cmpi sgt, %select_n3A_189, %sign3A_194 : vector<16xi32>
      %sign3A_196 = arith.extui %sign3A_195 : vector<16xi1> to vector<16xi32>
      %sign3A_197 = arith.constant 0 : i32
      %sign3A_198 = vector.broadcast %sign3A_197 : i32 to vector<16xi32>
      %sign3A_199 = arith.cmpi slt, %select_n3A_189, %sign3A_198 : vector<16xi32>
      %sign3A_200 = arith.extui %sign3A_199 : vector<16xi1> to vector<16xi32>
      %sign3A_201 = arith.subi %sign3A_196, %sign3A_200 : vector<16xi32>
      %sign3A_202 = arith.constant 0 : i32
      %sign3A_203 = arith.cmpi sgt, %jit3A_190, %sign3A_202 : i32
      %sign3A_204 = arith.extui %sign3A_203 : i1 to i32
      %sign3A_205 = arith.constant 0 : i32
      %sign3A_206 = arith.cmpi slt, %jit3A_190, %sign3A_205 : i32
      %sign3A_207 = arith.extui %sign3A_206 : i1 to i32
      %sign3A_208 = arith.subi %sign3A_204, %sign3A_207 : i32
      %ne3A_209 = vector.broadcast %sign3A_208 : i32 to vector<16xi32>
      %ne3A_210 = arith.cmpi ne, %sign3A_201, %ne3A_209 : vector<16xi32>
      %rem3A_211 = vector.broadcast %jit3A_190 : i32 to vector<16xi32>
      %rem3A_212 = arith.remsi %select_n3A_189, %rem3A_211 : vector<16xi32>
      %ne3A_213 = arith.constant 0 : i32
      %ne3A_214 = vector.broadcast %ne3A_213 : i32 to vector<16xi32>
      %ne3A_215 = arith.cmpi ne, %rem3A_212, %ne3A_214 : vector<16xi32>
      %and3A_216 = arith.andi %ne3A_210, %ne3A_215 : vector<16xi1>
      %sub3A_217 = arith.constant 1 : i32
      %sub3A_218 = vector.broadcast %sub3A_217 : i32 to vector<16xi32>
      %sub3A_219 = arith.subi %div3A_192, %sub3A_218 : vector<16xi32>
      %select_n3A_220 = arith.select %and3A_216, %sub3A_219, %div3A_192 : vector<16xi1>, vector<16xi32>
      %jit3A_221 = arith.constant 128 : i32
      %eq3A_222 = arith.constant 0 : i32
      %eq3A_223 = arith.cmpi eq, %jit3A_221, %eq3A_222 : i32
      %jit3A_224 = arith.constant 1 : i32
      %select_n3A_225 = arith.select %eq3A_223, %jit3A_224, %jit3A_221 : i32
      %rem3A_226 = vector.broadcast %select_n3A_225 : i32 to vector<16xi32>
      %rem3A_227 = arith.remsi %select_n3A_189, %rem3A_226 : vector<16xi32>
      %ne3A_228 = arith.constant 0 : i32
      %ne3A_229 = vector.broadcast %ne3A_228 : i32 to vector<16xi32>
      %ne3A_230 = arith.cmpi ne, %rem3A_227, %ne3A_229 : vector<16xi32>
      %lt3A_231 = arith.constant 0 : i32
      %lt3A_232 = vector.broadcast %lt3A_231 : i32 to vector<16xi32>
      %lt3A_233 = arith.cmpi slt, %rem3A_227, %lt3A_232 : vector<16xi32>
      %lt3A_234 = arith.constant 0 : i32
      %lt3A_235 = arith.cmpi slt, %select_n3A_225, %lt3A_234 : i32
      %ne3A_236 = vector.broadcast %lt3A_235 : i1 to vector<16xi1>
      %ne3A_237 = vector.broadcast %ne3A_236 : vector<16xi1> to vector<16xi1>
      %ne3A_238 = arith.xori %lt3A_233, %ne3A_237 : vector<16xi1>
      %and3A_239 = arith.andi %ne3A_238, %ne3A_230 : vector<16xi1>
      %add3A_240 = vector.broadcast %select_n3A_225 : i32 to vector<16xi32>
      %add3A_241 = arith.addi %rem3A_227, %add3A_240 : vector<16xi32>
      %select_n3A_242 = arith.select %and3A_239, %add3A_241, %rem3A_227 : vector<16xi1>, vector<16xi32>
      tpu.vector_store_idx %arg8[%select_n3A_220, %select_n3A_242], %get3A_158 masked %and3A_177 : memref<33x128xi32, #tpu.memory_space<vmem>>[vector<16xi32>, vector<16xi32>], vector<16xi32>, vector<16xi1>
      %jit3A_243 = arith.constant 128 : i32
      %div3A_244 = vector.broadcast %jit3A_243 : i32 to vector<16xi32>
      %div3A_245 = arith.divsi %select_n3A_189, %div3A_244 : vector<16xi32>
      %sign3A_246 = arith.constant 0 : i32
      %sign3A_247 = vector.broadcast %sign3A_246 : i32 to vector<16xi32>
      %sign3A_248 = arith.cmpi sgt, %select_n3A_189, %sign3A_247 : vector<16xi32>
      %sign3A_249 = arith.extui %sign3A_248 : vector<16xi1> to vector<16xi32>
      %sign3A_250 = arith.constant 0 : i32
      %sign3A_251 = vector.broadcast %sign3A_250 : i32 to vector<16xi32>
      %sign3A_252 = arith.cmpi slt, %select_n3A_189, %sign3A_251 : vector<16xi32>
      %sign3A_253 = arith.extui %sign3A_252 : vector<16xi1> to vector<16xi32>
      %sign3A_254 = arith.subi %sign3A_249, %sign3A_253 : vector<16xi32>
      %sign3A_255 = arith.constant 0 : i32
      %sign3A_256 = arith.cmpi sgt, %jit3A_243, %sign3A_255 : i32
      %sign3A_257 = arith.extui %sign3A_256 : i1 to i32
      %sign3A_258 = arith.constant 0 : i32
      %sign3A_259 = arith.cmpi slt, %jit3A_243, %sign3A_258 : i32
      %sign3A_260 = arith.extui %sign3A_259 : i1 to i32
      %sign3A_261 = arith.subi %sign3A_257, %sign3A_260 : i32
      %ne3A_262 = vector.broadcast %sign3A_261 : i32 to vector<16xi32>
      %ne3A_263 = arith.cmpi ne, %sign3A_254, %ne3A_262 : vector<16xi32>
      %rem3A_264 = vector.broadcast %jit3A_243 : i32 to vector<16xi32>
      %rem3A_265 = arith.remsi %select_n3A_189, %rem3A_264 : vector<16xi32>
      %ne3A_266 = arith.constant 0 : i32
      %ne3A_267 = vector.broadcast %ne3A_266 : i32 to vector<16xi32>
      %ne3A_268 = arith.cmpi ne, %rem3A_265, %ne3A_267 : vector<16xi32>
      %and3A_269 = arith.andi %ne3A_263, %ne3A_268 : vector<16xi1>
      %sub3A_270 = arith.constant 1 : i32
      %sub3A_271 = vector.broadcast %sub3A_270 : i32 to vector<16xi32>
      %sub3A_272 = arith.subi %div3A_245, %sub3A_271 : vector<16xi32>
      %select_n3A_273 = arith.select %and3A_269, %sub3A_272, %div3A_245 : vector<16xi1>, vector<16xi32>
      %jit3A_274 = arith.constant 128 : i32
      %eq3A_275 = arith.constant 0 : i32
      %eq3A_276 = arith.cmpi eq, %jit3A_274, %eq3A_275 : i32
      %jit3A_277 = arith.constant 1 : i32
      %select_n3A_278 = arith.select %eq3A_276, %jit3A_277, %jit3A_274 : i32
      %rem3A_279 = vector.broadcast %select_n3A_278 : i32 to vector<16xi32>
      %rem3A_280 = arith.remsi %select_n3A_189, %rem3A_279 : vector<16xi32>
      %ne3A_281 = arith.constant 0 : i32
      %ne3A_282 = vector.broadcast %ne3A_281 : i32 to vector<16xi32>
      %ne3A_283 = arith.cmpi ne, %rem3A_280, %ne3A_282 : vector<16xi32>
      %lt3A_284 = arith.constant 0 : i32
      %lt3A_285 = vector.broadcast %lt3A_284 : i32 to vector<16xi32>
      %lt3A_286 = arith.cmpi slt, %rem3A_280, %lt3A_285 : vector<16xi32>
      %lt3A_287 = arith.constant 0 : i32
      %lt3A_288 = arith.cmpi slt, %select_n3A_278, %lt3A_287 : i32
      %ne3A_289 = vector.broadcast %lt3A_288 : i1 to vector<16xi1>
      %ne3A_290 = vector.broadcast %ne3A_289 : vector<16xi1> to vector<16xi1>
      %ne3A_291 = arith.xori %lt3A_286, %ne3A_290 : vector<16xi1>
      %and3A_292 = arith.andi %ne3A_291, %ne3A_283 : vector<16xi1>
      %add3A_293 = vector.broadcast %select_n3A_278 : i32 to vector<16xi32>
      %add3A_294 = arith.addi %rem3A_280, %add3A_293 : vector<16xi32>
      %select_n3A_295 = arith.select %and3A_292, %add3A_294, %rem3A_280 : vector<16xi1>, vector<16xi32>
      tpu.vector_store_idx %arg9[%select_n3A_273, %select_n3A_295], %add3A_174 masked %and3A_177 : memref<33x128xi32, #tpu.memory_space<vmem>>[vector<16xi32>, vector<16xi32>], vector<16xi32>, vector<16xi1>
      %reduce_max3A_296 = arith.constant true
      %reduce_max3A_297 = vector.broadcast %reduce_max3A_296 : i1 to vector<16xi1>
      %reduce_max3A_298 = arith.constant -2147483648 : i32
      %reduce_max3A_299 = vector.broadcast %reduce_max3A_298 : i32 to vector<16xi32>
      %reduce_max3A_300 = arith.xori %masked_cumsum3A_181, %reduce_max3A_299 : vector<16xi32>
      %reduce_max3A_301 = tpu.scan <max>, %reduce_max3A_300 masked %reduce_max3A_297 : vector<16xi32>, vector<16xi1> -> vector<16xi32>
      %reduce_max3A_302 = arith.xori %reduce_max3A_301, %reduce_max3A_299 : vector<16xi32>
      %reduce_max3A_303 = vector.extract %reduce_max3A_302[15] : i32 from vector<16xi32>
      %add3A_304 = arith.addi %add3A_152, %reduce_max3A_303 : i32
      %scan3A_305 = arith.constant 2 : i32
      %scan3A_306 = arith.addi %scan3A_17, %scan3A_305 : i32
      %mul3A_307 = arith.constant 16 : i32
      %mul3A_308 = arith.muli %scan3A_306, %mul3A_307 : i32
      %get3A_309 = arith.index_cast %mul3A_308 : i32 to index
      %get3A_310 = tpu.vector_load %arg6[%get3A_309] {strides = array<i32>} : memref<4096xi32, #tpu.memory_space<vmem>>, vector<16xi32>,
      %sub3A_311 = vector.broadcast %mul3A_2 : i32 to vector<16xi32>
      %sub3A_312 = arith.subi %get3A_310, %sub3A_311 : vector<16xi32>
      %ge3A_313 = arith.constant 0 : i32
      %ge3A_314 = vector.broadcast %ge3A_313 : i32 to vector<16xi32>
      %ge3A_315 = arith.cmpi sge, %sub3A_312, %ge3A_314 : vector<16xi32>
      %lt3A_316 = arith.constant 3125 : i32
      %lt3A_317 = vector.broadcast %lt3A_316 : i32 to vector<16xi32>
      %lt3A_318 = arith.cmpi slt, %sub3A_312, %lt3A_317 : vector<16xi32>
      %and3A_319 = arith.andi %ge3A_315, %lt3A_318 : vector<16xi1>
      %jit3A_320 = arith.constant 0 : i32
      %broadcast_in_dim3A_321 = vector.broadcast %jit3A_320 : i32 to vector<16xi32>
      %select_n3A_322 = arith.select %and3A_319, %sub3A_312, %broadcast_in_dim3A_321 : vector<16xi1>, vector<16xi32>
      %mul3A_323 = arith.constant 16 : i32
      %mul3A_324 = arith.muli %scan3A_306, %mul3A_323 : i32
      %add3A_325 = vector.broadcast %mul3A_324 : i32 to vector<16xi32>
      %add3A_326 = arith.addi %add3A_325, %iota3A : vector<16xi32>
      %gather3A_327 = tpu.vector_load_idx %arg7[%select_n3A_322] masked %and3A_319 : memref<3125xi32, #tpu.memory_space<vmem>>[vector<16xi32>], vector<16xi32>, vector<16xi1>
      %eq3A_328 = arith.cmpi eq, %gather3A_327, %add3A_326 : vector<16xi32>
      %and3A_329 = arith.andi %and3A_319, %eq3A_328 : vector<16xi1>
      %convert_element_type3A_330 = arith.extui %and3A_329 : vector<16xi1> to vector<16xi32>
      %broadcast_in_dim3A_331 = arith.constant true
      %broadcast_in_dim3A_332 = vector.broadcast %broadcast_in_dim3A_331 : i1 to vector<16xi1>
      %masked_cumsum3A_333 = tpu.scan <sum>, %convert_element_type3A_330 masked %broadcast_in_dim3A_332 : vector<16xi32>, vector<16xi1> -> vector<16xi32>
      %add3A_334 = vector.broadcast %add3A_304 : i32 to vector<16xi32>
      %add3A_335 = arith.addi %add3A_334, %masked_cumsum3A_333 : vector<16xi32>
      %sub3A_336 = arith.constant 1 : i32
      %sub3A_337 = vector.broadcast %sub3A_336 : i32 to vector<16xi32>
      %sub3A_338 = arith.subi %add3A_335, %sub3A_337 : vector<16xi32>
      %jit3A_339 = arith.constant 0 : i32
      %broadcast_in_dim3A_340 = vector.broadcast %jit3A_339 : i32 to vector<16xi32>
      %select_n3A_341 = arith.select %and3A_329, %sub3A_338, %broadcast_in_dim3A_340 : vector<16xi1>, vector<16xi32>
      %jit3A_342 = arith.constant 128 : i32
      %div3A_343 = vector.broadcast %jit3A_342 : i32 to vector<16xi32>
      %div3A_344 = arith.divsi %select_n3A_341, %div3A_343 : vector<16xi32>
      %sign3A_345 = arith.constant 0 : i32
      %sign3A_346 = vector.broadcast %sign3A_345 : i32 to vector<16xi32>
      %sign3A_347 = arith.cmpi sgt, %select_n3A_341, %sign3A_346 : vector<16xi32>
      %sign3A_348 = arith.extui %sign3A_347 : vector<16xi1> to vector<16xi32>
      %sign3A_349 = arith.constant 0 : i32
      %sign3A_350 = vector.broadcast %sign3A_349 : i32 to vector<16xi32>
      %sign3A_351 = arith.cmpi slt, %select_n3A_341, %sign3A_350 : vector<16xi32>
      %sign3A_352 = arith.extui %sign3A_351 : vector<16xi1> to vector<16xi32>
      %sign3A_353 = arith.subi %sign3A_348, %sign3A_352 : vector<16xi32>
      %sign3A_354 = arith.constant 0 : i32
      %sign3A_355 = arith.cmpi sgt, %jit3A_342, %sign3A_354 : i32
      %sign3A_356 = arith.extui %sign3A_355 : i1 to i32
      %sign3A_357 = arith.constant 0 : i32
      %sign3A_358 = arith.cmpi slt, %jit3A_342, %sign3A_357 : i32
      %sign3A_359 = arith.extui %sign3A_358 : i1 to i32
      %sign3A_360 = arith.subi %sign3A_356, %sign3A_359 : i32
      %ne3A_361 = vector.broadcast %sign3A_360 : i32 to vector<16xi32>
      %ne3A_362 = arith.cmpi ne, %sign3A_353, %ne3A_361 : vector<16xi32>
      %rem3A_363 = vector.broadcast %jit3A_342 : i32 to vector<16xi32>
      %rem3A_364 = arith.remsi %select_n3A_341, %rem3A_363 : vector<16xi32>
      %ne3A_365 = arith.constant 0 : i32
      %ne3A_366 = vector.broadcast %ne3A_365 : i32 to vector<16xi32>
      %ne3A_367 = arith.cmpi ne, %rem3A_364, %ne3A_366 : vector<16xi32>
      %and3A_368 = arith.andi %ne3A_362, %ne3A_367 : vector<16xi1>
      %sub3A_369 = arith.constant 1 : i32
      %sub3A_370 = vector.broadcast %sub3A_369 : i32 to vector<16xi32>
      %sub3A_371 = arith.subi %div3A_344, %sub3A_370 : vector<16xi32>
      %select_n3A_372 = arith.select %and3A_368, %sub3A_371, %div3A_344 : vector<16xi1>, vector<16xi32>
      %jit3A_373 = arith.constant 128 : i32
      %eq3A_374 = arith.constant 0 : i32
      %eq3A_375 = arith.cmpi eq, %jit3A_373, %eq3A_374 : i32
      %jit3A_376 = arith.constant 1 : i32
      %select_n3A_377 = arith.select %eq3A_375, %jit3A_376, %jit3A_373 : i32
      %rem3A_378 = vector.broadcast %select_n3A_377 : i32 to vector<16xi32>
      %rem3A_379 = arith.remsi %select_n3A_341, %rem3A_378 : vector<16xi32>
      %ne3A_380 = arith.constant 0 : i32
      %ne3A_381 = vector.broadcast %ne3A_380 : i32 to vector<16xi32>
      %ne3A_382 = arith.cmpi ne, %rem3A_379, %ne3A_381 : vector<16xi32>
      %lt3A_383 = arith.constant 0 : i32
      %lt3A_384 = vector.broadcast %lt3A_383 : i32 to vector<16xi32>
      %lt3A_385 = arith.cmpi slt, %rem3A_379, %lt3A_384 : vector<16xi32>
      %lt3A_386 = arith.constant 0 : i32
      %lt3A_387 = arith.cmpi slt, %select_n3A_377, %lt3A_386 : i32
      %ne3A_388 = vector.broadcast %lt3A_387 : i1 to vector<16xi1>
      %ne3A_389 = vector.broadcast %ne3A_388 : vector<16xi1> to vector<16xi1>
      %ne3A_390 = arith.xori %lt3A_385, %ne3A_389 : vector<16xi1>
      %and3A_391 = arith.andi %ne3A_390, %ne3A_382 : vector<16xi1>
      %add3A_392 = vector.broadcast %select_n3A_377 : i32 to vector<16xi32>
      %add3A_393 = arith.addi %rem3A_379, %add3A_392 : vector<16xi32>
      %select_n3A_394 = arith.select %and3A_391, %add3A_393, %rem3A_379 : vector<16xi1>, vector<16xi32>
      tpu.vector_store_idx %arg8[%select_n3A_372, %select_n3A_394], %get3A_310 masked %and3A_329 : memref<33x128xi32, #tpu.memory_space<vmem>>[vector<16xi32>, vector<16xi32>], vector<16xi32>, vector<16xi1>
      %jit3A_395 = arith.constant 128 : i32
      %div3A_396 = vector.broadcast %jit3A_395 : i32 to vector<16xi32>
      %div3A_397 = arith.divsi %select_n3A_341, %div3A_396 : vector<16xi32>
      %sign3A_398 = arith.constant 0 : i32
      %sign3A_399 = vector.broadcast %sign3A_398 : i32 to vector<16xi32>
      %sign3A_400 = arith.cmpi sgt, %select_n3A_341, %sign3A_399 : vector<16xi32>
      %sign3A_401 = arith.extui %sign3A_400 : vector<16xi1> to vector<16xi32>
      %sign3A_402 = arith.constant 0 : i32
      %sign3A_403 = vector.broadcast %sign3A_402 : i32 to vector<16xi32>
      %sign3A_404 = arith.cmpi slt, %select_n3A_341, %sign3A_403 : vector<16xi32>
      %sign3A_405 = arith.extui %sign3A_404 : vector<16xi1> to vector<16xi32>
      %sign3A_406 = arith.subi %sign3A_401, %sign3A_405 : vector<16xi32>
      %sign3A_407 = arith.constant 0 : i32
      %sign3A_408 = arith.cmpi sgt, %jit3A_395, %sign3A_407 : i32
      %sign3A_409 = arith.extui %sign3A_408 : i1 to i32
      %sign3A_410 = arith.constant 0 : i32
      %sign3A_411 = arith.cmpi slt, %jit3A_395, %sign3A_410 : i32
      %sign3A_412 = arith.extui %sign3A_411 : i1 to i32
      %sign3A_413 = arith.subi %sign3A_409, %sign3A_412 : i32
      %ne3A_414 = vector.broadcast %sign3A_413 : i32 to vector<16xi32>
      %ne3A_415 = arith.cmpi ne, %sign3A_406, %ne3A_414 : vector<16xi32>
      %rem3A_416 = vector.broadcast %jit3A_395 : i32 to vector<16xi32>
      %rem3A_417 = arith.remsi %select_n3A_341, %rem3A_416 : vector<16xi32>
      %ne3A_418 = arith.constant 0 : i32
      %ne3A_419 = vector.broadcast %ne3A_418 : i32 to vector<16xi32>
      %ne3A_420 = arith.cmpi ne, %rem3A_417, %ne3A_419 : vector<16xi32>
      %and3A_421 = arith.andi %ne3A_415, %ne3A_420 : vector<16xi1>
      %sub3A_422 = arith.constant 1 : i32
      %sub3A_423 = vector.broadcast %sub3A_422 : i32 to vector<16xi32>
      %sub3A_424 = arith.subi %div3A_397, %sub3A_423 : vector<16xi32>
      %select_n3A_425 = arith.select %and3A_421, %sub3A_424, %div3A_397 : vector<16xi1>, vector<16xi32>
      %jit3A_426 = arith.constant 128 : i32
      %eq3A_427 = arith.constant 0 : i32
      %eq3A_428 = arith.cmpi eq, %jit3A_426, %eq3A_427 : i32
      %jit3A_429 = arith.constant 1 : i32
      %select_n3A_430 = arith.select %eq3A_428, %jit3A_429, %jit3A_426 : i32
      %rem3A_431 = vector.broadcast %select_n3A_430 : i32 to vector<16xi32>
      %rem3A_432 = arith.remsi %select_n3A_341, %rem3A_431 : vector<16xi32>
      %ne3A_433 = arith.constant 0 : i32
      %ne3A_434 = vector.broadcast %ne3A_433 : i32 to vector<16xi32>
      %ne3A_435 = arith.cmpi ne, %rem3A_432, %ne3A_434 : vector<16xi32>
      %lt3A_436 = arith.constant 0 : i32
      %lt3A_437 = vector.broadcast %lt3A_436 : i32 to vector<16xi32>
      %lt3A_438 = arith.cmpi slt, %rem3A_432, %lt3A_437 : vector<16xi32>
      %lt3A_439 = arith.constant 0 : i32
      %lt3A_440 = arith.cmpi slt, %select_n3A_430, %lt3A_439 : i32
      %ne3A_441 = vector.broadcast %lt3A_440 : i1 to vector<16xi1>
      %ne3A_442 = vector.broadcast %ne3A_441 : vector<16xi1> to vector<16xi1>
      %ne3A_443 = arith.xori %lt3A_438, %ne3A_442 : vector<16xi1>
      %and3A_444 = arith.andi %ne3A_443, %ne3A_435 : vector<16xi1>
      %add3A_445 = vector.broadcast %select_n3A_430 : i32 to vector<16xi32>
      %add3A_446 = arith.addi %rem3A_432, %add3A_445 : vector<16xi32>
      %select_n3A_447 = arith.select %and3A_444, %add3A_446, %rem3A_432 : vector<16xi1>, vector<16xi32>
      tpu.vector_store_idx %arg9[%select_n3A_425, %select_n3A_447], %add3A_326 masked %and3A_329 : memref<33x128xi32, #tpu.memory_space<vmem>>[vector<16xi32>, vector<16xi32>], vector<16xi32>, vector<16xi1>
      %reduce_max3A_448 = arith.constant true
      %reduce_max3A_449 = vector.broadcast %reduce_max3A_448 : i1 to vector<16xi1>
      %reduce_max3A_450 = arith.constant -2147483648 : i32
      %reduce_max3A_451 = vector.broadcast %reduce_max3A_450 : i32 to vector<16xi32>
      %reduce_max3A_452 = arith.xori %masked_cumsum3A_333, %reduce_max3A_451 : vector<16xi32>
      %reduce_max3A_453 = tpu.scan <max>, %reduce_max3A_452 masked %reduce_max3A_449 : vector<16xi32>, vector<16xi1> -> vector<16xi32>
      %reduce_max3A_454 = arith.xori %reduce_max3A_453, %reduce_max3A_451 : vector<16xi32>
      %reduce_max3A_455 = vector.extract %reduce_max3A_454[15] : i32 from vector<16xi32>
      %add3A_456 = arith.addi %add3A_304, %reduce_max3A_455 : i32
      %scan3A_457 = arith.constant 3 : i32
      %scan3A_458 = arith.addi %scan3A_17, %scan3A_457 : i32
      %mul3A_459 = arith.constant 16 : i32
      %mul3A_460 = arith.muli %scan3A_458, %mul3A_459 : i32
      %get3A_461 = arith.index_cast %mul3A_460 : i32 to index
      %get3A_462 = tpu.vector_load %arg6[%get3A_461] {strides = array<i32>} : memref<4096xi32, #tpu.memory_space<vmem>>, vector<16xi32>,
      %sub3A_463 = vector.broadcast %mul3A_2 : i32 to vector<16xi32>
      %sub3A_464 = arith.subi %get3A_462, %sub3A_463 : vector<16xi32>
      %ge3A_465 = arith.constant 0 : i32
      %ge3A_466 = vector.broadcast %ge3A_465 : i32 to vector<16xi32>
      %ge3A_467 = arith.cmpi sge, %sub3A_464, %ge3A_466 : vector<16xi32>
      %lt3A_468 = arith.constant 3125 : i32
      %lt3A_469 = vector.broadcast %lt3A_468 : i32 to vector<16xi32>
      %lt3A_470 = arith.cmpi slt, %sub3A_464, %lt3A_469 : vector<16xi32>
      %and3A_471 = arith.andi %ge3A_467, %lt3A_470 : vector<16xi1>
      %jit3A_472 = arith.constant 0 : i32
      %broadcast_in_dim3A_473 = vector.broadcast %jit3A_472 : i32 to vector<16xi32>
      %select_n3A_474 = arith.select %and3A_471, %sub3A_464, %broadcast_in_dim3A_473 : vector<16xi1>, vector<16xi32>
      %mul3A_475 = arith.constant 16 : i32
      %mul3A_476 = arith.muli %scan3A_458, %mul3A_475 : i32
      %add3A_477 = vector.broadcast %mul3A_476 : i32 to vector<16xi32>
      %add3A_478 = arith.addi %add3A_477, %iota3A : vector<16xi32>
      %gather3A_479 = tpu.vector_load_idx %arg7[%select_n3A_474] masked %and3A_471 : memref<3125xi32, #tpu.memory_space<vmem>>[vector<16xi32>], vector<16xi32>, vector<16xi1>
      %eq3A_480 = arith.cmpi eq, %gather3A_479, %add3A_478 : vector<16xi32>
      %and3A_481 = arith.andi %and3A_471, %eq3A_480 : vector<16xi1>
      %convert_element_type3A_482 = arith.extui %and3A_481 : vector<16xi1> to vector<16xi32>
      %broadcast_in_dim3A_483 = arith.constant true
      %broadcast_in_dim3A_484 = vector.broadcast %broadcast_in_dim3A_483 : i1 to vector<16xi1>
      %masked_cumsum3A_485 = tpu.scan <sum>, %convert_element_type3A_482 masked %broadcast_in_dim3A_484 : vector<16xi32>, vector<16xi1> -> vector<16xi32>
      %add3A_486 = vector.broadcast %add3A_456 : i32 to vector<16xi32>
      %add3A_487 = arith.addi %add3A_486, %masked_cumsum3A_485 : vector<16xi32>
      %sub3A_488 = arith.constant 1 : i32
      %sub3A_489 = vector.broadcast %sub3A_488 : i32 to vector<16xi32>
      %sub3A_490 = arith.subi %add3A_487, %sub3A_489 : vector<16xi32>
      %jit3A_491 = arith.constant 0 : i32
      %broadcast_in_dim3A_492 = vector.broadcast %jit3A_491 : i32 to vector<16xi32>
      %select_n3A_493 = arith.select %and3A_481, %sub3A_490, %broadcast_in_dim3A_492 : vector<16xi1>, vector<16xi32>
      %jit3A_494 = arith.constant 128 : i32
      %div3A_495 = vector.broadcast %jit3A_494 : i32 to vector<16xi32>
      %div3A_496 = arith.divsi %select_n3A_493, %div3A_495 : vector<16xi32>
      %sign3A_497 = arith.constant 0 : i32
      %sign3A_498 = vector.broadcast %sign3A_497 : i32 to vector<16xi32>
      %sign3A_499 = arith.cmpi sgt, %select_n3A_493, %sign3A_498 : vector<16xi32>
      %sign3A_500 = arith.extui %sign3A_499 : vector<16xi1> to vector<16xi32>
      %sign3A_501 = arith.constant 0 : i32
      %sign3A_502 = vector.broadcast %sign3A_501 : i32 to vector<16xi32>
      %sign3A_503 = arith.cmpi slt, %select_n3A_493, %sign3A_502 : vector<16xi32>
      %sign3A_504 = arith.extui %sign3A_503 : vector<16xi1> to vector<16xi32>
      %sign3A_505 = arith.subi %sign3A_500, %sign3A_504 : vector<16xi32>
      %sign3A_506 = arith.constant 0 : i32
      %sign3A_507 = arith.cmpi sgt, %jit3A_494, %sign3A_506 : i32
      %sign3A_508 = arith.extui %sign3A_507 : i1 to i32
      %sign3A_509 = arith.constant 0 : i32
      %sign3A_510 = arith.cmpi slt, %jit3A_494, %sign3A_509 : i32
      %sign3A_511 = arith.extui %sign3A_510 : i1 to i32
      %sign3A_512 = arith.subi %sign3A_508, %sign3A_511 : i32
      %ne3A_513 = vector.broadcast %sign3A_512 : i32 to vector<16xi32>
      %ne3A_514 = arith.cmpi ne, %sign3A_505, %ne3A_513 : vector<16xi32>
      %rem3A_515 = vector.broadcast %jit3A_494 : i32 to vector<16xi32>
      %rem3A_516 = arith.remsi %select_n3A_493, %rem3A_515 : vector<16xi32>
      %ne3A_517 = arith.constant 0 : i32
      %ne3A_518 = vector.broadcast %ne3A_517 : i32 to vector<16xi32>
      %ne3A_519 = arith.cmpi ne, %rem3A_516, %ne3A_518 : vector<16xi32>
      %and3A_520 = arith.andi %ne3A_514, %ne3A_519 : vector<16xi1>
      %sub3A_521 = arith.constant 1 : i32
      %sub3A_522 = vector.broadcast %sub3A_521 : i32 to vector<16xi32>
      %sub3A_523 = arith.subi %div3A_496, %sub3A_522 : vector<16xi32>
      %select_n3A_524 = arith.select %and3A_520, %sub3A_523, %div3A_496 : vector<16xi1>, vector<16xi32>
      %jit3A_525 = arith.constant 128 : i32
      %eq3A_526 = arith.constant 0 : i32
      %eq3A_527 = arith.cmpi eq, %jit3A_525, %eq3A_526 : i32
      %jit3A_528 = arith.constant 1 : i32
      %select_n3A_529 = arith.select %eq3A_527, %jit3A_528, %jit3A_525 : i32
      %rem3A_530 = vector.broadcast %select_n3A_529 : i32 to vector<16xi32>
      %rem3A_531 = arith.remsi %select_n3A_493, %rem3A_530 : vector<16xi32>
      %ne3A_532 = arith.constant 0 : i32
      %ne3A_533 = vector.broadcast %ne3A_532 : i32 to vector<16xi32>
      %ne3A_534 = arith.cmpi ne, %rem3A_531, %ne3A_533 : vector<16xi32>
      %lt3A_535 = arith.constant 0 : i32
      %lt3A_536 = vector.broadcast %lt3A_535 : i32 to vector<16xi32>
      %lt3A_537 = arith.cmpi slt, %rem3A_531, %lt3A_536 : vector<16xi32>
      %lt3A_538 = arith.constant 0 : i32
      %lt3A_539 = arith.cmpi slt, %select_n3A_529, %lt3A_538 : i32
      %ne3A_540 = vector.broadcast %lt3A_539 : i1 to vector<16xi1>
      %ne3A_541 = vector.broadcast %ne3A_540 : vector<16xi1> to vector<16xi1>
      %ne3A_542 = arith.xori %lt3A_537, %ne3A_541 : vector<16xi1>
      %and3A_543 = arith.andi %ne3A_542, %ne3A_534 : vector<16xi1>
      %add3A_544 = vector.broadcast %select_n3A_529 : i32 to vector<16xi32>
      %add3A_545 = arith.addi %rem3A_531, %add3A_544 : vector<16xi32>
      %select_n3A_546 = arith.select %and3A_543, %add3A_545, %rem3A_531 : vector<16xi1>, vector<16xi32>
      tpu.vector_store_idx %arg8[%select_n3A_524, %select_n3A_546], %get3A_462 masked %and3A_481 : memref<33x128xi32, #tpu.memory_space<vmem>>[vector<16xi32>, vector<16xi32>], vector<16xi32>, vector<16xi1>
      %jit3A_547 = arith.constant 128 : i32
      %div3A_548 = vector.broadcast %jit3A_547 : i32 to vector<16xi32>
      %div3A_549 = arith.divsi %select_n3A_493, %div3A_548 : vector<16xi32>
      %sign3A_550 = arith.constant 0 : i32
      %sign3A_551 = vector.broadcast %sign3A_550 : i32 to vector<16xi32>
      %sign3A_552 = arith.cmpi sgt, %select_n3A_493, %sign3A_551 : vector<16xi32>
      %sign3A_553 = arith.extui %sign3A_552 : vector<16xi1> to vector<16xi32>
      %sign3A_554 = arith.constant 0 : i32
      %sign3A_555 = vector.broadcast %sign3A_554 : i32 to vector<16xi32>
      %sign3A_556 = arith.cmpi slt, %select_n3A_493, %sign3A_555 : vector<16xi32>
      %sign3A_557 = arith.extui %sign3A_556 : vector<16xi1> to vector<16xi32>
      %sign3A_558 = arith.subi %sign3A_553, %sign3A_557 : vector<16xi32>
      %sign3A_559 = arith.constant 0 : i32
      %sign3A_560 = arith.cmpi sgt, %jit3A_547, %sign3A_559 : i32
      %sign3A_561 = arith.extui %sign3A_560 : i1 to i32
      %sign3A_562 = arith.constant 0 : i32
      %sign3A_563 = arith.cmpi slt, %jit3A_547, %sign3A_562 : i32
      %sign3A_564 = arith.extui %sign3A_563 : i1 to i32
      %sign3A_565 = arith.subi %sign3A_561, %sign3A_564 : i32
      %ne3A_566 = vector.broadcast %sign3A_565 : i32 to vector<16xi32>
      %ne3A_567 = arith.cmpi ne, %sign3A_558, %ne3A_566 : vector<16xi32>
      %rem3A_568 = vector.broadcast %jit3A_547 : i32 to vector<16xi32>
      %rem3A_569 = arith.remsi %select_n3A_493, %rem3A_568 : vector<16xi32>
      %ne3A_570 = arith.constant 0 : i32
      %ne3A_571 = vector.broadcast %ne3A_570 : i32 to vector<16xi32>
      %ne3A_572 = arith.cmpi ne, %rem3A_569, %ne3A_571 : vector<16xi32>
      %and3A_573 = arith.andi %ne3A_567, %ne3A_572 : vector<16xi1>
      %sub3A_574 = arith.constant 1 : i32
      %sub3A_575 = vector.broadcast %sub3A_574 : i32 to vector<16xi32>
      %sub3A_576 = arith.subi %div3A_549, %sub3A_575 : vector<16xi32>
      %select_n3A_577 = arith.select %and3A_573, %sub3A_576, %div3A_549 : vector<16xi1>, vector<16xi32>
      %jit3A_578 = arith.constant 128 : i32
      %eq3A_579 = arith.constant 0 : i32
      %eq3A_580 = arith.cmpi eq, %jit3A_578, %eq3A_579 : i32
      %jit3A_581 = arith.constant 1 : i32
      %select_n3A_582 = arith.select %eq3A_580, %jit3A_581, %jit3A_578 : i32
      %rem3A_583 = vector.broadcast %select_n3A_582 : i32 to vector<16xi32>
      %rem3A_584 = arith.remsi %select_n3A_493, %rem3A_583 : vector<16xi32>
      %ne3A_585 = arith.constant 0 : i32
      %ne3A_586 = vector.broadcast %ne3A_585 : i32 to vector<16xi32>
      %ne3A_587 = arith.cmpi ne, %rem3A_584, %ne3A_586 : vector<16xi32>
      %lt3A_588 = arith.constant 0 : i32
      %lt3A_589 = vector.broadcast %lt3A_588 : i32 to vector<16xi32>
      %lt3A_590 = arith.cmpi slt, %rem3A_584, %lt3A_589 : vector<16xi32>
      %lt3A_591 = arith.constant 0 : i32
      %lt3A_592 = arith.cmpi slt, %select_n3A_582, %lt3A_591 : i32
      %ne3A_593 = vector.broadcast %lt3A_592 : i1 to vector<16xi1>
      %ne3A_594 = vector.broadcast %ne3A_593 : vector<16xi1> to vector<16xi1>
      %ne3A_595 = arith.xori %lt3A_590, %ne3A_594 : vector<16xi1>
      %and3A_596 = arith.andi %ne3A_595, %ne3A_587 : vector<16xi1>
      %add3A_597 = vector.broadcast %select_n3A_582 : i32 to vector<16xi32>
      %add3A_598 = arith.addi %rem3A_584, %add3A_597 : vector<16xi32>
      %select_n3A_599 = arith.select %and3A_596, %add3A_598, %rem3A_584 : vector<16xi1>, vector<16xi32>
      tpu.vector_store_idx %arg9[%select_n3A_577, %select_n3A_599], %add3A_478 masked %and3A_481 : memref<33x128xi32, #tpu.memory_space<vmem>>[vector<16xi32>, vector<16xi32>], vector<16xi32>, vector<16xi1>
      %reduce_max3A_600 = arith.constant true
      %reduce_max3A_601 = vector.broadcast %reduce_max3A_600 : i1 to vector<16xi1>
      %reduce_max3A_602 = arith.constant -2147483648 : i32
      %reduce_max3A_603 = vector.broadcast %reduce_max3A_602 : i32 to vector<16xi32>
      %reduce_max3A_604 = arith.xori %masked_cumsum3A_485, %reduce_max3A_603 : vector<16xi32>
      %reduce_max3A_605 = tpu.scan <max>, %reduce_max3A_604 masked %reduce_max3A_601 : vector<16xi32>, vector<16xi1> -> vector<16xi32>
      %reduce_max3A_606 = arith.xori %reduce_max3A_605, %reduce_max3A_603 : vector<16xi32>
      %reduce_max3A_607 = vector.extract %reduce_max3A_606[15] : i32 from vector<16xi32>
      %add3A_608 = arith.addi %add3A_456, %reduce_max3A_607 : i32
      %scan3A_609 = arith.constant 4 : i32
      %scan3A_610 = arith.addi %scan3A_17, %scan3A_609 : i32
      %mul3A_611 = arith.constant 16 : i32
      %mul3A_612 = arith.muli %scan3A_610, %mul3A_611 : i32
      %get3A_613 = arith.index_cast %mul3A_612 : i32 to index
      %get3A_614 = tpu.vector_load %arg6[%get3A_613] {strides = array<i32>} : memref<4096xi32, #tpu.memory_space<vmem>>, vector<16xi32>,
      %sub3A_615 = vector.broadcast %mul3A_2 : i32 to vector<16xi32>
      %sub3A_616 = arith.subi %get3A_614, %sub3A_615 : vector<16xi32>
      %ge3A_617 = arith.constant 0 : i32
      %ge3A_618 = vector.broadcast %ge3A_617 : i32 to vector<16xi32>
      %ge3A_619 = arith.cmpi sge, %sub3A_616, %ge3A_618 : vector<16xi32>
      %lt3A_620 = arith.constant 3125 : i32
      %lt3A_621 = vector.broadcast %lt3A_620 : i32 to vector<16xi32>
      %lt3A_622 = arith.cmpi slt, %sub3A_616, %lt3A_621 : vector<16xi32>
      %and3A_623 = arith.andi %ge3A_619, %lt3A_622 : vector<16xi1>
      %jit3A_624 = arith.constant 0 : i32
      %broadcast_in_dim3A_625 = vector.broadcast %jit3A_624 : i32 to vector<16xi32>
      %select_n3A_626 = arith.select %and3A_623, %sub3A_616, %broadcast_in_dim3A_625 : vector<16xi1>, vector<16xi32>
      %mul3A_627 = arith.constant 16 : i32
      %mul3A_628 = arith.muli %scan3A_610, %mul3A_627 : i32
      %add3A_629 = vector.broadcast %mul3A_628 : i32 to vector<16xi32>
      %add3A_630 = arith.addi %add3A_629, %iota3A : vector<16xi32>
      %gather3A_631 = tpu.vector_load_idx %arg7[%select_n3A_626] masked %and3A_623 : memref<3125xi32, #tpu.memory_space<vmem>>[vector<16xi32>], vector<16xi32>, vector<16xi1>
      %eq3A_632 = arith.cmpi eq, %gather3A_631, %add3A_630 : vector<16xi32>
      %and3A_633 = arith.andi %and3A_623, %eq3A_632 : vector<16xi1>
      %convert_element_type3A_634 = arith.extui %and3A_633 : vector<16xi1> to vector<16xi32>
      %broadcast_in_dim3A_635 = arith.constant true
      %broadcast_in_dim3A_636 = vector.broadcast %broadcast_in_dim3A_635 : i1 to vector<16xi1>
      %masked_cumsum3A_637 = tpu.scan <sum>, %convert_element_type3A_634 masked %broadcast_in_dim3A_636 : vector<16xi32>, vector<16xi1> -> vector<16xi32>
      %add3A_638 = vector.broadcast %add3A_608 : i32 to vector<16xi32>
      %add3A_639 = arith.addi %add3A_638, %masked_cumsum3A_637 : vector<16xi32>
      %sub3A_640 = arith.constant 1 : i32
      %sub3A_641 = vector.broadcast %sub3A_640 : i32 to vector<16xi32>
      %sub3A_642 = arith.subi %add3A_639, %sub3A_641 : vector<16xi32>
      %jit3A_643 = arith.constant 0 : i32
      %broadcast_in_dim3A_644 = vector.broadcast %jit3A_643 : i32 to vector<16xi32>
      %select_n3A_645 = arith.select %and3A_633, %sub3A_642, %broadcast_in_dim3A_644 : vector<16xi1>, vector<16xi32>
      %jit3A_646 = arith.constant 128 : i32
      %div3A_647 = vector.broadcast %jit3A_646 : i32 to vector<16xi32>
      %div3A_648 = arith.divsi %select_n3A_645, %div3A_647 : vector<16xi32>
      %sign3A_649 = arith.constant 0 : i32
      %sign3A_650 = vector.broadcast %sign3A_649 : i32 to vector<16xi32>
      %sign3A_651 = arith.cmpi sgt, %select_n3A_645, %sign3A_650 : vector<16xi32>
      %sign3A_652 = arith.extui %sign3A_651 : vector<16xi1> to vector<16xi32>
      %sign3A_653 = arith.constant 0 : i32
      %sign3A_654 = vector.broadcast %sign3A_653 : i32 to vector<16xi32>
      %sign3A_655 = arith.cmpi slt, %select_n3A_645, %sign3A_654 : vector<16xi32>
      %sign3A_656 = arith.extui %sign3A_655 : vector<16xi1> to vector<16xi32>
      %sign3A_657 = arith.subi %sign3A_652, %sign3A_656 : vector<16xi32>
      %sign3A_658 = arith.constant 0 : i32
      %sign3A_659 = arith.cmpi sgt, %jit3A_646, %sign3A_658 : i32
      %sign3A_660 = arith.extui %sign3A_659 : i1 to i32
      %sign3A_661 = arith.constant 0 : i32
      %sign3A_662 = arith.cmpi slt, %jit3A_646, %sign3A_661 : i32
      %sign3A_663 = arith.extui %sign3A_662 : i1 to i32
      %sign3A_664 = arith.subi %sign3A_660, %sign3A_663 : i32
      %ne3A_665 = vector.broadcast %sign3A_664 : i32 to vector<16xi32>
      %ne3A_666 = arith.cmpi ne, %sign3A_657, %ne3A_665 : vector<16xi32>
      %rem3A_667 = vector.broadcast %jit3A_646 : i32 to vector<16xi32>
      %rem3A_668 = arith.remsi %select_n3A_645, %rem3A_667 : vector<16xi32>
      %ne3A_669 = arith.constant 0 : i32
      %ne3A_670 = vector.broadcast %ne3A_669 : i32 to vector<16xi32>
      %ne3A_671 = arith.cmpi ne, %rem3A_668, %ne3A_670 : vector<16xi32>
      %and3A_672 = arith.andi %ne3A_666, %ne3A_671 : vector<16xi1>
      %sub3A_673 = arith.constant 1 : i32
      %sub3A_674 = vector.broadcast %sub3A_673 : i32 to vector<16xi32>
      %sub3A_675 = arith.subi %div3A_648, %sub3A_674 : vector<16xi32>
      %select_n3A_676 = arith.select %and3A_672, %sub3A_675, %div3A_648 : vector<16xi1>, vector<16xi32>
      %jit3A_677 = arith.constant 128 : i32
      %eq3A_678 = arith.constant 0 : i32
      %eq3A_679 = arith.cmpi eq, %jit3A_677, %eq3A_678 : i32
      %jit3A_680 = arith.constant 1 : i32
      %select_n3A_681 = arith.select %eq3A_679, %jit3A_680, %jit3A_677 : i32
      %rem3A_682 = vector.broadcast %select_n3A_681 : i32 to vector<16xi32>
      %rem3A_683 = arith.remsi %select_n3A_645, %rem3A_682 : vector<16xi32>
      %ne3A_684 = arith.constant 0 : i32
      %ne3A_685 = vector.broadcast %ne3A_684 : i32 to vector<16xi32>
      %ne3A_686 = arith.cmpi ne, %rem3A_683, %ne3A_685 : vector<16xi32>
      %lt3A_687 = arith.constant 0 : i32
      %lt3A_688 = vector.broadcast %lt3A_687 : i32 to vector<16xi32>
      %lt3A_689 = arith.cmpi slt, %rem3A_683, %lt3A_688 : vector<16xi32>
      %lt3A_690 = arith.constant 0 : i32
      %lt3A_691 = arith.cmpi slt, %select_n3A_681, %lt3A_690 : i32
      %ne3A_692 = vector.broadcast %lt3A_691 : i1 to vector<16xi1>
      %ne3A_693 = vector.broadcast %ne3A_692 : vector<16xi1> to vector<16xi1>
      %ne3A_694 = arith.xori %lt3A_689, %ne3A_693 : vector<16xi1>
      %and3A_695 = arith.andi %ne3A_694, %ne3A_686 : vector<16xi1>
      %add3A_696 = vector.broadcast %select_n3A_681 : i32 to vector<16xi32>
      %add3A_697 = arith.addi %rem3A_683, %add3A_696 : vector<16xi32>
      %select_n3A_698 = arith.select %and3A_695, %add3A_697, %rem3A_683 : vector<16xi1>, vector<16xi32>
      tpu.vector_store_idx %arg8[%select_n3A_676, %select_n3A_698], %get3A_614 masked %and3A_633 : memref<33x128xi32, #tpu.memory_space<vmem>>[vector<16xi32>, vector<16xi32>], vector<16xi32>, vector<16xi1>
      %jit3A_699 = arith.constant 128 : i32
      %div3A_700 = vector.broadcast %jit3A_699 : i32 to vector<16xi32>
      %div3A_701 = arith.divsi %select_n3A_645, %div3A_700 : vector<16xi32>
      %sign3A_702 = arith.constant 0 : i32
      %sign3A_703 = vector.broadcast %sign3A_702 : i32 to vector<16xi32>
      %sign3A_704 = arith.cmpi sgt, %select_n3A_645, %sign3A_703 : vector<16xi32>
      %sign3A_705 = arith.extui %sign3A_704 : vector<16xi1> to vector<16xi32>
      %sign3A_706 = arith.constant 0 : i32
      %sign3A_707 = vector.broadcast %sign3A_706 : i32 to vector<16xi32>
      %sign3A_708 = arith.cmpi slt, %select_n3A_645, %sign3A_707 : vector<16xi32>
      %sign3A_709 = arith.extui %sign3A_708 : vector<16xi1> to vector<16xi32>
      %sign3A_710 = arith.subi %sign3A_705, %sign3A_709 : vector<16xi32>
      %sign3A_711 = arith.constant 0 : i32
      %sign3A_712 = arith.cmpi sgt, %jit3A_699, %sign3A_711 : i32
      %sign3A_713 = arith.extui %sign3A_712 : i1 to i32
      %sign3A_714 = arith.constant 0 : i32
      %sign3A_715 = arith.cmpi slt, %jit3A_699, %sign3A_714 : i32
      %sign3A_716 = arith.extui %sign3A_715 : i1 to i32
      %sign3A_717 = arith.subi %sign3A_713, %sign3A_716 : i32
      %ne3A_718 = vector.broadcast %sign3A_717 : i32 to vector<16xi32>
      %ne3A_719 = arith.cmpi ne, %sign3A_710, %ne3A_718 : vector<16xi32>
      %rem3A_720 = vector.broadcast %jit3A_699 : i32 to vector<16xi32>
      %rem3A_721 = arith.remsi %select_n3A_645, %rem3A_720 : vector<16xi32>
      %ne3A_722 = arith.constant 0 : i32
      %ne3A_723 = vector.broadcast %ne3A_722 : i32 to vector<16xi32>
      %ne3A_724 = arith.cmpi ne, %rem3A_721, %ne3A_723 : vector<16xi32>
      %and3A_725 = arith.andi %ne3A_719, %ne3A_724 : vector<16xi1>
      %sub3A_726 = arith.constant 1 : i32
      %sub3A_727 = vector.broadcast %sub3A_726 : i32 to vector<16xi32>
      %sub3A_728 = arith.subi %div3A_701, %sub3A_727 : vector<16xi32>
      %select_n3A_729 = arith.select %and3A_725, %sub3A_728, %div3A_701 : vector<16xi1>, vector<16xi32>
      %jit3A_730 = arith.constant 128 : i32
      %eq3A_731 = arith.constant 0 : i32
      %eq3A_732 = arith.cmpi eq, %jit3A_730, %eq3A_731 : i32
      %jit3A_733 = arith.constant 1 : i32
      %select_n3A_734 = arith.select %eq3A_732, %jit3A_733, %jit3A_730 : i32
      %rem3A_735 = vector.broadcast %select_n3A_734 : i32 to vector<16xi32>
      %rem3A_736 = arith.remsi %select_n3A_645, %rem3A_735 : vector<16xi32>
      %ne3A_737 = arith.constant 0 : i32
      %ne3A_738 = vector.broadcast %ne3A_737 : i32 to vector<16xi32>
      %ne3A_739 = arith.cmpi ne, %rem3A_736, %ne3A_738 : vector<16xi32>
      %lt3A_740 = arith.constant 0 : i32
      %lt3A_741 = vector.broadcast %lt3A_740 : i32 to vector<16xi32>
      %lt3A_742 = arith.cmpi slt, %rem3A_736, %lt3A_741 : vector<16xi32>
      %lt3A_743 = arith.constant 0 : i32
      %lt3A_744 = arith.cmpi slt, %select_n3A_734, %lt3A_743 : i32
      %ne3A_745 = vector.broadcast %lt3A_744 : i1 to vector<16xi1>
      %ne3A_746 = vector.broadcast %ne3A_745 : vector<16xi1> to vector<16xi1>
      %ne3A_747 = arith.xori %lt3A_742, %ne3A_746 : vector<16xi1>
      %and3A_748 = arith.andi %ne3A_747, %ne3A_739 : vector<16xi1>
      %add3A_749 = vector.broadcast %select_n3A_734 : i32 to vector<16xi32>
      %add3A_750 = arith.addi %rem3A_736, %add3A_749 : vector<16xi32>
      %select_n3A_751 = arith.select %and3A_748, %add3A_750, %rem3A_736 : vector<16xi1>, vector<16xi32>
      tpu.vector_store_idx %arg9[%select_n3A_729, %select_n3A_751], %add3A_630 masked %and3A_633 : memref<33x128xi32, #tpu.memory_space<vmem>>[vector<16xi32>, vector<16xi32>], vector<16xi32>, vector<16xi1>
      %reduce_max3A_752 = arith.constant true
      %reduce_max3A_753 = vector.broadcast %reduce_max3A_752 : i1 to vector<16xi1>
      %reduce_max3A_754 = arith.constant -2147483648 : i32
      %reduce_max3A_755 = vector.broadcast %reduce_max3A_754 : i32 to vector<16xi32>
      %reduce_max3A_756 = arith.xori %masked_cumsum3A_637, %reduce_max3A_755 : vector<16xi32>
      %reduce_max3A_757 = tpu.scan <max>, %reduce_max3A_756 masked %reduce_max3A_753 : vector<16xi32>, vector<16xi1> -> vector<16xi32>
      %reduce_max3A_758 = arith.xori %reduce_max3A_757, %reduce_max3A_755 : vector<16xi32>
      %reduce_max3A_759 = vector.extract %reduce_max3A_758[15] : i32 from vector<16xi32>
      %add3A_760 = arith.addi %add3A_608, %reduce_max3A_759 : i32
      %scan3A_761 = arith.constant 5 : i32
      %scan3A_762 = arith.addi %scan3A_17, %scan3A_761 : i32
      %mul3A_763 = arith.constant 16 : i32
      %mul3A_764 = arith.muli %scan3A_762, %mul3A_763 : i32
      %get3A_765 = arith.index_cast %mul3A_764 : i32 to index
      %get3A_766 = tpu.vector_load %arg6[%get3A_765] {strides = array<i32>} : memref<4096xi32, #tpu.memory_space<vmem>>, vector<16xi32>,
      %sub3A_767 = vector.broadcast %mul3A_2 : i32 to vector<16xi32>
      %sub3A_768 = arith.subi %get3A_766, %sub3A_767 : vector<16xi32>
      %ge3A_769 = arith.constant 0 : i32
      %ge3A_770 = vector.broadcast %ge3A_769 : i32 to vector<16xi32>
      %ge3A_771 = arith.cmpi sge, %sub3A_768, %ge3A_770 : vector<16xi32>
      %lt3A_772 = arith.constant 3125 : i32
      %lt3A_773 = vector.broadcast %lt3A_772 : i32 to vector<16xi32>
      %lt3A_774 = arith.cmpi slt, %sub3A_768, %lt3A_773 : vector<16xi32>
      %and3A_775 = arith.andi %ge3A_771, %lt3A_774 : vector<16xi1>
      %jit3A_776 = arith.constant 0 : i32
      %broadcast_in_dim3A_777 = vector.broadcast %jit3A_776 : i32 to vector<16xi32>
      %select_n3A_778 = arith.select %and3A_775, %sub3A_768, %broadcast_in_dim3A_777 : vector<16xi1>, vector<16xi32>
      %mul3A_779 = arith.constant 16 : i32
      %mul3A_780 = arith.muli %scan3A_762, %mul3A_779 : i32
      %add3A_781 = vector.broadcast %mul3A_780 : i32 to vector<16xi32>
      %add3A_782 = arith.addi %add3A_781, %iota3A : vector<16xi32>
      %gather3A_783 = tpu.vector_load_idx %arg7[%select_n3A_778] masked %and3A_775 : memref<3125xi32, #tpu.memory_space<vmem>>[vector<16xi32>], vector<16xi32>, vector<16xi1>
      %eq3A_784 = arith.cmpi eq, %gather3A_783, %add3A_782 : vector<16xi32>
      %and3A_785 = arith.andi %and3A_775, %eq3A_784 : vector<16xi1>
      %convert_element_type3A_786 = arith.extui %and3A_785 : vector<16xi1> to vector<16xi32>
      %broadcast_in_dim3A_787 = arith.constant true
      %broadcast_in_dim3A_788 = vector.broadcast %broadcast_in_dim3A_787 : i1 to vector<16xi1>
      %masked_cumsum3A_789 = tpu.scan <sum>, %convert_element_type3A_786 masked %broadcast_in_dim3A_788 : vector<16xi32>, vector<16xi1> -> vector<16xi32>
      %add3A_790 = vector.broadcast %add3A_760 : i32 to vector<16xi32>
      %add3A_791 = arith.addi %add3A_790, %masked_cumsum3A_789 : vector<16xi32>
      %sub3A_792 = arith.constant 1 : i32
      %sub3A_793 = vector.broadcast %sub3A_792 : i32 to vector<16xi32>
      %sub3A_794 = arith.subi %add3A_791, %sub3A_793 : vector<16xi32>
      %jit3A_795 = arith.constant 0 : i32
      %broadcast_in_dim3A_796 = vector.broadcast %jit3A_795 : i32 to vector<16xi32>
      %select_n3A_797 = arith.select %and3A_785, %sub3A_794, %broadcast_in_dim3A_796 : vector<16xi1>, vector<16xi32>
      %jit3A_798 = arith.constant 128 : i32
      %div3A_799 = vector.broadcast %jit3A_798 : i32 to vector<16xi32>
      %div3A_800 = arith.divsi %select_n3A_797, %div3A_799 : vector<16xi32>
      %sign3A_801 = arith.constant 0 : i32
      %sign3A_802 = vector.broadcast %sign3A_801 : i32 to vector<16xi32>
      %sign3A_803 = arith.cmpi sgt, %select_n3A_797, %sign3A_802 : vector<16xi32>
      %sign3A_804 = arith.extui %sign3A_803 : vector<16xi1> to vector<16xi32>
      %sign3A_805 = arith.constant 0 : i32
      %sign3A_806 = vector.broadcast %sign3A_805 : i32 to vector<16xi32>
      %sign3A_807 = arith.cmpi slt, %select_n3A_797, %sign3A_806 : vector<16xi32>
      %sign3A_808 = arith.extui %sign3A_807 : vector<16xi1> to vector<16xi32>
      %sign3A_809 = arith.subi %sign3A_804, %sign3A_808 : vector<16xi32>
      %sign3A_810 = arith.constant 0 : i32
      %sign3A_811 = arith.cmpi sgt, %jit3A_798, %sign3A_810 : i32
      %sign3A_812 = arith.extui %sign3A_811 : i1 to i32
      %sign3A_813 = arith.constant 0 : i32
      %sign3A_814 = arith.cmpi slt, %jit3A_798, %sign3A_813 : i32
      %sign3A_815 = arith.extui %sign3A_814 : i1 to i32
      %sign3A_816 = arith.subi %sign3A_812, %sign3A_815 : i32
      %ne3A_817 = vector.broadcast %sign3A_816 : i32 to vector<16xi32>
      %ne3A_818 = arith.cmpi ne, %sign3A_809, %ne3A_817 : vector<16xi32>
      %rem3A_819 = vector.broadcast %jit3A_798 : i32 to vector<16xi32>
      %rem3A_820 = arith.remsi %select_n3A_797, %rem3A_819 : vector<16xi32>
      %ne3A_821 = arith.constant 0 : i32
      %ne3A_822 = vector.broadcast %ne3A_821 : i32 to vector<16xi32>
      %ne3A_823 = arith.cmpi ne, %rem3A_820, %ne3A_822 : vector<16xi32>
      %and3A_824 = arith.andi %ne3A_818, %ne3A_823 : vector<16xi1>
      %sub3A_825 = arith.constant 1 : i32
      %sub3A_826 = vector.broadcast %sub3A_825 : i32 to vector<16xi32>
      %sub3A_827 = arith.subi %div3A_800, %sub3A_826 : vector<16xi32>
      %select_n3A_828 = arith.select %and3A_824, %sub3A_827, %div3A_800 : vector<16xi1>, vector<16xi32>
      %jit3A_829 = arith.constant 128 : i32
      %eq3A_830 = arith.constant 0 : i32
      %eq3A_831 = arith.cmpi eq, %jit3A_829, %eq3A_830 : i32
      %jit3A_832 = arith.constant 1 : i32
      %select_n3A_833 = arith.select %eq3A_831, %jit3A_832, %jit3A_829 : i32
      %rem3A_834 = vector.broadcast %select_n3A_833 : i32 to vector<16xi32>
      %rem3A_835 = arith.remsi %select_n3A_797, %rem3A_834 : vector<16xi32>
      %ne3A_836 = arith.constant 0 : i32
      %ne3A_837 = vector.broadcast %ne3A_836 : i32 to vector<16xi32>
      %ne3A_838 = arith.cmpi ne, %rem3A_835, %ne3A_837 : vector<16xi32>
      %lt3A_839 = arith.constant 0 : i32
      %lt3A_840 = vector.broadcast %lt3A_839 : i32 to vector<16xi32>
      %lt3A_841 = arith.cmpi slt, %rem3A_835, %lt3A_840 : vector<16xi32>
      %lt3A_842 = arith.constant 0 : i32
      %lt3A_843 = arith.cmpi slt, %select_n3A_833, %lt3A_842 : i32
      %ne3A_844 = vector.broadcast %lt3A_843 : i1 to vector<16xi1>
      %ne3A_845 = vector.broadcast %ne3A_844 : vector<16xi1> to vector<16xi1>
      %ne3A_846 = arith.xori %lt3A_841, %ne3A_845 : vector<16xi1>
      %and3A_847 = arith.andi %ne3A_846, %ne3A_838 : vector<16xi1>
      %add3A_848 = vector.broadcast %select_n3A_833 : i32 to vector<16xi32>
      %add3A_849 = arith.addi %rem3A_835, %add3A_848 : vector<16xi32>
      %select_n3A_850 = arith.select %and3A_847, %add3A_849, %rem3A_835 : vector<16xi1>, vector<16xi32>
      tpu.vector_store_idx %arg8[%select_n3A_828, %select_n3A_850], %get3A_766 masked %and3A_785 : memref<33x128xi32, #tpu.memory_space<vmem>>[vector<16xi32>, vector<16xi32>], vector<16xi32>, vector<16xi1>
      %jit3A_851 = arith.constant 128 : i32
      %div3A_852 = vector.broadcast %jit3A_851 : i32 to vector<16xi32>
      %div3A_853 = arith.divsi %select_n3A_797, %div3A_852 : vector<16xi32>
      %sign3A_854 = arith.constant 0 : i32
      %sign3A_855 = vector.broadcast %sign3A_854 : i32 to vector<16xi32>
      %sign3A_856 = arith.cmpi sgt, %select_n3A_797, %sign3A_855 : vector<16xi32>
      %sign3A_857 = arith.extui %sign3A_856 : vector<16xi1> to vector<16xi32>
      %sign3A_858 = arith.constant 0 : i32
      %sign3A_859 = vector.broadcast %sign3A_858 : i32 to vector<16xi32>
      %sign3A_860 = arith.cmpi slt, %select_n3A_797, %sign3A_859 : vector<16xi32>
      %sign3A_861 = arith.extui %sign3A_860 : vector<16xi1> to vector<16xi32>
      %sign3A_862 = arith.subi %sign3A_857, %sign3A_861 : vector<16xi32>
      %sign3A_863 = arith.constant 0 : i32
      %sign3A_864 = arith.cmpi sgt, %jit3A_851, %sign3A_863 : i32
      %sign3A_865 = arith.extui %sign3A_864 : i1 to i32
      %sign3A_866 = arith.constant 0 : i32
      %sign3A_867 = arith.cmpi slt, %jit3A_851, %sign3A_866 : i32
      %sign3A_868 = arith.extui %sign3A_867 : i1 to i32
      %sign3A_869 = arith.subi %sign3A_865, %sign3A_868 : i32
      %ne3A_870 = vector.broadcast %sign3A_869 : i32 to vector<16xi32>
      %ne3A_871 = arith.cmpi ne, %sign3A_862, %ne3A_870 : vector<16xi32>
      %rem3A_872 = vector.broadcast %jit3A_851 : i32 to vector<16xi32>
      %rem3A_873 = arith.remsi %select_n3A_797, %rem3A_872 : vector<16xi32>
      %ne3A_874 = arith.constant 0 : i32
      %ne3A_875 = vector.broadcast %ne3A_874 : i32 to vector<16xi32>
      %ne3A_876 = arith.cmpi ne, %rem3A_873, %ne3A_875 : vector<16xi32>
      %and3A_877 = arith.andi %ne3A_871, %ne3A_876 : vector<16xi1>
      %sub3A_878 = arith.constant 1 : i32
      %sub3A_879 = vector.broadcast %sub3A_878 : i32 to vector<16xi32>
      %sub3A_880 = arith.subi %div3A_853, %sub3A_879 : vector<16xi32>
      %select_n3A_881 = arith.select %and3A_877, %sub3A_880, %div3A_853 : vector<16xi1>, vector<16xi32>
      %jit3A_882 = arith.constant 128 : i32
      %eq3A_883 = arith.constant 0 : i32
      %eq3A_884 = arith.cmpi eq, %jit3A_882, %eq3A_883 : i32
      %jit3A_885 = arith.constant 1 : i32
      %select_n3A_886 = arith.select %eq3A_884, %jit3A_885, %jit3A_882 : i32
      %rem3A_887 = vector.broadcast %select_n3A_886 : i32 to vector<16xi32>
      %rem3A_888 = arith.remsi %select_n3A_797, %rem3A_887 : vector<16xi32>
      %ne3A_889 = arith.constant 0 : i32
      %ne3A_890 = vector.broadcast %ne3A_889 : i32 to vector<16xi32>
      %ne3A_891 = arith.cmpi ne, %rem3A_888, %ne3A_890 : vector<16xi32>
      %lt3A_892 = arith.constant 0 : i32
      %lt3A_893 = vector.broadcast %lt3A_892 : i32 to vector<16xi32>
      %lt3A_894 = arith.cmpi slt, %rem3A_888, %lt3A_893 : vector<16xi32>
      %lt3A_895 = arith.constant 0 : i32
      %lt3A_896 = arith.cmpi slt, %select_n3A_886, %lt3A_895 : i32
      %ne3A_897 = vector.broadcast %lt3A_896 : i1 to vector<16xi1>
      %ne3A_898 = vector.broadcast %ne3A_897 : vector<16xi1> to vector<16xi1>
      %ne3A_899 = arith.xori %lt3A_894, %ne3A_898 : vector<16xi1>
      %and3A_900 = arith.andi %ne3A_899, %ne3A_891 : vector<16xi1>
      %add3A_901 = vector.broadcast %select_n3A_886 : i32 to vector<16xi32>
      %add3A_902 = arith.addi %rem3A_888, %add3A_901 : vector<16xi32>
      %select_n3A_903 = arith.select %and3A_900, %add3A_902, %rem3A_888 : vector<16xi1>, vector<16xi32>
      tpu.vector_store_idx %arg9[%select_n3A_881, %select_n3A_903], %add3A_782 masked %and3A_785 : memref<33x128xi32, #tpu.memory_space<vmem>>[vector<16xi32>, vector<16xi32>], vector<16xi32>, vector<16xi1>
      %reduce_max3A_904 = arith.constant true
      %reduce_max3A_905 = vector.broadcast %reduce_max3A_904 : i1 to vector<16xi1>
      %reduce_max3A_906 = arith.constant -2147483648 : i32
      %reduce_max3A_907 = vector.broadcast %reduce_max3A_906 : i32 to vector<16xi32>
      %reduce_max3A_908 = arith.xori %masked_cumsum3A_789, %reduce_max3A_907 : vector<16xi32>
      %reduce_max3A_909 = tpu.scan <max>, %reduce_max3A_908 masked %reduce_max3A_905 : vector<16xi32>, vector<16xi1> -> vector<16xi32>
      %reduce_max3A_910 = arith.xori %reduce_max3A_909, %reduce_max3A_907 : vector<16xi32>
      %reduce_max3A_911 = vector.extract %reduce_max3A_910[15] : i32 from vector<16xi32>
      %add3A_912 = arith.addi %add3A_760, %reduce_max3A_911 : i32
      %scan3A_913 = arith.constant 6 : i32
      %scan3A_914 = arith.addi %scan3A_17, %scan3A_913 : i32
      %mul3A_915 = arith.constant 16 : i32
      %mul3A_916 = arith.muli %scan3A_914, %mul3A_915 : i32
      %get3A_917 = arith.index_cast %mul3A_916 : i32 to index
      %get3A_918 = tpu.vector_load %arg6[%get3A_917] {strides = array<i32>} : memref<4096xi32, #tpu.memory_space<vmem>>, vector<16xi32>,
      %sub3A_919 = vector.broadcast %mul3A_2 : i32 to vector<16xi32>
      %sub3A_920 = arith.subi %get3A_918, %sub3A_919 : vector<16xi32>
      %ge3A_921 = arith.constant 0 : i32
      %ge3A_922 = vector.broadcast %ge3A_921 : i32 to vector<16xi32>
      %ge3A_923 = arith.cmpi sge, %sub3A_920, %ge3A_922 : vector<16xi32>
      %lt3A_924 = arith.constant 3125 : i32
      %lt3A_925 = vector.broadcast %lt3A_924 : i32 to vector<16xi32>
      %lt3A_926 = arith.cmpi slt, %sub3A_920, %lt3A_925 : vector<16xi32>
      %and3A_927 = arith.andi %ge3A_923, %lt3A_926 : vector<16xi1>
      %jit3A_928 = arith.constant 0 : i32
      %broadcast_in_dim3A_929 = vector.broadcast %jit3A_928 : i32 to vector<16xi32>
      %select_n3A_930 = arith.select %and3A_927, %sub3A_920, %broadcast_in_dim3A_929 : vector<16xi1>, vector<16xi32>
      %mul3A_931 = arith.constant 16 : i32
      %mul3A_932 = arith.muli %scan3A_914, %mul3A_931 : i32
      %add3A_933 = vector.broadcast %mul3A_932 : i32 to vector<16xi32>
      %add3A_934 = arith.addi %add3A_933, %iota3A : vector<16xi32>
      %gather3A_935 = tpu.vector_load_idx %arg7[%select_n3A_930] masked %and3A_927 : memref<3125xi32, #tpu.memory_space<vmem>>[vector<16xi32>], vector<16xi32>, vector<16xi1>
      %eq3A_936 = arith.cmpi eq, %gather3A_935, %add3A_934 : vector<16xi32>
      %and3A_937 = arith.andi %and3A_927, %eq3A_936 : vector<16xi1>
      %convert_element_type3A_938 = arith.extui %and3A_937 : vector<16xi1> to vector<16xi32>
      %broadcast_in_dim3A_939 = arith.constant true
      %broadcast_in_dim3A_940 = vector.broadcast %broadcast_in_dim3A_939 : i1 to vector<16xi1>
      %masked_cumsum3A_941 = tpu.scan <sum>, %convert_element_type3A_938 masked %broadcast_in_dim3A_940 : vector<16xi32>, vector<16xi1> -> vector<16xi32>
      %add3A_942 = vector.broadcast %add3A_912 : i32 to vector<16xi32>
      %add3A_943 = arith.addi %add3A_942, %masked_cumsum3A_941 : vector<16xi32>
      %sub3A_944 = arith.constant 1 : i32
      %sub3A_945 = vector.broadcast %sub3A_944 : i32 to vector<16xi32>
      %sub3A_946 = arith.subi %add3A_943, %sub3A_945 : vector<16xi32>
      %jit3A_947 = arith.constant 0 : i32
      %broadcast_in_dim3A_948 = vector.broadcast %jit3A_947 : i32 to vector<16xi32>
      %select_n3A_949 = arith.select %and3A_937, %sub3A_946, %broadcast_in_dim3A_948 : vector<16xi1>, vector<16xi32>
      %jit3A_950 = arith.constant 128 : i32
      %div3A_951 = vector.broadcast %jit3A_950 : i32 to vector<16xi32>
      %div3A_952 = arith.divsi %select_n3A_949, %div3A_951 : vector<16xi32>
      %sign3A_953 = arith.constant 0 : i32
      %sign3A_954 = vector.broadcast %sign3A_953 : i32 to vector<16xi32>
      %sign3A_955 = arith.cmpi sgt, %select_n3A_949, %sign3A_954 : vector<16xi32>
      %sign3A_956 = arith.extui %sign3A_955 : vector<16xi1> to vector<16xi32>
      %sign3A_957 = arith.constant 0 : i32
      %sign3A_958 = vector.broadcast %sign3A_957 : i32 to vector<16xi32>
      %sign3A_959 = arith.cmpi slt, %select_n3A_949, %sign3A_958 : vector<16xi32>
      %sign3A_960 = arith.extui %sign3A_959 : vector<16xi1> to vector<16xi32>
      %sign3A_961 = arith.subi %sign3A_956, %sign3A_960 : vector<16xi32>
      %sign3A_962 = arith.constant 0 : i32
      %sign3A_963 = arith.cmpi sgt, %jit3A_950, %sign3A_962 : i32
      %sign3A_964 = arith.extui %sign3A_963 : i1 to i32
      %sign3A_965 = arith.constant 0 : i32
      %sign3A_966 = arith.cmpi slt, %jit3A_950, %sign3A_965 : i32
      %sign3A_967 = arith.extui %sign3A_966 : i1 to i32
      %sign3A_968 = arith.subi %sign3A_964, %sign3A_967 : i32
      %ne3A_969 = vector.broadcast %sign3A_968 : i32 to vector<16xi32>
      %ne3A_970 = arith.cmpi ne, %sign3A_961, %ne3A_969 : vector<16xi32>
      %rem3A_971 = vector.broadcast %jit3A_950 : i32 to vector<16xi32>
      %rem3A_972 = arith.remsi %select_n3A_949, %rem3A_971 : vector<16xi32>
      %ne3A_973 = arith.constant 0 : i32
      %ne3A_974 = vector.broadcast %ne3A_973 : i32 to vector<16xi32>
      %ne3A_975 = arith.cmpi ne, %rem3A_972, %ne3A_974 : vector<16xi32>
      %and3A_976 = arith.andi %ne3A_970, %ne3A_975 : vector<16xi1>
      %sub3A_977 = arith.constant 1 : i32
      %sub3A_978 = vector.broadcast %sub3A_977 : i32 to vector<16xi32>
      %sub3A_979 = arith.subi %div3A_952, %sub3A_978 : vector<16xi32>
      %select_n3A_980 = arith.select %and3A_976, %sub3A_979, %div3A_952 : vector<16xi1>, vector<16xi32>
      %jit3A_981 = arith.constant 128 : i32
      %eq3A_982 = arith.constant 0 : i32
      %eq3A_983 = arith.cmpi eq, %jit3A_981, %eq3A_982 : i32
      %jit3A_984 = arith.constant 1 : i32
      %select_n3A_985 = arith.select %eq3A_983, %jit3A_984, %jit3A_981 : i32
      %rem3A_986 = vector.broadcast %select_n3A_985 : i32 to vector<16xi32>
      %rem3A_987 = arith.remsi %select_n3A_949, %rem3A_986 : vector<16xi32>
      %ne3A_988 = arith.constant 0 : i32
      %ne3A_989 = vector.broadcast %ne3A_988 : i32 to vector<16xi32>
      %ne3A_990 = arith.cmpi ne, %rem3A_987, %ne3A_989 : vector<16xi32>
      %lt3A_991 = arith.constant 0 : i32
      %lt3A_992 = vector.broadcast %lt3A_991 : i32 to vector<16xi32>
      %lt3A_993 = arith.cmpi slt, %rem3A_987, %lt3A_992 : vector<16xi32>
      %lt3A_994 = arith.constant 0 : i32
      %lt3A_995 = arith.cmpi slt, %select_n3A_985, %lt3A_994 : i32
      %ne3A_996 = vector.broadcast %lt3A_995 : i1 to vector<16xi1>
      %ne3A_997 = vector.broadcast %ne3A_996 : vector<16xi1> to vector<16xi1>
      %ne3A_998 = arith.xori %lt3A_993, %ne3A_997 : vector<16xi1>
      %and3A_999 = arith.andi %ne3A_998, %ne3A_990 : vector<16xi1>
      %add3A_1000 = vector.broadcast %select_n3A_985 : i32 to vector<16xi32>
      %add3A_1001 = arith.addi %rem3A_987, %add3A_1000 : vector<16xi32>
      %select_n3A_1002 = arith.select %and3A_999, %add3A_1001, %rem3A_987 : vector<16xi1>, vector<16xi32>
      tpu.vector_store_idx %arg8[%select_n3A_980, %select_n3A_1002], %get3A_918 masked %and3A_937 : memref<33x128xi32, #tpu.memory_space<vmem>>[vector<16xi32>, vector<16xi32>], vector<16xi32>, vector<16xi1>
      %jit3A_1003 = arith.constant 128 : i32
      %div3A_1004 = vector.broadcast %jit3A_1003 : i32 to vector<16xi32>
      %div3A_1005 = arith.divsi %select_n3A_949, %div3A_1004 : vector<16xi32>
      %sign3A_1006 = arith.constant 0 : i32
      %sign3A_1007 = vector.broadcast %sign3A_1006 : i32 to vector<16xi32>
      %sign3A_1008 = arith.cmpi sgt, %select_n3A_949, %sign3A_1007 : vector<16xi32>
      %sign3A_1009 = arith.extui %sign3A_1008 : vector<16xi1> to vector<16xi32>
      %sign3A_1010 = arith.constant 0 : i32
      %sign3A_1011 = vector.broadcast %sign3A_1010 : i32 to vector<16xi32>
      %sign3A_1012 = arith.cmpi slt, %select_n3A_949, %sign3A_1011 : vector<16xi32>
      %sign3A_1013 = arith.extui %sign3A_1012 : vector<16xi1> to vector<16xi32>
      %sign3A_1014 = arith.subi %sign3A_1009, %sign3A_1013 : vector<16xi32>
      %sign3A_1015 = arith.constant 0 : i32
      %sign3A_1016 = arith.cmpi sgt, %jit3A_1003, %sign3A_1015 : i32
      %sign3A_1017 = arith.extui %sign3A_1016 : i1 to i32
      %sign3A_1018 = arith.constant 0 : i32
      %sign3A_1019 = arith.cmpi slt, %jit3A_1003, %sign3A_1018 : i32
      %sign3A_1020 = arith.extui %sign3A_1019 : i1 to i32
      %sign3A_1021 = arith.subi %sign3A_1017, %sign3A_1020 : i32
      %ne3A_1022 = vector.broadcast %sign3A_1021 : i32 to vector<16xi32>
      %ne3A_1023 = arith.cmpi ne, %sign3A_1014, %ne3A_1022 : vector<16xi32>
      %rem3A_1024 = vector.broadcast %jit3A_1003 : i32 to vector<16xi32>
      %rem3A_1025 = arith.remsi %select_n3A_949, %rem3A_1024 : vector<16xi32>
      %ne3A_1026 = arith.constant 0 : i32
      %ne3A_1027 = vector.broadcast %ne3A_1026 : i32 to vector<16xi32>
      %ne3A_1028 = arith.cmpi ne, %rem3A_1025, %ne3A_1027 : vector<16xi32>
      %and3A_1029 = arith.andi %ne3A_1023, %ne3A_1028 : vector<16xi1>
      %sub3A_1030 = arith.constant 1 : i32
      %sub3A_1031 = vector.broadcast %sub3A_1030 : i32 to vector<16xi32>
      %sub3A_1032 = arith.subi %div3A_1005, %sub3A_1031 : vector<16xi32>
      %select_n3A_1033 = arith.select %and3A_1029, %sub3A_1032, %div3A_1005 : vector<16xi1>, vector<16xi32>
      %jit3A_1034 = arith.constant 128 : i32
      %eq3A_1035 = arith.constant 0 : i32
      %eq3A_1036 = arith.cmpi eq, %jit3A_1034, %eq3A_1035 : i32
      %jit3A_1037 = arith.constant 1 : i32
      %select_n3A_1038 = arith.select %eq3A_1036, %jit3A_1037, %jit3A_1034 : i32
      %rem3A_1039 = vector.broadcast %select_n3A_1038 : i32 to vector<16xi32>
      %rem3A_1040 = arith.remsi %select_n3A_949, %rem3A_1039 : vector<16xi32>
      %ne3A_1041 = arith.constant 0 : i32
      %ne3A_1042 = vector.broadcast %ne3A_1041 : i32 to vector<16xi32>
      %ne3A_1043 = arith.cmpi ne, %rem3A_1040, %ne3A_1042 : vector<16xi32>
      %lt3A_1044 = arith.constant 0 : i32
      %lt3A_1045 = vector.broadcast %lt3A_1044 : i32 to vector<16xi32>
      %lt3A_1046 = arith.cmpi slt, %rem3A_1040, %lt3A_1045 : vector<16xi32>
      %lt3A_1047 = arith.constant 0 : i32
      %lt3A_1048 = arith.cmpi slt, %select_n3A_1038, %lt3A_1047 : i32
      %ne3A_1049 = vector.broadcast %lt3A_1048 : i1 to vector<16xi1>
      %ne3A_1050 = vector.broadcast %ne3A_1049 : vector<16xi1> to vector<16xi1>
      %ne3A_1051 = arith.xori %lt3A_1046, %ne3A_1050 : vector<16xi1>
      %and3A_1052 = arith.andi %ne3A_1051, %ne3A_1043 : vector<16xi1>
      %add3A_1053 = vector.broadcast %select_n3A_1038 : i32 to vector<16xi32>
      %add3A_1054 = arith.addi %rem3A_1040, %add3A_1053 : vector<16xi32>
      %select_n3A_1055 = arith.select %and3A_1052, %add3A_1054, %rem3A_1040 : vector<16xi1>, vector<16xi32>
      tpu.vector_store_idx %arg9[%select_n3A_1033, %select_n3A_1055], %add3A_934 masked %and3A_937 : memref<33x128xi32, #tpu.memory_space<vmem>>[vector<16xi32>, vector<16xi32>], vector<16xi32>, vector<16xi1>
      %reduce_max3A_1056 = arith.constant true
      %reduce_max3A_1057 = vector.broadcast %reduce_max3A_1056 : i1 to vector<16xi1>
      %reduce_max3A_1058 = arith.constant -2147483648 : i32
      %reduce_max3A_1059 = vector.broadcast %reduce_max3A_1058 : i32 to vector<16xi32>
      %reduce_max3A_1060 = arith.xori %masked_cumsum3A_941, %reduce_max3A_1059 : vector<16xi32>
      %reduce_max3A_1061 = tpu.scan <max>, %reduce_max3A_1060 masked %reduce_max3A_1057 : vector<16xi32>, vector<16xi1> -> vector<16xi32>
      %reduce_max3A_1062 = arith.xori %reduce_max3A_1061, %reduce_max3A_1059 : vector<16xi32>
      %reduce_max3A_1063 = vector.extract %reduce_max3A_1062[15] : i32 from vector<16xi32>
      %add3A_1064 = arith.addi %add3A_912, %reduce_max3A_1063 : i32
      %scan3A_1065 = arith.constant 7 : i32
      %scan3A_1066 = arith.addi %scan3A_17, %scan3A_1065 : i32
      %mul3A_1067 = arith.constant 16 : i32
      %mul3A_1068 = arith.muli %scan3A_1066, %mul3A_1067 : i32
      %get3A_1069 = arith.index_cast %mul3A_1068 : i32 to index
      %get3A_1070 = tpu.vector_load %arg6[%get3A_1069] {strides = array<i32>} : memref<4096xi32, #tpu.memory_space<vmem>>, vector<16xi32>,
      %sub3A_1071 = vector.broadcast %mul3A_2 : i32 to vector<16xi32>
      %sub3A_1072 = arith.subi %get3A_1070, %sub3A_1071 : vector<16xi32>
      %ge3A_1073 = arith.constant 0 : i32
      %ge3A_1074 = vector.broadcast %ge3A_1073 : i32 to vector<16xi32>
      %ge3A_1075 = arith.cmpi sge, %sub3A_1072, %ge3A_1074 : vector<16xi32>
      %lt3A_1076 = arith.constant 3125 : i32
      %lt3A_1077 = vector.broadcast %lt3A_1076 : i32 to vector<16xi32>
      %lt3A_1078 = arith.cmpi slt, %sub3A_1072, %lt3A_1077 : vector<16xi32>
      %and3A_1079 = arith.andi %ge3A_1075, %lt3A_1078 : vector<16xi1>
      %jit3A_1080 = arith.constant 0 : i32
      %broadcast_in_dim3A_1081 = vector.broadcast %jit3A_1080 : i32 to vector<16xi32>
      %select_n3A_1082 = arith.select %and3A_1079, %sub3A_1072, %broadcast_in_dim3A_1081 : vector<16xi1>, vector<16xi32>
      %mul3A_1083 = arith.constant 16 : i32
      %mul3A_1084 = arith.muli %scan3A_1066, %mul3A_1083 : i32
      %add3A_1085 = vector.broadcast %mul3A_1084 : i32 to vector<16xi32>
      %add3A_1086 = arith.addi %add3A_1085, %iota3A : vector<16xi32>
      %gather3A_1087 = tpu.vector_load_idx %arg7[%select_n3A_1082] masked %and3A_1079 : memref<3125xi32, #tpu.memory_space<vmem>>[vector<16xi32>], vector<16xi32>, vector<16xi1>
      %eq3A_1088 = arith.cmpi eq, %gather3A_1087, %add3A_1086 : vector<16xi32>
      %and3A_1089 = arith.andi %and3A_1079, %eq3A_1088 : vector<16xi1>
      %convert_element_type3A_1090 = arith.extui %and3A_1089 : vector<16xi1> to vector<16xi32>
      %broadcast_in_dim3A_1091 = arith.constant true
      %broadcast_in_dim3A_1092 = vector.broadcast %broadcast_in_dim3A_1091 : i1 to vector<16xi1>
      %masked_cumsum3A_1093 = tpu.scan <sum>, %convert_element_type3A_1090 masked %broadcast_in_dim3A_1092 : vector<16xi32>, vector<16xi1> -> vector<16xi32>
      %add3A_1094 = vector.broadcast %add3A_1064 : i32 to vector<16xi32>
      %add3A_1095 = arith.addi %add3A_1094, %masked_cumsum3A_1093 : vector<16xi32>
      %sub3A_1096 = arith.constant 1 : i32
      %sub3A_1097 = vector.broadcast %sub3A_1096 : i32 to vector<16xi32>
      %sub3A_1098 = arith.subi %add3A_1095, %sub3A_1097 : vector<16xi32>
      %jit3A_1099 = arith.constant 0 : i32
      %broadcast_in_dim3A_1100 = vector.broadcast %jit3A_1099 : i32 to vector<16xi32>
      %select_n3A_1101 = arith.select %and3A_1089, %sub3A_1098, %broadcast_in_dim3A_1100 : vector<16xi1>, vector<16xi32>
      %jit3A_1102 = arith.constant 128 : i32
      %div3A_1103 = vector.broadcast %jit3A_1102 : i32 to vector<16xi32>
      %div3A_1104 = arith.divsi %select_n3A_1101, %div3A_1103 : vector<16xi32>
      %sign3A_1105 = arith.constant 0 : i32
      %sign3A_1106 = vector.broadcast %sign3A_1105 : i32 to vector<16xi32>
      %sign3A_1107 = arith.cmpi sgt, %select_n3A_1101, %sign3A_1106 : vector<16xi32>
      %sign3A_1108 = arith.extui %sign3A_1107 : vector<16xi1> to vector<16xi32>
      %sign3A_1109 = arith.constant 0 : i32
      %sign3A_1110 = vector.broadcast %sign3A_1109 : i32 to vector<16xi32>
      %sign3A_1111 = arith.cmpi slt, %select_n3A_1101, %sign3A_1110 : vector<16xi32>
      %sign3A_1112 = arith.extui %sign3A_1111 : vector<16xi1> to vector<16xi32>
      %sign3A_1113 = arith.subi %sign3A_1108, %sign3A_1112 : vector<16xi32>
      %sign3A_1114 = arith.constant 0 : i32
      %sign3A_1115 = arith.cmpi sgt, %jit3A_1102, %sign3A_1114 : i32
      %sign3A_1116 = arith.extui %sign3A_1115 : i1 to i32
      %sign3A_1117 = arith.constant 0 : i32
      %sign3A_1118 = arith.cmpi slt, %jit3A_1102, %sign3A_1117 : i32
      %sign3A_1119 = arith.extui %sign3A_1118 : i1 to i32
      %sign3A_1120 = arith.subi %sign3A_1116, %sign3A_1119 : i32
      %ne3A_1121 = vector.broadcast %sign3A_1120 : i32 to vector<16xi32>
      %ne3A_1122 = arith.cmpi ne, %sign3A_1113, %ne3A_1121 : vector<16xi32>
      %rem3A_1123 = vector.broadcast %jit3A_1102 : i32 to vector<16xi32>
      %rem3A_1124 = arith.remsi %select_n3A_1101, %rem3A_1123 : vector<16xi32>
      %ne3A_1125 = arith.constant 0 : i32
      %ne3A_1126 = vector.broadcast %ne3A_1125 : i32 to vector<16xi32>
      %ne3A_1127 = arith.cmpi ne, %rem3A_1124, %ne3A_1126 : vector<16xi32>
      %and3A_1128 = arith.andi %ne3A_1122, %ne3A_1127 : vector<16xi1>
      %sub3A_1129 = arith.constant 1 : i32
      %sub3A_1130 = vector.broadcast %sub3A_1129 : i32 to vector<16xi32>
      %sub3A_1131 = arith.subi %div3A_1104, %sub3A_1130 : vector<16xi32>
      %select_n3A_1132 = arith.select %and3A_1128, %sub3A_1131, %div3A_1104 : vector<16xi1>, vector<16xi32>
      %jit3A_1133 = arith.constant 128 : i32
      %eq3A_1134 = arith.constant 0 : i32
      %eq3A_1135 = arith.cmpi eq, %jit3A_1133, %eq3A_1134 : i32
      %jit3A_1136 = arith.constant 1 : i32
      %select_n3A_1137 = arith.select %eq3A_1135, %jit3A_1136, %jit3A_1133 : i32
      %rem3A_1138 = vector.broadcast %select_n3A_1137 : i32 to vector<16xi32>
      %rem3A_1139 = arith.remsi %select_n3A_1101, %rem3A_1138 : vector<16xi32>
      %ne3A_1140 = arith.constant 0 : i32
      %ne3A_1141 = vector.broadcast %ne3A_1140 : i32 to vector<16xi32>
      %ne3A_1142 = arith.cmpi ne, %rem3A_1139, %ne3A_1141 : vector<16xi32>
      %lt3A_1143 = arith.constant 0 : i32
      %lt3A_1144 = vector.broadcast %lt3A_1143 : i32 to vector<16xi32>
      %lt3A_1145 = arith.cmpi slt, %rem3A_1139, %lt3A_1144 : vector<16xi32>
      %lt3A_1146 = arith.constant 0 : i32
      %lt3A_1147 = arith.cmpi slt, %select_n3A_1137, %lt3A_1146 : i32
      %ne3A_1148 = vector.broadcast %lt3A_1147 : i1 to vector<16xi1>
      %ne3A_1149 = vector.broadcast %ne3A_1148 : vector<16xi1> to vector<16xi1>
      %ne3A_1150 = arith.xori %lt3A_1145, %ne3A_1149 : vector<16xi1>
      %and3A_1151 = arith.andi %ne3A_1150, %ne3A_1142 : vector<16xi1>
      %add3A_1152 = vector.broadcast %select_n3A_1137 : i32 to vector<16xi32>
      %add3A_1153 = arith.addi %rem3A_1139, %add3A_1152 : vector<16xi32>
      %select_n3A_1154 = arith.select %and3A_1151, %add3A_1153, %rem3A_1139 : vector<16xi1>, vector<16xi32>
      tpu.vector_store_idx %arg8[%select_n3A_1132, %select_n3A_1154], %get3A_1070 masked %and3A_1089 : memref<33x128xi32, #tpu.memory_space<vmem>>[vector<16xi32>, vector<16xi32>], vector<16xi32>, vector<16xi1>
      %jit3A_1155 = arith.constant 128 : i32
      %div3A_1156 = vector.broadcast %jit3A_1155 : i32 to vector<16xi32>
      %div3A_1157 = arith.divsi %select_n3A_1101, %div3A_1156 : vector<16xi32>
      %sign3A_1158 = arith.constant 0 : i32
      %sign3A_1159 = vector.broadcast %sign3A_1158 : i32 to vector<16xi32>
      %sign3A_1160 = arith.cmpi sgt, %select_n3A_1101, %sign3A_1159 : vector<16xi32>
      %sign3A_1161 = arith.extui %sign3A_1160 : vector<16xi1> to vector<16xi32>
      %sign3A_1162 = arith.constant 0 : i32
      %sign3A_1163 = vector.broadcast %sign3A_1162 : i32 to vector<16xi32>
      %sign3A_1164 = arith.cmpi slt, %select_n3A_1101, %sign3A_1163 : vector<16xi32>
      %sign3A_1165 = arith.extui %sign3A_1164 : vector<16xi1> to vector<16xi32>
      %sign3A_1166 = arith.subi %sign3A_1161, %sign3A_1165 : vector<16xi32>
      %sign3A_1167 = arith.constant 0 : i32
      %sign3A_1168 = arith.cmpi sgt, %jit3A_1155, %sign3A_1167 : i32
      %sign3A_1169 = arith.extui %sign3A_1168 : i1 to i32
      %sign3A_1170 = arith.constant 0 : i32
      %sign3A_1171 = arith.cmpi slt, %jit3A_1155, %sign3A_1170 : i32
      %sign3A_1172 = arith.extui %sign3A_1171 : i1 to i32
      %sign3A_1173 = arith.subi %sign3A_1169, %sign3A_1172 : i32
      %ne3A_1174 = vector.broadcast %sign3A_1173 : i32 to vector<16xi32>
      %ne3A_1175 = arith.cmpi ne, %sign3A_1166, %ne3A_1174 : vector<16xi32>
      %rem3A_1176 = vector.broadcast %jit3A_1155 : i32 to vector<16xi32>
      %rem3A_1177 = arith.remsi %select_n3A_1101, %rem3A_1176 : vector<16xi32>
      %ne3A_1178 = arith.constant 0 : i32
      %ne3A_1179 = vector.broadcast %ne3A_1178 : i32 to vector<16xi32>
      %ne3A_1180 = arith.cmpi ne, %rem3A_1177, %ne3A_1179 : vector<16xi32>
      %and3A_1181 = arith.andi %ne3A_1175, %ne3A_1180 : vector<16xi1>
      %sub3A_1182 = arith.constant 1 : i32
      %sub3A_1183 = vector.broadcast %sub3A_1182 : i32 to vector<16xi32>
      %sub3A_1184 = arith.subi %div3A_1157, %sub3A_1183 : vector<16xi32>
      %select_n3A_1185 = arith.select %and3A_1181, %sub3A_1184, %div3A_1157 : vector<16xi1>, vector<16xi32>
      %jit3A_1186 = arith.constant 128 : i32
      %eq3A_1187 = arith.constant 0 : i32
      %eq3A_1188 = arith.cmpi eq, %jit3A_1186, %eq3A_1187 : i32
      %jit3A_1189 = arith.constant 1 : i32
      %select_n3A_1190 = arith.select %eq3A_1188, %jit3A_1189, %jit3A_1186 : i32
      %rem3A_1191 = vector.broadcast %select_n3A_1190 : i32 to vector<16xi32>
      %rem3A_1192 = arith.remsi %select_n3A_1101, %rem3A_1191 : vector<16xi32>
      %ne3A_1193 = arith.constant 0 : i32
      %ne3A_1194 = vector.broadcast %ne3A_1193 : i32 to vector<16xi32>
      %ne3A_1195 = arith.cmpi ne, %rem3A_1192, %ne3A_1194 : vector<16xi32>
      %lt3A_1196 = arith.constant 0 : i32
      %lt3A_1197 = vector.broadcast %lt3A_1196 : i32 to vector<16xi32>
      %lt3A_1198 = arith.cmpi slt, %rem3A_1192, %lt3A_1197 : vector<16xi32>
      %lt3A_1199 = arith.constant 0 : i32
      %lt3A_1200 = arith.cmpi slt, %select_n3A_1190, %lt3A_1199 : i32
      %ne3A_1201 = vector.broadcast %lt3A_1200 : i1 to vector<16xi1>
      %ne3A_1202 = vector.broadcast %ne3A_1201 : vector<16xi1> to vector<16xi1>
      %ne3A_1203 = arith.xori %lt3A_1198, %ne3A_1202 : vector<16xi1>
      %and3A_1204 = arith.andi %ne3A_1203, %ne3A_1195 : vector<16xi1>
      %add3A_1205 = vector.broadcast %select_n3A_1190 : i32 to vector<16xi32>
      %add3A_1206 = arith.addi %rem3A_1192, %add3A_1205 : vector<16xi32>
      %select_n3A_1207 = arith.select %and3A_1204, %add3A_1206, %rem3A_1192 : vector<16xi1>, vector<16xi32>
      tpu.vector_store_idx %arg9[%select_n3A_1185, %select_n3A_1207], %add3A_1086 masked %and3A_1089 : memref<33x128xi32, #tpu.memory_space<vmem>>[vector<16xi32>, vector<16xi32>], vector<16xi32>, vector<16xi1>
      %reduce_max3A_1208 = arith.constant true
      %reduce_max3A_1209 = vector.broadcast %reduce_max3A_1208 : i1 to vector<16xi1>
      %reduce_max3A_1210 = arith.constant -2147483648 : i32
      %reduce_max3A_1211 = vector.broadcast %reduce_max3A_1210 : i32 to vector<16xi32>
      %reduce_max3A_1212 = arith.xori %masked_cumsum3A_1093, %reduce_max3A_1211 : vector<16xi32>
      %reduce_max3A_1213 = tpu.scan <max>, %reduce_max3A_1212 masked %reduce_max3A_1209 : vector<16xi32>, vector<16xi1> -> vector<16xi32>
      %reduce_max3A_1214 = arith.xori %reduce_max3A_1213, %reduce_max3A_1211 : vector<16xi32>
      %reduce_max3A_1215 = vector.extract %reduce_max3A_1214[15] : i32 from vector<16xi32>
      %add3A_1216 = arith.addi %add3A_1064, %reduce_max3A_1215 : i32
      scf.yield %add3A_1216 : i32
    }
    %scan3A_14 = arith.constant 256 : i32
    %gt3A = arith.constant 0 : i32
    %gt3A_15 = arith.cmpi sgt, %scan3A_13, %gt3A : i32
    %convert_element_type3A = arith.extui %gt3A_15 : i1 to i32
    %cond3A = arith.constant 0 : i32
    %cond3A_16 = arith.cmpi ne, %convert_element_type3A, %cond3A : i32
    scf.if %cond3A_16 {
      %get3A = arith.constant 0 : i32
      %get3A_17 = arith.index_cast %get3A : i32 to index
      %get3A_18 = arith.constant 0 : index
      %get3A_19 = tpu.vector_load %arg8[%get3A_17, %get3A_18] {strides = array<i32>} : memref<33x128xi32, #tpu.memory_space<vmem>>, vector<16xi32>,
      %get3A_20 = arith.constant 0 : i32
      %get3A_21 = arith.index_cast %get3A_20 : i32 to index
      %get3A_22 = arith.constant 0 : index
      %get3A_23 = tpu.vector_load %arg9[%get3A_21, %get3A_22] {strides = array<i32>} : memref<33x128xi32, #tpu.memory_space<vmem>>, vector<16xi32>,
      %eq3A = arith.constant 0 : i32
      %eq3A_24 = vector.broadcast %eq3A : i32 to vector<16xi32>
      %eq3A_25 = arith.cmpi eq, %iota3A, %eq3A_24 : vector<16xi32>
      %jit3A = arith.constant -1 : i32
      %broadcast_in_dim3A = vector.broadcast %jit3A : i32 to vector<16xi32>
      %select_n3A = arith.select %eq3A_25, %get3A_19, %broadcast_in_dim3A : vector<16xi1>, vector<16xi32>
      %reduce_max3A = arith.constant true
      %reduce_max3A_26 = vector.broadcast %reduce_max3A : i1 to vector<16xi1>
      %reduce_max3A_27 = arith.constant -2147483648 : i32
      %reduce_max3A_28 = vector.broadcast %reduce_max3A_27 : i32 to vector<16xi32>
      %reduce_max3A_29 = arith.xori %select_n3A, %reduce_max3A_28 : vector<16xi32>
      %reduce_max3A_30 = tpu.scan <max>, %reduce_max3A_29 masked %reduce_max3A_26 : vector<16xi32>, vector<16xi1> -> vector<16xi32>
      %reduce_max3A_31 = arith.xori %reduce_max3A_30, %reduce_max3A_28 : vector<16xi32>
      %reduce_max3A_32 = vector.extract %reduce_max3A_31[15] : i32 from vector<16xi32>
      %eq3A_33 = arith.constant 0 : i32
      %eq3A_34 = vector.broadcast %eq3A_33 : i32 to vector<16xi32>
      %eq3A_35 = arith.cmpi eq, %iota3A, %eq3A_34 : vector<16xi32>
      %jit3A_36 = arith.constant -1 : i32
      %broadcast_in_dim3A_37 = vector.broadcast %jit3A_36 : i32 to vector<16xi32>
      %select_n3A_38 = arith.select %eq3A_35, %get3A_23, %broadcast_in_dim3A_37 : vector<16xi1>, vector<16xi32>
      %reduce_max3A_39 = arith.constant true
      %reduce_max3A_40 = vector.broadcast %reduce_max3A_39 : i1 to vector<16xi1>
      %reduce_max3A_41 = arith.constant -2147483648 : i32
      %reduce_max3A_42 = vector.broadcast %reduce_max3A_41 : i32 to vector<16xi32>
      %reduce_max3A_43 = arith.xori %select_n3A_38, %reduce_max3A_42 : vector<16xi32>
      %reduce_max3A_44 = tpu.scan <max>, %reduce_max3A_43 masked %reduce_max3A_40 : vector<16xi32>, vector<16xi1> -> vector<16xi32>
      %reduce_max3A_45 = arith.xori %reduce_max3A_44, %reduce_max3A_42 : vector<16xi32>
      %reduce_max3A_46 = vector.extract %reduce_max3A_45[15] : i32 from vector<16xi32>
      %add3A_47 = arith.constant 0 : i32
      %add3A_48 = arith.addi %scan3A_13, %add3A_47 : i32
      %add3A_49 = vector.broadcast %add3A_48 : i32 to vector<16xi32>
      %add3A_50 = arith.addi %add3A_49, %iota3A : vector<16xi32>
      %jit3A_51 = arith.constant 128 : i32
      %div3A = vector.broadcast %jit3A_51 : i32 to vector<16xi32>
      %div3A_52 = arith.divsi %add3A_50, %div3A : vector<16xi32>
      %sign3A = arith.constant 0 : i32
      %sign3A_53 = vector.broadcast %sign3A : i32 to vector<16xi32>
      %sign3A_54 = arith.cmpi sgt, %add3A_50, %sign3A_53 : vector<16xi32>
      %sign3A_55 = arith.extui %sign3A_54 : vector<16xi1> to vector<16xi32>
      %sign3A_56 = arith.constant 0 : i32
      %sign3A_57 = vector.broadcast %sign3A_56 : i32 to vector<16xi32>
      %sign3A_58 = arith.cmpi slt, %add3A_50, %sign3A_57 : vector<16xi32>
      %sign3A_59 = arith.extui %sign3A_58 : vector<16xi1> to vector<16xi32>
      %sign3A_60 = arith.subi %sign3A_55, %sign3A_59 : vector<16xi32>
      %sign3A_61 = arith.constant 0 : i32
      %sign3A_62 = arith.cmpi sgt, %jit3A_51, %sign3A_61 : i32
      %sign3A_63 = arith.extui %sign3A_62 : i1 to i32
      %sign3A_64 = arith.constant 0 : i32
      %sign3A_65 = arith.cmpi slt, %jit3A_51, %sign3A_64 : i32
      %sign3A_66 = arith.extui %sign3A_65 : i1 to i32
      %sign3A_67 = arith.subi %sign3A_63, %sign3A_66 : i32
      %ne3A = vector.broadcast %sign3A_67 : i32 to vector<16xi32>
      %ne3A_68 = arith.cmpi ne, %sign3A_60, %ne3A : vector<16xi32>
      %rem3A = vector.broadcast %jit3A_51 : i32 to vector<16xi32>
      %rem3A_69 = arith.remsi %add3A_50, %rem3A : vector<16xi32>
      %ne3A_70 = arith.constant 0 : i32
      %ne3A_71 = vector.broadcast %ne3A_70 : i32 to vector<16xi32>
      %ne3A_72 = arith.cmpi ne, %rem3A_69, %ne3A_71 : vector<16xi32>
      %and3A = arith.andi %ne3A_68, %ne3A_72 : vector<16xi1>
      %sub3A = arith.constant 1 : i32
      %sub3A_73 = vector.broadcast %sub3A : i32 to vector<16xi32>
      %sub3A_74 = arith.subi %div3A_52, %sub3A_73 : vector<16xi32>
      %select_n3A_75 = arith.select %and3A, %sub3A_74, %div3A_52 : vector<16xi1>, vector<16xi32>
      %jit3A_76 = arith.constant 128 : i32
      %eq3A_77 = arith.constant 0 : i32
      %eq3A_78 = arith.cmpi eq, %jit3A_76, %eq3A_77 : i32
      %jit3A_79 = arith.constant 1 : i32
      %select_n3A_80 = arith.select %eq3A_78, %jit3A_79, %jit3A_76 : i32
      %rem3A_81 = vector.broadcast %select_n3A_80 : i32 to vector<16xi32>
      %rem3A_82 = arith.remsi %add3A_50, %rem3A_81 : vector<16xi32>
      %ne3A_83 = arith.constant 0 : i32
      %ne3A_84 = vector.broadcast %ne3A_83 : i32 to vector<16xi32>
      %ne3A_85 = arith.cmpi ne, %rem3A_82, %ne3A_84 : vector<16xi32>
      %lt3A = arith.constant 0 : i32
      %lt3A_86 = vector.broadcast %lt3A : i32 to vector<16xi32>
      %lt3A_87 = arith.cmpi slt, %rem3A_82, %lt3A_86 : vector<16xi32>
      %lt3A_88 = arith.constant 0 : i32
      %lt3A_89 = arith.cmpi slt, %select_n3A_80, %lt3A_88 : i32
      %ne3A_90 = vector.broadcast %lt3A_89 : i1 to vector<16xi1>
      %ne3A_91 = vector.broadcast %ne3A_90 : vector<16xi1> to vector<16xi1>
      %ne3A_92 = arith.xori %lt3A_87, %ne3A_91 : vector<16xi1>
      %and3A_93 = arith.andi %ne3A_92, %ne3A_85 : vector<16xi1>
      %add3A_94 = vector.broadcast %select_n3A_80 : i32 to vector<16xi32>
      %add3A_95 = arith.addi %rem3A_82, %add3A_94 : vector<16xi32>
      %select_n3A_96 = arith.select %and3A_93, %add3A_95, %rem3A_82 : vector<16xi1>, vector<16xi32>
      %broadcast_in_dim3A_97 = vector.broadcast %reduce_max3A_32 : i32 to vector<16xi32>
      tpu.vector_store_idx %arg8[%select_n3A_75, %select_n3A_96], %broadcast_in_dim3A_97 : memref<33x128xi32, #tpu.memory_space<vmem>>[vector<16xi32>, vector<16xi32>], vector<16xi32>,
      %jit3A_98 = arith.constant 128 : i32
      %div3A_99 = vector.broadcast %jit3A_98 : i32 to vector<16xi32>
      %div3A_100 = arith.divsi %add3A_50, %div3A_99 : vector<16xi32>
      %sign3A_101 = arith.constant 0 : i32
      %sign3A_102 = vector.broadcast %sign3A_101 : i32 to vector<16xi32>
      %sign3A_103 = arith.cmpi sgt, %add3A_50, %sign3A_102 : vector<16xi32>
      %sign3A_104 = arith.extui %sign3A_103 : vector<16xi1> to vector<16xi32>
      %sign3A_105 = arith.constant 0 : i32
      %sign3A_106 = vector.broadcast %sign3A_105 : i32 to vector<16xi32>
      %sign3A_107 = arith.cmpi slt, %add3A_50, %sign3A_106 : vector<16xi32>
      %sign3A_108 = arith.extui %sign3A_107 : vector<16xi1> to vector<16xi32>
      %sign3A_109 = arith.subi %sign3A_104, %sign3A_108 : vector<16xi32>
      %sign3A_110 = arith.constant 0 : i32
      %sign3A_111 = arith.cmpi sgt, %jit3A_98, %sign3A_110 : i32
      %sign3A_112 = arith.extui %sign3A_111 : i1 to i32
      %sign3A_113 = arith.constant 0 : i32
      %sign3A_114 = arith.cmpi slt, %jit3A_98, %sign3A_113 : i32
      %sign3A_115 = arith.extui %sign3A_114 : i1 to i32
      %sign3A_116 = arith.subi %sign3A_112, %sign3A_115 : i32
      %ne3A_117 = vector.broadcast %sign3A_116 : i32 to vector<16xi32>
      %ne3A_118 = arith.cmpi ne, %sign3A_109, %ne3A_117 : vector<16xi32>
      %rem3A_119 = vector.broadcast %jit3A_98 : i32 to vector<16xi32>
      %rem3A_120 = arith.remsi %add3A_50, %rem3A_119 : vector<16xi32>
      %ne3A_121 = arith.constant 0 : i32
      %ne3A_122 = vector.broadcast %ne3A_121 : i32 to vector<16xi32>
      %ne3A_123 = arith.cmpi ne, %rem3A_120, %ne3A_122 : vector<16xi32>
      %and3A_124 = arith.andi %ne3A_118, %ne3A_123 : vector<16xi1>
      %sub3A_125 = arith.constant 1 : i32
      %sub3A_126 = vector.broadcast %sub3A_125 : i32 to vector<16xi32>
      %sub3A_127 = arith.subi %div3A_100, %sub3A_126 : vector<16xi32>
      %select_n3A_128 = arith.select %and3A_124, %sub3A_127, %div3A_100 : vector<16xi1>, vector<16xi32>
      %jit3A_129 = arith.constant 128 : i32
      %eq3A_130 = arith.constant 0 : i32
      %eq3A_131 = arith.cmpi eq, %jit3A_129, %eq3A_130 : i32
      %jit3A_132 = arith.constant 1 : i32
      %select_n3A_133 = arith.select %eq3A_131, %jit3A_132, %jit3A_129 : i32
      %rem3A_134 = vector.broadcast %select_n3A_133 : i32 to vector<16xi32>
      %rem3A_135 = arith.remsi %add3A_50, %rem3A_134 : vector<16xi32>
      %ne3A_136 = arith.constant 0 : i32
      %ne3A_137 = vector.broadcast %ne3A_136 : i32 to vector<16xi32>
      %ne3A_138 = arith.cmpi ne, %rem3A_135, %ne3A_137 : vector<16xi32>
      %lt3A_139 = arith.constant 0 : i32
      %lt3A_140 = vector.broadcast %lt3A_139 : i32 to vector<16xi32>
      %lt3A_141 = arith.cmpi slt, %rem3A_135, %lt3A_140 : vector<16xi32>
      %lt3A_142 = arith.constant 0 : i32
      %lt3A_143 = arith.cmpi slt, %select_n3A_133, %lt3A_142 : i32
      %ne3A_144 = vector.broadcast %lt3A_143 : i1 to vector<16xi1>
      %ne3A_145 = vector.broadcast %ne3A_144 : vector<16xi1> to vector<16xi1>
      %ne3A_146 = arith.xori %lt3A_141, %ne3A_145 : vector<16xi1>
      %and3A_147 = arith.andi %ne3A_146, %ne3A_138 : vector<16xi1>
      %add3A_148 = vector.broadcast %select_n3A_133 : i32 to vector<16xi32>
      %add3A_149 = arith.addi %rem3A_135, %add3A_148 : vector<16xi32>
      %select_n3A_150 = arith.select %and3A_147, %add3A_149, %rem3A_135 : vector<16xi1>, vector<16xi32>
      %broadcast_in_dim3A_151 = vector.broadcast %reduce_max3A_46 : i32 to vector<16xi32>
      tpu.vector_store_idx %arg9[%select_n3A_128, %select_n3A_150], %broadcast_in_dim3A_151 : memref<33x128xi32, #tpu.memory_space<vmem>>[vector<16xi32>, vector<16xi32>], vector<16xi32>,
      %add3A_152 = arith.constant 16 : i32
      %add3A_153 = arith.addi %scan3A_13, %add3A_152 : i32
      %add3A_154 = vector.broadcast %add3A_153 : i32 to vector<16xi32>
      %add3A_155 = arith.addi %add3A_154, %iota3A : vector<16xi32>
      %jit3A_156 = arith.constant 128 : i32
      %div3A_157 = vector.broadcast %jit3A_156 : i32 to vector<16xi32>
      %div3A_158 = arith.divsi %add3A_155, %div3A_157 : vector<16xi32>
      %sign3A_159 = arith.constant 0 : i32
      %sign3A_160 = vector.broadcast %sign3A_159 : i32 to vector<16xi32>
      %sign3A_161 = arith.cmpi sgt, %add3A_155, %sign3A_160 : vector<16xi32>
      %sign3A_162 = arith.extui %sign3A_161 : vector<16xi1> to vector<16xi32>
      %sign3A_163 = arith.constant 0 : i32
      %sign3A_164 = vector.broadcast %sign3A_163 : i32 to vector<16xi32>
      %sign3A_165 = arith.cmpi slt, %add3A_155, %sign3A_164 : vector<16xi32>
      %sign3A_166 = arith.extui %sign3A_165 : vector<16xi1> to vector<16xi32>
      %sign3A_167 = arith.subi %sign3A_162, %sign3A_166 : vector<16xi32>
      %sign3A_168 = arith.constant 0 : i32
      %sign3A_169 = arith.cmpi sgt, %jit3A_156, %sign3A_168 : i32
      %sign3A_170 = arith.extui %sign3A_169 : i1 to i32
      %sign3A_171 = arith.constant 0 : i32
      %sign3A_172 = arith.cmpi slt, %jit3A_156, %sign3A_171 : i32
      %sign3A_173 = arith.extui %sign3A_172 : i1 to i32
      %sign3A_174 = arith.subi %sign3A_170, %sign3A_173 : i32
      %ne3A_175 = vector.broadcast %sign3A_174 : i32 to vector<16xi32>
      %ne3A_176 = arith.cmpi ne, %sign3A_167, %ne3A_175 : vector<16xi32>
      %rem3A_177 = vector.broadcast %jit3A_156 : i32 to vector<16xi32>
      %rem3A_178 = arith.remsi %add3A_155, %rem3A_177 : vector<16xi32>
      %ne3A_179 = arith.constant 0 : i32
      %ne3A_180 = vector.broadcast %ne3A_179 : i32 to vector<16xi32>
      %ne3A_181 = arith.cmpi ne, %rem3A_178, %ne3A_180 : vector<16xi32>
      %and3A_182 = arith.andi %ne3A_176, %ne3A_181 : vector<16xi1>
      %sub3A_183 = arith.constant 1 : i32
      %sub3A_184 = vector.broadcast %sub3A_183 : i32 to vector<16xi32>
      %sub3A_185 = arith.subi %div3A_158, %sub3A_184 : vector<16xi32>
      %select_n3A_186 = arith.select %and3A_182, %sub3A_185, %div3A_158 : vector<16xi1>, vector<16xi32>
      %jit3A_187 = arith.constant 128 : i32
      %eq3A_188 = arith.constant 0 : i32
      %eq3A_189 = arith.cmpi eq, %jit3A_187, %eq3A_188 : i32
      %jit3A_190 = arith.constant 1 : i32
      %select_n3A_191 = arith.select %eq3A_189, %jit3A_190, %jit3A_187 : i32
      %rem3A_192 = vector.broadcast %select_n3A_191 : i32 to vector<16xi32>
      %rem3A_193 = arith.remsi %add3A_155, %rem3A_192 : vector<16xi32>
      %ne3A_194 = arith.constant 0 : i32
      %ne3A_195 = vector.broadcast %ne3A_194 : i32 to vector<16xi32>
      %ne3A_196 = arith.cmpi ne, %rem3A_193, %ne3A_195 : vector<16xi32>
      %lt3A_197 = arith.constant 0 : i32
      %lt3A_198 = vector.broadcast %lt3A_197 : i32 to vector<16xi32>
      %lt3A_199 = arith.cmpi slt, %rem3A_193, %lt3A_198 : vector<16xi32>
      %lt3A_200 = arith.constant 0 : i32
      %lt3A_201 = arith.cmpi slt, %select_n3A_191, %lt3A_200 : i32
      %ne3A_202 = vector.broadcast %lt3A_201 : i1 to vector<16xi1>
      %ne3A_203 = vector.broadcast %ne3A_202 : vector<16xi1> to vector<16xi1>
      %ne3A_204 = arith.xori %lt3A_199, %ne3A_203 : vector<16xi1>
      %and3A_205 = arith.andi %ne3A_204, %ne3A_196 : vector<16xi1>
      %add3A_206 = vector.broadcast %select_n3A_191 : i32 to vector<16xi32>
      %add3A_207 = arith.addi %rem3A_193, %add3A_206 : vector<16xi32>
      %select_n3A_208 = arith.select %and3A_205, %add3A_207, %rem3A_193 : vector<16xi1>, vector<16xi32>
      %broadcast_in_dim3A_209 = vector.broadcast %reduce_max3A_32 : i32 to vector<16xi32>
      tpu.vector_store_idx %arg8[%select_n3A_186, %select_n3A_208], %broadcast_in_dim3A_209 : memref<33x128xi32, #tpu.memory_space<vmem>>[vector<16xi32>, vector<16xi32>], vector<16xi32>,
      %jit3A_210 = arith.constant 128 : i32
      %div3A_211 = vector.broadcast %jit3A_210 : i32 to vector<16xi32>
      %div3A_212 = arith.divsi %add3A_155, %div3A_211 : vector<16xi32>
      %sign3A_213 = arith.constant 0 : i32
      %sign3A_214 = vector.broadcast %sign3A_213 : i32 to vector<16xi32>
      %sign3A_215 = arith.cmpi sgt, %add3A_155, %sign3A_214 : vector<16xi32>
      %sign3A_216 = arith.extui %sign3A_215 : vector<16xi1> to vector<16xi32>
      %sign3A_217 = arith.constant 0 : i32
      %sign3A_218 = vector.broadcast %sign3A_217 : i32 to vector<16xi32>
      %sign3A_219 = arith.cmpi slt, %add3A_155, %sign3A_218 : vector<16xi32>
      %sign3A_220 = arith.extui %sign3A_219 : vector<16xi1> to vector<16xi32>
      %sign3A_221 = arith.subi %sign3A_216, %sign3A_220 : vector<16xi32>
      %sign3A_222 = arith.constant 0 : i32
      %sign3A_223 = arith.cmpi sgt, %jit3A_210, %sign3A_222 : i32
      %sign3A_224 = arith.extui %sign3A_223 : i1 to i32
      %sign3A_225 = arith.constant 0 : i32
      %sign3A_226 = arith.cmpi slt, %jit3A_210, %sign3A_225 : i32
      %sign3A_227 = arith.extui %sign3A_226 : i1 to i32
      %sign3A_228 = arith.subi %sign3A_224, %sign3A_227 : i32
      %ne3A_229 = vector.broadcast %sign3A_228 : i32 to vector<16xi32>
      %ne3A_230 = arith.cmpi ne, %sign3A_221, %ne3A_229 : vector<16xi32>
      %rem3A_231 = vector.broadcast %jit3A_210 : i32 to vector<16xi32>
      %rem3A_232 = arith.remsi %add3A_155, %rem3A_231 : vector<16xi32>
      %ne3A_233 = arith.constant 0 : i32
      %ne3A_234 = vector.broadcast %ne3A_233 : i32 to vector<16xi32>
      %ne3A_235 = arith.cmpi ne, %rem3A_232, %ne3A_234 : vector<16xi32>
      %and3A_236 = arith.andi %ne3A_230, %ne3A_235 : vector<16xi1>
      %sub3A_237 = arith.constant 1 : i32
      %sub3A_238 = vector.broadcast %sub3A_237 : i32 to vector<16xi32>
      %sub3A_239 = arith.subi %div3A_212, %sub3A_238 : vector<16xi32>
      %select_n3A_240 = arith.select %and3A_236, %sub3A_239, %div3A_212 : vector<16xi1>, vector<16xi32>
      %jit3A_241 = arith.constant 128 : i32
      %eq3A_242 = arith.constant 0 : i32
      %eq3A_243 = arith.cmpi eq, %jit3A_241, %eq3A_242 : i32
      %jit3A_244 = arith.constant 1 : i32
      %select_n3A_245 = arith.select %eq3A_243, %jit3A_244, %jit3A_241 : i32
      %rem3A_246 = vector.broadcast %select_n3A_245 : i32 to vector<16xi32>
      %rem3A_247 = arith.remsi %add3A_155, %rem3A_246 : vector<16xi32>
      %ne3A_248 = arith.constant 0 : i32
      %ne3A_249 = vector.broadcast %ne3A_248 : i32 to vector<16xi32>
      %ne3A_250 = arith.cmpi ne, %rem3A_247, %ne3A_249 : vector<16xi32>
      %lt3A_251 = arith.constant 0 : i32
      %lt3A_252 = vector.broadcast %lt3A_251 : i32 to vector<16xi32>
      %lt3A_253 = arith.cmpi slt, %rem3A_247, %lt3A_252 : vector<16xi32>
      %lt3A_254 = arith.constant 0 : i32
      %lt3A_255 = arith.cmpi slt, %select_n3A_245, %lt3A_254 : i32
      %ne3A_256 = vector.broadcast %lt3A_255 : i1 to vector<16xi1>
      %ne3A_257 = vector.broadcast %ne3A_256 : vector<16xi1> to vector<16xi1>
      %ne3A_258 = arith.xori %lt3A_253, %ne3A_257 : vector<16xi1>
      %and3A_259 = arith.andi %ne3A_258, %ne3A_250 : vector<16xi1>
      %add3A_260 = vector.broadcast %select_n3A_245 : i32 to vector<16xi32>
      %add3A_261 = arith.addi %rem3A_247, %add3A_260 : vector<16xi32>
      %select_n3A_262 = arith.select %and3A_259, %add3A_261, %rem3A_247 : vector<16xi1>, vector<16xi32>
      %broadcast_in_dim3A_263 = vector.broadcast %reduce_max3A_46 : i32 to vector<16xi32>
      tpu.vector_store_idx %arg9[%select_n3A_240, %select_n3A_262], %broadcast_in_dim3A_263 : memref<33x128xi32, #tpu.memory_space<vmem>>[vector<16xi32>, vector<16xi32>], vector<16xi32>,
      %add3A_264 = arith.constant 32 : i32
      %add3A_265 = arith.addi %scan3A_13, %add3A_264 : i32
      %add3A_266 = vector.broadcast %add3A_265 : i32 to vector<16xi32>
      %add3A_267 = arith.addi %add3A_266, %iota3A : vector<16xi32>
      %jit3A_268 = arith.constant 128 : i32
      %div3A_269 = vector.broadcast %jit3A_268 : i32 to vector<16xi32>
      %div3A_270 = arith.divsi %add3A_267, %div3A_269 : vector<16xi32>
      %sign3A_271 = arith.constant 0 : i32
      %sign3A_272 = vector.broadcast %sign3A_271 : i32 to vector<16xi32>
      %sign3A_273 = arith.cmpi sgt, %add3A_267, %sign3A_272 : vector<16xi32>
      %sign3A_274 = arith.extui %sign3A_273 : vector<16xi1> to vector<16xi32>
      %sign3A_275 = arith.constant 0 : i32
      %sign3A_276 = vector.broadcast %sign3A_275 : i32 to vector<16xi32>
      %sign3A_277 = arith.cmpi slt, %add3A_267, %sign3A_276 : vector<16xi32>
      %sign3A_278 = arith.extui %sign3A_277 : vector<16xi1> to vector<16xi32>
      %sign3A_279 = arith.subi %sign3A_274, %sign3A_278 : vector<16xi32>
      %sign3A_280 = arith.constant 0 : i32
      %sign3A_281 = arith.cmpi sgt, %jit3A_268, %sign3A_280 : i32
      %sign3A_282 = arith.extui %sign3A_281 : i1 to i32
      %sign3A_283 = arith.constant 0 : i32
      %sign3A_284 = arith.cmpi slt, %jit3A_268, %sign3A_283 : i32
      %sign3A_285 = arith.extui %sign3A_284 : i1 to i32
      %sign3A_286 = arith.subi %sign3A_282, %sign3A_285 : i32
      %ne3A_287 = vector.broadcast %sign3A_286 : i32 to vector<16xi32>
      %ne3A_288 = arith.cmpi ne, %sign3A_279, %ne3A_287 : vector<16xi32>
      %rem3A_289 = vector.broadcast %jit3A_268 : i32 to vector<16xi32>
      %rem3A_290 = arith.remsi %add3A_267, %rem3A_289 : vector<16xi32>
      %ne3A_291 = arith.constant 0 : i32
      %ne3A_292 = vector.broadcast %ne3A_291 : i32 to vector<16xi32>
      %ne3A_293 = arith.cmpi ne, %rem3A_290, %ne3A_292 : vector<16xi32>
      %and3A_294 = arith.andi %ne3A_288, %ne3A_293 : vector<16xi1>
      %sub3A_295 = arith.constant 1 : i32
      %sub3A_296 = vector.broadcast %sub3A_295 : i32 to vector<16xi32>
      %sub3A_297 = arith.subi %div3A_270, %sub3A_296 : vector<16xi32>
      %select_n3A_298 = arith.select %and3A_294, %sub3A_297, %div3A_270 : vector<16xi1>, vector<16xi32>
      %jit3A_299 = arith.constant 128 : i32
      %eq3A_300 = arith.constant 0 : i32
      %eq3A_301 = arith.cmpi eq, %jit3A_299, %eq3A_300 : i32
      %jit3A_302 = arith.constant 1 : i32
      %select_n3A_303 = arith.select %eq3A_301, %jit3A_302, %jit3A_299 : i32
      %rem3A_304 = vector.broadcast %select_n3A_303 : i32 to vector<16xi32>
      %rem3A_305 = arith.remsi %add3A_267, %rem3A_304 : vector<16xi32>
      %ne3A_306 = arith.constant 0 : i32
      %ne3A_307 = vector.broadcast %ne3A_306 : i32 to vector<16xi32>
      %ne3A_308 = arith.cmpi ne, %rem3A_305, %ne3A_307 : vector<16xi32>
      %lt3A_309 = arith.constant 0 : i32
      %lt3A_310 = vector.broadcast %lt3A_309 : i32 to vector<16xi32>
      %lt3A_311 = arith.cmpi slt, %rem3A_305, %lt3A_310 : vector<16xi32>
      %lt3A_312 = arith.constant 0 : i32
      %lt3A_313 = arith.cmpi slt, %select_n3A_303, %lt3A_312 : i32
      %ne3A_314 = vector.broadcast %lt3A_313 : i1 to vector<16xi1>
      %ne3A_315 = vector.broadcast %ne3A_314 : vector<16xi1> to vector<16xi1>
      %ne3A_316 = arith.xori %lt3A_311, %ne3A_315 : vector<16xi1>
      %and3A_317 = arith.andi %ne3A_316, %ne3A_308 : vector<16xi1>
      %add3A_318 = vector.broadcast %select_n3A_303 : i32 to vector<16xi32>
      %add3A_319 = arith.addi %rem3A_305, %add3A_318 : vector<16xi32>
      %select_n3A_320 = arith.select %and3A_317, %add3A_319, %rem3A_305 : vector<16xi1>, vector<16xi32>
      %broadcast_in_dim3A_321 = vector.broadcast %reduce_max3A_32 : i32 to vector<16xi32>
      tpu.vector_store_idx %arg8[%select_n3A_298, %select_n3A_320], %broadcast_in_dim3A_321 : memref<33x128xi32, #tpu.memory_space<vmem>>[vector<16xi32>, vector<16xi32>], vector<16xi32>,
      %jit3A_322 = arith.constant 128 : i32
      %div3A_323 = vector.broadcast %jit3A_322 : i32 to vector<16xi32>
      %div3A_324 = arith.divsi %add3A_267, %div3A_323 : vector<16xi32>
      %sign3A_325 = arith.constant 0 : i32
      %sign3A_326 = vector.broadcast %sign3A_325 : i32 to vector<16xi32>
      %sign3A_327 = arith.cmpi sgt, %add3A_267, %sign3A_326 : vector<16xi32>
      %sign3A_328 = arith.extui %sign3A_327 : vector<16xi1> to vector<16xi32>
      %sign3A_329 = arith.constant 0 : i32
      %sign3A_330 = vector.broadcast %sign3A_329 : i32 to vector<16xi32>
      %sign3A_331 = arith.cmpi slt, %add3A_267, %sign3A_330 : vector<16xi32>
      %sign3A_332 = arith.extui %sign3A_331 : vector<16xi1> to vector<16xi32>
      %sign3A_333 = arith.subi %sign3A_328, %sign3A_332 : vector<16xi32>
      %sign3A_334 = arith.constant 0 : i32
      %sign3A_335 = arith.cmpi sgt, %jit3A_322, %sign3A_334 : i32
      %sign3A_336 = arith.extui %sign3A_335 : i1 to i32
      %sign3A_337 = arith.constant 0 : i32
      %sign3A_338 = arith.cmpi slt, %jit3A_322, %sign3A_337 : i32
      %sign3A_339 = arith.extui %sign3A_338 : i1 to i32
      %sign3A_340 = arith.subi %sign3A_336, %sign3A_339 : i32
      %ne3A_341 = vector.broadcast %sign3A_340 : i32 to vector<16xi32>
      %ne3A_342 = arith.cmpi ne, %sign3A_333, %ne3A_341 : vector<16xi32>
      %rem3A_343 = vector.broadcast %jit3A_322 : i32 to vector<16xi32>
      %rem3A_344 = arith.remsi %add3A_267, %rem3A_343 : vector<16xi32>
      %ne3A_345 = arith.constant 0 : i32
      %ne3A_346 = vector.broadcast %ne3A_345 : i32 to vector<16xi32>
      %ne3A_347 = arith.cmpi ne, %rem3A_344, %ne3A_346 : vector<16xi32>
      %and3A_348 = arith.andi %ne3A_342, %ne3A_347 : vector<16xi1>
      %sub3A_349 = arith.constant 1 : i32
      %sub3A_350 = vector.broadcast %sub3A_349 : i32 to vector<16xi32>
      %sub3A_351 = arith.subi %div3A_324, %sub3A_350 : vector<16xi32>
      %select_n3A_352 = arith.select %and3A_348, %sub3A_351, %div3A_324 : vector<16xi1>, vector<16xi32>
      %jit3A_353 = arith.constant 128 : i32
      %eq3A_354 = arith.constant 0 : i32
      %eq3A_355 = arith.cmpi eq, %jit3A_353, %eq3A_354 : i32
      %jit3A_356 = arith.constant 1 : i32
      %select_n3A_357 = arith.select %eq3A_355, %jit3A_356, %jit3A_353 : i32
      %rem3A_358 = vector.broadcast %select_n3A_357 : i32 to vector<16xi32>
      %rem3A_359 = arith.remsi %add3A_267, %rem3A_358 : vector<16xi32>
      %ne3A_360 = arith.constant 0 : i32
      %ne3A_361 = vector.broadcast %ne3A_360 : i32 to vector<16xi32>
      %ne3A_362 = arith.cmpi ne, %rem3A_359, %ne3A_361 : vector<16xi32>
      %lt3A_363 = arith.constant 0 : i32
      %lt3A_364 = vector.broadcast %lt3A_363 : i32 to vector<16xi32>
      %lt3A_365 = arith.cmpi slt, %rem3A_359, %lt3A_364 : vector<16xi32>
      %lt3A_366 = arith.constant 0 : i32
      %lt3A_367 = arith.cmpi slt, %select_n3A_357, %lt3A_366 : i32
      %ne3A_368 = vector.broadcast %lt3A_367 : i1 to vector<16xi1>
      %ne3A_369 = vector.broadcast %ne3A_368 : vector<16xi1> to vector<16xi1>
      %ne3A_370 = arith.xori %lt3A_365, %ne3A_369 : vector<16xi1>
      %and3A_371 = arith.andi %ne3A_370, %ne3A_362 : vector<16xi1>
      %add3A_372 = vector.broadcast %select_n3A_357 : i32 to vector<16xi32>
      %add3A_373 = arith.addi %rem3A_359, %add3A_372 : vector<16xi32>
      %select_n3A_374 = arith.select %and3A_371, %add3A_373, %rem3A_359 : vector<16xi1>, vector<16xi32>
      %broadcast_in_dim3A_375 = vector.broadcast %reduce_max3A_46 : i32 to vector<16xi32>
      tpu.vector_store_idx %arg9[%select_n3A_352, %select_n3A_374], %broadcast_in_dim3A_375 : memref<33x128xi32, #tpu.memory_space<vmem>>[vector<16xi32>, vector<16xi32>], vector<16xi32>,
      %add3A_376 = arith.constant 48 : i32
      %add3A_377 = arith.addi %scan3A_13, %add3A_376 : i32
      %add3A_378 = vector.broadcast %add3A_377 : i32 to vector<16xi32>
      %add3A_379 = arith.addi %add3A_378, %iota3A : vector<16xi32>
      %jit3A_380 = arith.constant 128 : i32
      %div3A_381 = vector.broadcast %jit3A_380 : i32 to vector<16xi32>
      %div3A_382 = arith.divsi %add3A_379, %div3A_381 : vector<16xi32>
      %sign3A_383 = arith.constant 0 : i32
      %sign3A_384 = vector.broadcast %sign3A_383 : i32 to vector<16xi32>
      %sign3A_385 = arith.cmpi sgt, %add3A_379, %sign3A_384 : vector<16xi32>
      %sign3A_386 = arith.extui %sign3A_385 : vector<16xi1> to vector<16xi32>
      %sign3A_387 = arith.constant 0 : i32
      %sign3A_388 = vector.broadcast %sign3A_387 : i32 to vector<16xi32>
      %sign3A_389 = arith.cmpi slt, %add3A_379, %sign3A_388 : vector<16xi32>
      %sign3A_390 = arith.extui %sign3A_389 : vector<16xi1> to vector<16xi32>
      %sign3A_391 = arith.subi %sign3A_386, %sign3A_390 : vector<16xi32>
      %sign3A_392 = arith.constant 0 : i32
      %sign3A_393 = arith.cmpi sgt, %jit3A_380, %sign3A_392 : i32
      %sign3A_394 = arith.extui %sign3A_393 : i1 to i32
      %sign3A_395 = arith.constant 0 : i32
      %sign3A_396 = arith.cmpi slt, %jit3A_380, %sign3A_395 : i32
      %sign3A_397 = arith.extui %sign3A_396 : i1 to i32
      %sign3A_398 = arith.subi %sign3A_394, %sign3A_397 : i32
      %ne3A_399 = vector.broadcast %sign3A_398 : i32 to vector<16xi32>
      %ne3A_400 = arith.cmpi ne, %sign3A_391, %ne3A_399 : vector<16xi32>
      %rem3A_401 = vector.broadcast %jit3A_380 : i32 to vector<16xi32>
      %rem3A_402 = arith.remsi %add3A_379, %rem3A_401 : vector<16xi32>
      %ne3A_403 = arith.constant 0 : i32
      %ne3A_404 = vector.broadcast %ne3A_403 : i32 to vector<16xi32>
      %ne3A_405 = arith.cmpi ne, %rem3A_402, %ne3A_404 : vector<16xi32>
      %and3A_406 = arith.andi %ne3A_400, %ne3A_405 : vector<16xi1>
      %sub3A_407 = arith.constant 1 : i32
      %sub3A_408 = vector.broadcast %sub3A_407 : i32 to vector<16xi32>
      %sub3A_409 = arith.subi %div3A_382, %sub3A_408 : vector<16xi32>
      %select_n3A_410 = arith.select %and3A_406, %sub3A_409, %div3A_382 : vector<16xi1>, vector<16xi32>
      %jit3A_411 = arith.constant 128 : i32
      %eq3A_412 = arith.constant 0 : i32
      %eq3A_413 = arith.cmpi eq, %jit3A_411, %eq3A_412 : i32
      %jit3A_414 = arith.constant 1 : i32
      %select_n3A_415 = arith.select %eq3A_413, %jit3A_414, %jit3A_411 : i32
      %rem3A_416 = vector.broadcast %select_n3A_415 : i32 to vector<16xi32>
      %rem3A_417 = arith.remsi %add3A_379, %rem3A_416 : vector<16xi32>
      %ne3A_418 = arith.constant 0 : i32
      %ne3A_419 = vector.broadcast %ne3A_418 : i32 to vector<16xi32>
      %ne3A_420 = arith.cmpi ne, %rem3A_417, %ne3A_419 : vector<16xi32>
      %lt3A_421 = arith.constant 0 : i32
      %lt3A_422 = vector.broadcast %lt3A_421 : i32 to vector<16xi32>
      %lt3A_423 = arith.cmpi slt, %rem3A_417, %lt3A_422 : vector<16xi32>
      %lt3A_424 = arith.constant 0 : i32
      %lt3A_425 = arith.cmpi slt, %select_n3A_415, %lt3A_424 : i32
      %ne3A_426 = vector.broadcast %lt3A_425 : i1 to vector<16xi1>
      %ne3A_427 = vector.broadcast %ne3A_426 : vector<16xi1> to vector<16xi1>
      %ne3A_428 = arith.xori %lt3A_423, %ne3A_427 : vector<16xi1>
      %and3A_429 = arith.andi %ne3A_428, %ne3A_420 : vector<16xi1>
      %add3A_430 = vector.broadcast %select_n3A_415 : i32 to vector<16xi32>
      %add3A_431 = arith.addi %rem3A_417, %add3A_430 : vector<16xi32>
      %select_n3A_432 = arith.select %and3A_429, %add3A_431, %rem3A_417 : vector<16xi1>, vector<16xi32>
      %broadcast_in_dim3A_433 = vector.broadcast %reduce_max3A_32 : i32 to vector<16xi32>
      tpu.vector_store_idx %arg8[%select_n3A_410, %select_n3A_432], %broadcast_in_dim3A_433 : memref<33x128xi32, #tpu.memory_space<vmem>>[vector<16xi32>, vector<16xi32>], vector<16xi32>,
      %jit3A_434 = arith.constant 128 : i32
      %div3A_435 = vector.broadcast %jit3A_434 : i32 to vector<16xi32>
      %div3A_436 = arith.divsi %add3A_379, %div3A_435 : vector<16xi32>
      %sign3A_437 = arith.constant 0 : i32
      %sign3A_438 = vector.broadcast %sign3A_437 : i32 to vector<16xi32>
      %sign3A_439 = arith.cmpi sgt, %add3A_379, %sign3A_438 : vector<16xi32>
      %sign3A_440 = arith.extui %sign3A_439 : vector<16xi1> to vector<16xi32>
      %sign3A_441 = arith.constant 0 : i32
      %sign3A_442 = vector.broadcast %sign3A_441 : i32 to vector<16xi32>
      %sign3A_443 = arith.cmpi slt, %add3A_379, %sign3A_442 : vector<16xi32>
      %sign3A_444 = arith.extui %sign3A_443 : vector<16xi1> to vector<16xi32>
      %sign3A_445 = arith.subi %sign3A_440, %sign3A_444 : vector<16xi32>
      %sign3A_446 = arith.constant 0 : i32
      %sign3A_447 = arith.cmpi sgt, %jit3A_434, %sign3A_446 : i32
      %sign3A_448 = arith.extui %sign3A_447 : i1 to i32
      %sign3A_449 = arith.constant 0 : i32
      %sign3A_450 = arith.cmpi slt, %jit3A_434, %sign3A_449 : i32
      %sign3A_451 = arith.extui %sign3A_450 : i1 to i32
      %sign3A_452 = arith.subi %sign3A_448, %sign3A_451 : i32
      %ne3A_453 = vector.broadcast %sign3A_452 : i32 to vector<16xi32>
      %ne3A_454 = arith.cmpi ne, %sign3A_445, %ne3A_453 : vector<16xi32>
      %rem3A_455 = vector.broadcast %jit3A_434 : i32 to vector<16xi32>
      %rem3A_456 = arith.remsi %add3A_379, %rem3A_455 : vector<16xi32>
      %ne3A_457 = arith.constant 0 : i32
      %ne3A_458 = vector.broadcast %ne3A_457 : i32 to vector<16xi32>
      %ne3A_459 = arith.cmpi ne, %rem3A_456, %ne3A_458 : vector<16xi32>
      %and3A_460 = arith.andi %ne3A_454, %ne3A_459 : vector<16xi1>
      %sub3A_461 = arith.constant 1 : i32
      %sub3A_462 = vector.broadcast %sub3A_461 : i32 to vector<16xi32>
      %sub3A_463 = arith.subi %div3A_436, %sub3A_462 : vector<16xi32>
      %select_n3A_464 = arith.select %and3A_460, %sub3A_463, %div3A_436 : vector<16xi1>, vector<16xi32>
      %jit3A_465 = arith.constant 128 : i32
      %eq3A_466 = arith.constant 0 : i32
      %eq3A_467 = arith.cmpi eq, %jit3A_465, %eq3A_466 : i32
      %jit3A_468 = arith.constant 1 : i32
      %select_n3A_469 = arith.select %eq3A_467, %jit3A_468, %jit3A_465 : i32
      %rem3A_470 = vector.broadcast %select_n3A_469 : i32 to vector<16xi32>
      %rem3A_471 = arith.remsi %add3A_379, %rem3A_470 : vector<16xi32>
      %ne3A_472 = arith.constant 0 : i32
      %ne3A_473 = vector.broadcast %ne3A_472 : i32 to vector<16xi32>
      %ne3A_474 = arith.cmpi ne, %rem3A_471, %ne3A_473 : vector<16xi32>
      %lt3A_475 = arith.constant 0 : i32
      %lt3A_476 = vector.broadcast %lt3A_475 : i32 to vector<16xi32>
      %lt3A_477 = arith.cmpi slt, %rem3A_471, %lt3A_476 : vector<16xi32>
      %lt3A_478 = arith.constant 0 : i32
      %lt3A_479 = arith.cmpi slt, %select_n3A_469, %lt3A_478 : i32
      %ne3A_480 = vector.broadcast %lt3A_479 : i1 to vector<16xi1>
      %ne3A_481 = vector.broadcast %ne3A_480 : vector<16xi1> to vector<16xi1>
      %ne3A_482 = arith.xori %lt3A_477, %ne3A_481 : vector<16xi1>
      %and3A_483 = arith.andi %ne3A_482, %ne3A_474 : vector<16xi1>
      %add3A_484 = vector.broadcast %select_n3A_469 : i32 to vector<16xi32>
      %add3A_485 = arith.addi %rem3A_471, %add3A_484 : vector<16xi32>
      %select_n3A_486 = arith.select %and3A_483, %add3A_485, %rem3A_471 : vector<16xi1>, vector<16xi32>
      %broadcast_in_dim3A_487 = vector.broadcast %reduce_max3A_46 : i32 to vector<16xi32>
      tpu.vector_store_idx %arg9[%select_n3A_464, %select_n3A_486], %broadcast_in_dim3A_487 : memref<33x128xi32, #tpu.memory_space<vmem>>[vector<16xi32>, vector<16xi32>], vector<16xi32>,
      %add3A_488 = arith.constant 64 : i32
      %add3A_489 = arith.addi %scan3A_13, %add3A_488 : i32
      %add3A_490 = vector.broadcast %add3A_489 : i32 to vector<16xi32>
      %add3A_491 = arith.addi %add3A_490, %iota3A : vector<16xi32>
      %jit3A_492 = arith.constant 128 : i32
      %div3A_493 = vector.broadcast %jit3A_492 : i32 to vector<16xi32>
      %div3A_494 = arith.divsi %add3A_491, %div3A_493 : vector<16xi32>
      %sign3A_495 = arith.constant 0 : i32
      %sign3A_496 = vector.broadcast %sign3A_495 : i32 to vector<16xi32>
      %sign3A_497 = arith.cmpi sgt, %add3A_491, %sign3A_496 : vector<16xi32>
      %sign3A_498 = arith.extui %sign3A_497 : vector<16xi1> to vector<16xi32>
      %sign3A_499 = arith.constant 0 : i32
      %sign3A_500 = vector.broadcast %sign3A_499 : i32 to vector<16xi32>
      %sign3A_501 = arith.cmpi slt, %add3A_491, %sign3A_500 : vector<16xi32>
      %sign3A_502 = arith.extui %sign3A_501 : vector<16xi1> to vector<16xi32>
      %sign3A_503 = arith.subi %sign3A_498, %sign3A_502 : vector<16xi32>
      %sign3A_504 = arith.constant 0 : i32
      %sign3A_505 = arith.cmpi sgt, %jit3A_492, %sign3A_504 : i32
      %sign3A_506 = arith.extui %sign3A_505 : i1 to i32
      %sign3A_507 = arith.constant 0 : i32
      %sign3A_508 = arith.cmpi slt, %jit3A_492, %sign3A_507 : i32
      %sign3A_509 = arith.extui %sign3A_508 : i1 to i32
      %sign3A_510 = arith.subi %sign3A_506, %sign3A_509 : i32
      %ne3A_511 = vector.broadcast %sign3A_510 : i32 to vector<16xi32>
      %ne3A_512 = arith.cmpi ne, %sign3A_503, %ne3A_511 : vector<16xi32>
      %rem3A_513 = vector.broadcast %jit3A_492 : i32 to vector<16xi32>
      %rem3A_514 = arith.remsi %add3A_491, %rem3A_513 : vector<16xi32>
      %ne3A_515 = arith.constant 0 : i32
      %ne3A_516 = vector.broadcast %ne3A_515 : i32 to vector<16xi32>
      %ne3A_517 = arith.cmpi ne, %rem3A_514, %ne3A_516 : vector<16xi32>
      %and3A_518 = arith.andi %ne3A_512, %ne3A_517 : vector<16xi1>
      %sub3A_519 = arith.constant 1 : i32
      %sub3A_520 = vector.broadcast %sub3A_519 : i32 to vector<16xi32>
      %sub3A_521 = arith.subi %div3A_494, %sub3A_520 : vector<16xi32>
      %select_n3A_522 = arith.select %and3A_518, %sub3A_521, %div3A_494 : vector<16xi1>, vector<16xi32>
      %jit3A_523 = arith.constant 128 : i32
      %eq3A_524 = arith.constant 0 : i32
      %eq3A_525 = arith.cmpi eq, %jit3A_523, %eq3A_524 : i32
      %jit3A_526 = arith.constant 1 : i32
      %select_n3A_527 = arith.select %eq3A_525, %jit3A_526, %jit3A_523 : i32
      %rem3A_528 = vector.broadcast %select_n3A_527 : i32 to vector<16xi32>
      %rem3A_529 = arith.remsi %add3A_491, %rem3A_528 : vector<16xi32>
      %ne3A_530 = arith.constant 0 : i32
      %ne3A_531 = vector.broadcast %ne3A_530 : i32 to vector<16xi32>
      %ne3A_532 = arith.cmpi ne, %rem3A_529, %ne3A_531 : vector<16xi32>
      %lt3A_533 = arith.constant 0 : i32
      %lt3A_534 = vector.broadcast %lt3A_533 : i32 to vector<16xi32>
      %lt3A_535 = arith.cmpi slt, %rem3A_529, %lt3A_534 : vector<16xi32>
      %lt3A_536 = arith.constant 0 : i32
      %lt3A_537 = arith.cmpi slt, %select_n3A_527, %lt3A_536 : i32
      %ne3A_538 = vector.broadcast %lt3A_537 : i1 to vector<16xi1>
      %ne3A_539 = vector.broadcast %ne3A_538 : vector<16xi1> to vector<16xi1>
      %ne3A_540 = arith.xori %lt3A_535, %ne3A_539 : vector<16xi1>
      %and3A_541 = arith.andi %ne3A_540, %ne3A_532 : vector<16xi1>
      %add3A_542 = vector.broadcast %select_n3A_527 : i32 to vector<16xi32>
      %add3A_543 = arith.addi %rem3A_529, %add3A_542 : vector<16xi32>
      %select_n3A_544 = arith.select %and3A_541, %add3A_543, %rem3A_529 : vector<16xi1>, vector<16xi32>
      %broadcast_in_dim3A_545 = vector.broadcast %reduce_max3A_32 : i32 to vector<16xi32>
      tpu.vector_store_idx %arg8[%select_n3A_522, %select_n3A_544], %broadcast_in_dim3A_545 : memref<33x128xi32, #tpu.memory_space<vmem>>[vector<16xi32>, vector<16xi32>], vector<16xi32>,
      %jit3A_546 = arith.constant 128 : i32
      %div3A_547 = vector.broadcast %jit3A_546 : i32 to vector<16xi32>
      %div3A_548 = arith.divsi %add3A_491, %div3A_547 : vector<16xi32>
      %sign3A_549 = arith.constant 0 : i32
      %sign3A_550 = vector.broadcast %sign3A_549 : i32 to vector<16xi32>
      %sign3A_551 = arith.cmpi sgt, %add3A_491, %sign3A_550 : vector<16xi32>
      %sign3A_552 = arith.extui %sign3A_551 : vector<16xi1> to vector<16xi32>
      %sign3A_553 = arith.constant 0 : i32
      %sign3A_554 = vector.broadcast %sign3A_553 : i32 to vector<16xi32>
      %sign3A_555 = arith.cmpi slt, %add3A_491, %sign3A_554 : vector<16xi32>
      %sign3A_556 = arith.extui %sign3A_555 : vector<16xi1> to vector<16xi32>
      %sign3A_557 = arith.subi %sign3A_552, %sign3A_556 : vector<16xi32>
      %sign3A_558 = arith.constant 0 : i32
      %sign3A_559 = arith.cmpi sgt, %jit3A_546, %sign3A_558 : i32
      %sign3A_560 = arith.extui %sign3A_559 : i1 to i32
      %sign3A_561 = arith.constant 0 : i32
      %sign3A_562 = arith.cmpi slt, %jit3A_546, %sign3A_561 : i32
      %sign3A_563 = arith.extui %sign3A_562 : i1 to i32
      %sign3A_564 = arith.subi %sign3A_560, %sign3A_563 : i32
      %ne3A_565 = vector.broadcast %sign3A_564 : i32 to vector<16xi32>
      %ne3A_566 = arith.cmpi ne, %sign3A_557, %ne3A_565 : vector<16xi32>
      %rem3A_567 = vector.broadcast %jit3A_546 : i32 to vector<16xi32>
      %rem3A_568 = arith.remsi %add3A_491, %rem3A_567 : vector<16xi32>
      %ne3A_569 = arith.constant 0 : i32
      %ne3A_570 = vector.broadcast %ne3A_569 : i32 to vector<16xi32>
      %ne3A_571 = arith.cmpi ne, %rem3A_568, %ne3A_570 : vector<16xi32>
      %and3A_572 = arith.andi %ne3A_566, %ne3A_571 : vector<16xi1>
      %sub3A_573 = arith.constant 1 : i32
      %sub3A_574 = vector.broadcast %sub3A_573 : i32 to vector<16xi32>
      %sub3A_575 = arith.subi %div3A_548, %sub3A_574 : vector<16xi32>
      %select_n3A_576 = arith.select %and3A_572, %sub3A_575, %div3A_548 : vector<16xi1>, vector<16xi32>
      %jit3A_577 = arith.constant 128 : i32
      %eq3A_578 = arith.constant 0 : i32
      %eq3A_579 = arith.cmpi eq, %jit3A_577, %eq3A_578 : i32
      %jit3A_580 = arith.constant 1 : i32
      %select_n3A_581 = arith.select %eq3A_579, %jit3A_580, %jit3A_577 : i32
      %rem3A_582 = vector.broadcast %select_n3A_581 : i32 to vector<16xi32>
      %rem3A_583 = arith.remsi %add3A_491, %rem3A_582 : vector<16xi32>
      %ne3A_584 = arith.constant 0 : i32
      %ne3A_585 = vector.broadcast %ne3A_584 : i32 to vector<16xi32>
      %ne3A_586 = arith.cmpi ne, %rem3A_583, %ne3A_585 : vector<16xi32>
      %lt3A_587 = arith.constant 0 : i32
      %lt3A_588 = vector.broadcast %lt3A_587 : i32 to vector<16xi32>
      %lt3A_589 = arith.cmpi slt, %rem3A_583, %lt3A_588 : vector<16xi32>
      %lt3A_590 = arith.constant 0 : i32
      %lt3A_591 = arith.cmpi slt, %select_n3A_581, %lt3A_590 : i32
      %ne3A_592 = vector.broadcast %lt3A_591 : i1 to vector<16xi1>
      %ne3A_593 = vector.broadcast %ne3A_592 : vector<16xi1> to vector<16xi1>
      %ne3A_594 = arith.xori %lt3A_589, %ne3A_593 : vector<16xi1>
      %and3A_595 = arith.andi %ne3A_594, %ne3A_586 : vector<16xi1>
      %add3A_596 = vector.broadcast %select_n3A_581 : i32 to vector<16xi32>
      %add3A_597 = arith.addi %rem3A_583, %add3A_596 : vector<16xi32>
      %select_n3A_598 = arith.select %and3A_595, %add3A_597, %rem3A_583 : vector<16xi1>, vector<16xi32>
      %broadcast_in_dim3A_599 = vector.broadcast %reduce_max3A_46 : i32 to vector<16xi32>
      tpu.vector_store_idx %arg9[%select_n3A_576, %select_n3A_598], %broadcast_in_dim3A_599 : memref<33x128xi32, #tpu.memory_space<vmem>>[vector<16xi32>, vector<16xi32>], vector<16xi32>,
      %add3A_600 = arith.constant 80 : i32
      %add3A_601 = arith.addi %scan3A_13, %add3A_600 : i32
      %add3A_602 = vector.broadcast %add3A_601 : i32 to vector<16xi32>
      %add3A_603 = arith.addi %add3A_602, %iota3A : vector<16xi32>
      %jit3A_604 = arith.constant 128 : i32
      %div3A_605 = vector.broadcast %jit3A_604 : i32 to vector<16xi32>
      %div3A_606 = arith.divsi %add3A_603, %div3A_605 : vector<16xi32>
      %sign3A_607 = arith.constant 0 : i32
      %sign3A_608 = vector.broadcast %sign3A_607 : i32 to vector<16xi32>
      %sign3A_609 = arith.cmpi sgt, %add3A_603, %sign3A_608 : vector<16xi32>
      %sign3A_610 = arith.extui %sign3A_609 : vector<16xi1> to vector<16xi32>
      %sign3A_611 = arith.constant 0 : i32
      %sign3A_612 = vector.broadcast %sign3A_611 : i32 to vector<16xi32>
      %sign3A_613 = arith.cmpi slt, %add3A_603, %sign3A_612 : vector<16xi32>
      %sign3A_614 = arith.extui %sign3A_613 : vector<16xi1> to vector<16xi32>
      %sign3A_615 = arith.subi %sign3A_610, %sign3A_614 : vector<16xi32>
      %sign3A_616 = arith.constant 0 : i32
      %sign3A_617 = arith.cmpi sgt, %jit3A_604, %sign3A_616 : i32
      %sign3A_618 = arith.extui %sign3A_617 : i1 to i32
      %sign3A_619 = arith.constant 0 : i32
      %sign3A_620 = arith.cmpi slt, %jit3A_604, %sign3A_619 : i32
      %sign3A_621 = arith.extui %sign3A_620 : i1 to i32
      %sign3A_622 = arith.subi %sign3A_618, %sign3A_621 : i32
      %ne3A_623 = vector.broadcast %sign3A_622 : i32 to vector<16xi32>
      %ne3A_624 = arith.cmpi ne, %sign3A_615, %ne3A_623 : vector<16xi32>
      %rem3A_625 = vector.broadcast %jit3A_604 : i32 to vector<16xi32>
      %rem3A_626 = arith.remsi %add3A_603, %rem3A_625 : vector<16xi32>
      %ne3A_627 = arith.constant 0 : i32
      %ne3A_628 = vector.broadcast %ne3A_627 : i32 to vector<16xi32>
      %ne3A_629 = arith.cmpi ne, %rem3A_626, %ne3A_628 : vector<16xi32>
      %and3A_630 = arith.andi %ne3A_624, %ne3A_629 : vector<16xi1>
      %sub3A_631 = arith.constant 1 : i32
      %sub3A_632 = vector.broadcast %sub3A_631 : i32 to vector<16xi32>
      %sub3A_633 = arith.subi %div3A_606, %sub3A_632 : vector<16xi32>
      %select_n3A_634 = arith.select %and3A_630, %sub3A_633, %div3A_606 : vector<16xi1>, vector<16xi32>
      %jit3A_635 = arith.constant 128 : i32
      %eq3A_636 = arith.constant 0 : i32
      %eq3A_637 = arith.cmpi eq, %jit3A_635, %eq3A_636 : i32
      %jit3A_638 = arith.constant 1 : i32
      %select_n3A_639 = arith.select %eq3A_637, %jit3A_638, %jit3A_635 : i32
      %rem3A_640 = vector.broadcast %select_n3A_639 : i32 to vector<16xi32>
      %rem3A_641 = arith.remsi %add3A_603, %rem3A_640 : vector<16xi32>
      %ne3A_642 = arith.constant 0 : i32
      %ne3A_643 = vector.broadcast %ne3A_642 : i32 to vector<16xi32>
      %ne3A_644 = arith.cmpi ne, %rem3A_641, %ne3A_643 : vector<16xi32>
      %lt3A_645 = arith.constant 0 : i32
      %lt3A_646 = vector.broadcast %lt3A_645 : i32 to vector<16xi32>
      %lt3A_647 = arith.cmpi slt, %rem3A_641, %lt3A_646 : vector<16xi32>
      %lt3A_648 = arith.constant 0 : i32
      %lt3A_649 = arith.cmpi slt, %select_n3A_639, %lt3A_648 : i32
      %ne3A_650 = vector.broadcast %lt3A_649 : i1 to vector<16xi1>
      %ne3A_651 = vector.broadcast %ne3A_650 : vector<16xi1> to vector<16xi1>
      %ne3A_652 = arith.xori %lt3A_647, %ne3A_651 : vector<16xi1>
      %and3A_653 = arith.andi %ne3A_652, %ne3A_644 : vector<16xi1>
      %add3A_654 = vector.broadcast %select_n3A_639 : i32 to vector<16xi32>
      %add3A_655 = arith.addi %rem3A_641, %add3A_654 : vector<16xi32>
      %select_n3A_656 = arith.select %and3A_653, %add3A_655, %rem3A_641 : vector<16xi1>, vector<16xi32>
      %broadcast_in_dim3A_657 = vector.broadcast %reduce_max3A_32 : i32 to vector<16xi32>
      tpu.vector_store_idx %arg8[%select_n3A_634, %select_n3A_656], %broadcast_in_dim3A_657 : memref<33x128xi32, #tpu.memory_space<vmem>>[vector<16xi32>, vector<16xi32>], vector<16xi32>,
      %jit3A_658 = arith.constant 128 : i32
      %div3A_659 = vector.broadcast %jit3A_658 : i32 to vector<16xi32>
      %div3A_660 = arith.divsi %add3A_603, %div3A_659 : vector<16xi32>
      %sign3A_661 = arith.constant 0 : i32
      %sign3A_662 = vector.broadcast %sign3A_661 : i32 to vector<16xi32>
      %sign3A_663 = arith.cmpi sgt, %add3A_603, %sign3A_662 : vector<16xi32>
      %sign3A_664 = arith.extui %sign3A_663 : vector<16xi1> to vector<16xi32>
      %sign3A_665 = arith.constant 0 : i32
      %sign3A_666 = vector.broadcast %sign3A_665 : i32 to vector<16xi32>
      %sign3A_667 = arith.cmpi slt, %add3A_603, %sign3A_666 : vector<16xi32>
      %sign3A_668 = arith.extui %sign3A_667 : vector<16xi1> to vector<16xi32>
      %sign3A_669 = arith.subi %sign3A_664, %sign3A_668 : vector<16xi32>
      %sign3A_670 = arith.constant 0 : i32
      %sign3A_671 = arith.cmpi sgt, %jit3A_658, %sign3A_670 : i32
      %sign3A_672 = arith.extui %sign3A_671 : i1 to i32
      %sign3A_673 = arith.constant 0 : i32
      %sign3A_674 = arith.cmpi slt, %jit3A_658, %sign3A_673 : i32
      %sign3A_675 = arith.extui %sign3A_674 : i1 to i32
      %sign3A_676 = arith.subi %sign3A_672, %sign3A_675 : i32
      %ne3A_677 = vector.broadcast %sign3A_676 : i32 to vector<16xi32>
      %ne3A_678 = arith.cmpi ne, %sign3A_669, %ne3A_677 : vector<16xi32>
      %rem3A_679 = vector.broadcast %jit3A_658 : i32 to vector<16xi32>
      %rem3A_680 = arith.remsi %add3A_603, %rem3A_679 : vector<16xi32>
      %ne3A_681 = arith.constant 0 : i32
      %ne3A_682 = vector.broadcast %ne3A_681 : i32 to vector<16xi32>
      %ne3A_683 = arith.cmpi ne, %rem3A_680, %ne3A_682 : vector<16xi32>
      %and3A_684 = arith.andi %ne3A_678, %ne3A_683 : vector<16xi1>
      %sub3A_685 = arith.constant 1 : i32
      %sub3A_686 = vector.broadcast %sub3A_685 : i32 to vector<16xi32>
      %sub3A_687 = arith.subi %div3A_660, %sub3A_686 : vector<16xi32>
      %select_n3A_688 = arith.select %and3A_684, %sub3A_687, %div3A_660 : vector<16xi1>, vector<16xi32>
      %jit3A_689 = arith.constant 128 : i32
      %eq3A_690 = arith.constant 0 : i32
      %eq3A_691 = arith.cmpi eq, %jit3A_689, %eq3A_690 : i32
      %jit3A_692 = arith.constant 1 : i32
      %select_n3A_693 = arith.select %eq3A_691, %jit3A_692, %jit3A_689 : i32
      %rem3A_694 = vector.broadcast %select_n3A_693 : i32 to vector<16xi32>
      %rem3A_695 = arith.remsi %add3A_603, %rem3A_694 : vector<16xi32>
      %ne3A_696 = arith.constant 0 : i32
      %ne3A_697 = vector.broadcast %ne3A_696 : i32 to vector<16xi32>
      %ne3A_698 = arith.cmpi ne, %rem3A_695, %ne3A_697 : vector<16xi32>
      %lt3A_699 = arith.constant 0 : i32
      %lt3A_700 = vector.broadcast %lt3A_699 : i32 to vector<16xi32>
      %lt3A_701 = arith.cmpi slt, %rem3A_695, %lt3A_700 : vector<16xi32>
      %lt3A_702 = arith.constant 0 : i32
      %lt3A_703 = arith.cmpi slt, %select_n3A_693, %lt3A_702 : i32
      %ne3A_704 = vector.broadcast %lt3A_703 : i1 to vector<16xi1>
      %ne3A_705 = vector.broadcast %ne3A_704 : vector<16xi1> to vector<16xi1>
      %ne3A_706 = arith.xori %lt3A_701, %ne3A_705 : vector<16xi1>
      %and3A_707 = arith.andi %ne3A_706, %ne3A_698 : vector<16xi1>
      %add3A_708 = vector.broadcast %select_n3A_693 : i32 to vector<16xi32>
      %add3A_709 = arith.addi %rem3A_695, %add3A_708 : vector<16xi32>
      %select_n3A_710 = arith.select %and3A_707, %add3A_709, %rem3A_695 : vector<16xi1>, vector<16xi32>
      %broadcast_in_dim3A_711 = vector.broadcast %reduce_max3A_46 : i32 to vector<16xi32>
      tpu.vector_store_idx %arg9[%select_n3A_688, %select_n3A_710], %broadcast_in_dim3A_711 : memref<33x128xi32, #tpu.memory_space<vmem>>[vector<16xi32>, vector<16xi32>], vector<16xi32>,
      %add3A_712 = arith.constant 96 : i32
      %add3A_713 = arith.addi %scan3A_13, %add3A_712 : i32
      %add3A_714 = vector.broadcast %add3A_713 : i32 to vector<16xi32>
      %add3A_715 = arith.addi %add3A_714, %iota3A : vector<16xi32>
      %jit3A_716 = arith.constant 128 : i32
      %div3A_717 = vector.broadcast %jit3A_716 : i32 to vector<16xi32>
      %div3A_718 = arith.divsi %add3A_715, %div3A_717 : vector<16xi32>
      %sign3A_719 = arith.constant 0 : i32
      %sign3A_720 = vector.broadcast %sign3A_719 : i32 to vector<16xi32>
      %sign3A_721 = arith.cmpi sgt, %add3A_715, %sign3A_720 : vector<16xi32>
      %sign3A_722 = arith.extui %sign3A_721 : vector<16xi1> to vector<16xi32>
      %sign3A_723 = arith.constant 0 : i32
      %sign3A_724 = vector.broadcast %sign3A_723 : i32 to vector<16xi32>
      %sign3A_725 = arith.cmpi slt, %add3A_715, %sign3A_724 : vector<16xi32>
      %sign3A_726 = arith.extui %sign3A_725 : vector<16xi1> to vector<16xi32>
      %sign3A_727 = arith.subi %sign3A_722, %sign3A_726 : vector<16xi32>
      %sign3A_728 = arith.constant 0 : i32
      %sign3A_729 = arith.cmpi sgt, %jit3A_716, %sign3A_728 : i32
      %sign3A_730 = arith.extui %sign3A_729 : i1 to i32
      %sign3A_731 = arith.constant 0 : i32
      %sign3A_732 = arith.cmpi slt, %jit3A_716, %sign3A_731 : i32
      %sign3A_733 = arith.extui %sign3A_732 : i1 to i32
      %sign3A_734 = arith.subi %sign3A_730, %sign3A_733 : i32
      %ne3A_735 = vector.broadcast %sign3A_734 : i32 to vector<16xi32>
      %ne3A_736 = arith.cmpi ne, %sign3A_727, %ne3A_735 : vector<16xi32>
      %rem3A_737 = vector.broadcast %jit3A_716 : i32 to vector<16xi32>
      %rem3A_738 = arith.remsi %add3A_715, %rem3A_737 : vector<16xi32>
      %ne3A_739 = arith.constant 0 : i32
      %ne3A_740 = vector.broadcast %ne3A_739 : i32 to vector<16xi32>
      %ne3A_741 = arith.cmpi ne, %rem3A_738, %ne3A_740 : vector<16xi32>
      %and3A_742 = arith.andi %ne3A_736, %ne3A_741 : vector<16xi1>
      %sub3A_743 = arith.constant 1 : i32
      %sub3A_744 = vector.broadcast %sub3A_743 : i32 to vector<16xi32>
      %sub3A_745 = arith.subi %div3A_718, %sub3A_744 : vector<16xi32>
      %select_n3A_746 = arith.select %and3A_742, %sub3A_745, %div3A_718 : vector<16xi1>, vector<16xi32>
      %jit3A_747 = arith.constant 128 : i32
      %eq3A_748 = arith.constant 0 : i32
      %eq3A_749 = arith.cmpi eq, %jit3A_747, %eq3A_748 : i32
      %jit3A_750 = arith.constant 1 : i32
      %select_n3A_751 = arith.select %eq3A_749, %jit3A_750, %jit3A_747 : i32
      %rem3A_752 = vector.broadcast %select_n3A_751 : i32 to vector<16xi32>
      %rem3A_753 = arith.remsi %add3A_715, %rem3A_752 : vector<16xi32>
      %ne3A_754 = arith.constant 0 : i32
      %ne3A_755 = vector.broadcast %ne3A_754 : i32 to vector<16xi32>
      %ne3A_756 = arith.cmpi ne, %rem3A_753, %ne3A_755 : vector<16xi32>
      %lt3A_757 = arith.constant 0 : i32
      %lt3A_758 = vector.broadcast %lt3A_757 : i32 to vector<16xi32>
      %lt3A_759 = arith.cmpi slt, %rem3A_753, %lt3A_758 : vector<16xi32>
      %lt3A_760 = arith.constant 0 : i32
      %lt3A_761 = arith.cmpi slt, %select_n3A_751, %lt3A_760 : i32
      %ne3A_762 = vector.broadcast %lt3A_761 : i1 to vector<16xi1>
      %ne3A_763 = vector.broadcast %ne3A_762 : vector<16xi1> to vector<16xi1>
      %ne3A_764 = arith.xori %lt3A_759, %ne3A_763 : vector<16xi1>
      %and3A_765 = arith.andi %ne3A_764, %ne3A_756 : vector<16xi1>
      %add3A_766 = vector.broadcast %select_n3A_751 : i32 to vector<16xi32>
      %add3A_767 = arith.addi %rem3A_753, %add3A_766 : vector<16xi32>
      %select_n3A_768 = arith.select %and3A_765, %add3A_767, %rem3A_753 : vector<16xi1>, vector<16xi32>
      %broadcast_in_dim3A_769 = vector.broadcast %reduce_max3A_32 : i32 to vector<16xi32>
      tpu.vector_store_idx %arg8[%select_n3A_746, %select_n3A_768], %broadcast_in_dim3A_769 : memref<33x128xi32, #tpu.memory_space<vmem>>[vector<16xi32>, vector<16xi32>], vector<16xi32>,
      %jit3A_770 = arith.constant 128 : i32
      %div3A_771 = vector.broadcast %jit3A_770 : i32 to vector<16xi32>
      %div3A_772 = arith.divsi %add3A_715, %div3A_771 : vector<16xi32>
      %sign3A_773 = arith.constant 0 : i32
      %sign3A_774 = vector.broadcast %sign3A_773 : i32 to vector<16xi32>
      %sign3A_775 = arith.cmpi sgt, %add3A_715, %sign3A_774 : vector<16xi32>
      %sign3A_776 = arith.extui %sign3A_775 : vector<16xi1> to vector<16xi32>
      %sign3A_777 = arith.constant 0 : i32
      %sign3A_778 = vector.broadcast %sign3A_777 : i32 to vector<16xi32>
      %sign3A_779 = arith.cmpi slt, %add3A_715, %sign3A_778 : vector<16xi32>
      %sign3A_780 = arith.extui %sign3A_779 : vector<16xi1> to vector<16xi32>
      %sign3A_781 = arith.subi %sign3A_776, %sign3A_780 : vector<16xi32>
      %sign3A_782 = arith.constant 0 : i32
      %sign3A_783 = arith.cmpi sgt, %jit3A_770, %sign3A_782 : i32
      %sign3A_784 = arith.extui %sign3A_783 : i1 to i32
      %sign3A_785 = arith.constant 0 : i32
      %sign3A_786 = arith.cmpi slt, %jit3A_770, %sign3A_785 : i32
      %sign3A_787 = arith.extui %sign3A_786 : i1 to i32
      %sign3A_788 = arith.subi %sign3A_784, %sign3A_787 : i32
      %ne3A_789 = vector.broadcast %sign3A_788 : i32 to vector<16xi32>
      %ne3A_790 = arith.cmpi ne, %sign3A_781, %ne3A_789 : vector<16xi32>
      %rem3A_791 = vector.broadcast %jit3A_770 : i32 to vector<16xi32>
      %rem3A_792 = arith.remsi %add3A_715, %rem3A_791 : vector<16xi32>
      %ne3A_793 = arith.constant 0 : i32
      %ne3A_794 = vector.broadcast %ne3A_793 : i32 to vector<16xi32>
      %ne3A_795 = arith.cmpi ne, %rem3A_792, %ne3A_794 : vector<16xi32>
      %and3A_796 = arith.andi %ne3A_790, %ne3A_795 : vector<16xi1>
      %sub3A_797 = arith.constant 1 : i32
      %sub3A_798 = vector.broadcast %sub3A_797 : i32 to vector<16xi32>
      %sub3A_799 = arith.subi %div3A_772, %sub3A_798 : vector<16xi32>
      %select_n3A_800 = arith.select %and3A_796, %sub3A_799, %div3A_772 : vector<16xi1>, vector<16xi32>
      %jit3A_801 = arith.constant 128 : i32
      %eq3A_802 = arith.constant 0 : i32
      %eq3A_803 = arith.cmpi eq, %jit3A_801, %eq3A_802 : i32
      %jit3A_804 = arith.constant 1 : i32
      %select_n3A_805 = arith.select %eq3A_803, %jit3A_804, %jit3A_801 : i32
      %rem3A_806 = vector.broadcast %select_n3A_805 : i32 to vector<16xi32>
      %rem3A_807 = arith.remsi %add3A_715, %rem3A_806 : vector<16xi32>
      %ne3A_808 = arith.constant 0 : i32
      %ne3A_809 = vector.broadcast %ne3A_808 : i32 to vector<16xi32>
      %ne3A_810 = arith.cmpi ne, %rem3A_807, %ne3A_809 : vector<16xi32>
      %lt3A_811 = arith.constant 0 : i32
      %lt3A_812 = vector.broadcast %lt3A_811 : i32 to vector<16xi32>
      %lt3A_813 = arith.cmpi slt, %rem3A_807, %lt3A_812 : vector<16xi32>
      %lt3A_814 = arith.constant 0 : i32
      %lt3A_815 = arith.cmpi slt, %select_n3A_805, %lt3A_814 : i32
      %ne3A_816 = vector.broadcast %lt3A_815 : i1 to vector<16xi1>
      %ne3A_817 = vector.broadcast %ne3A_816 : vector<16xi1> to vector<16xi1>
      %ne3A_818 = arith.xori %lt3A_813, %ne3A_817 : vector<16xi1>
      %and3A_819 = arith.andi %ne3A_818, %ne3A_810 : vector<16xi1>
      %add3A_820 = vector.broadcast %select_n3A_805 : i32 to vector<16xi32>
      %add3A_821 = arith.addi %rem3A_807, %add3A_820 : vector<16xi32>
      %select_n3A_822 = arith.select %and3A_819, %add3A_821, %rem3A_807 : vector<16xi1>, vector<16xi32>
      %broadcast_in_dim3A_823 = vector.broadcast %reduce_max3A_46 : i32 to vector<16xi32>
      tpu.vector_store_idx %arg9[%select_n3A_800, %select_n3A_822], %broadcast_in_dim3A_823 : memref<33x128xi32, #tpu.memory_space<vmem>>[vector<16xi32>, vector<16xi32>], vector<16xi32>,
      %add3A_824 = arith.constant 112 : i32
      %add3A_825 = arith.addi %scan3A_13, %add3A_824 : i32
      %add3A_826 = vector.broadcast %add3A_825 : i32 to vector<16xi32>
      %add3A_827 = arith.addi %add3A_826, %iota3A : vector<16xi32>
      %jit3A_828 = arith.constant 128 : i32
      %div3A_829 = vector.broadcast %jit3A_828 : i32 to vector<16xi32>
      %div3A_830 = arith.divsi %add3A_827, %div3A_829 : vector<16xi32>
      %sign3A_831 = arith.constant 0 : i32
      %sign3A_832 = vector.broadcast %sign3A_831 : i32 to vector<16xi32>
      %sign3A_833 = arith.cmpi sgt, %add3A_827, %sign3A_832 : vector<16xi32>
      %sign3A_834 = arith.extui %sign3A_833 : vector<16xi1> to vector<16xi32>
      %sign3A_835 = arith.constant 0 : i32
      %sign3A_836 = vector.broadcast %sign3A_835 : i32 to vector<16xi32>
      %sign3A_837 = arith.cmpi slt, %add3A_827, %sign3A_836 : vector<16xi32>
      %sign3A_838 = arith.extui %sign3A_837 : vector<16xi1> to vector<16xi32>
      %sign3A_839 = arith.subi %sign3A_834, %sign3A_838 : vector<16xi32>
      %sign3A_840 = arith.constant 0 : i32
      %sign3A_841 = arith.cmpi sgt, %jit3A_828, %sign3A_840 : i32
      %sign3A_842 = arith.extui %sign3A_841 : i1 to i32
      %sign3A_843 = arith.constant 0 : i32
      %sign3A_844 = arith.cmpi slt, %jit3A_828, %sign3A_843 : i32
      %sign3A_845 = arith.extui %sign3A_844 : i1 to i32
      %sign3A_846 = arith.subi %sign3A_842, %sign3A_845 : i32
      %ne3A_847 = vector.broadcast %sign3A_846 : i32 to vector<16xi32>
      %ne3A_848 = arith.cmpi ne, %sign3A_839, %ne3A_847 : vector<16xi32>
      %rem3A_849 = vector.broadcast %jit3A_828 : i32 to vector<16xi32>
      %rem3A_850 = arith.remsi %add3A_827, %rem3A_849 : vector<16xi32>
      %ne3A_851 = arith.constant 0 : i32
      %ne3A_852 = vector.broadcast %ne3A_851 : i32 to vector<16xi32>
      %ne3A_853 = arith.cmpi ne, %rem3A_850, %ne3A_852 : vector<16xi32>
      %and3A_854 = arith.andi %ne3A_848, %ne3A_853 : vector<16xi1>
      %sub3A_855 = arith.constant 1 : i32
      %sub3A_856 = vector.broadcast %sub3A_855 : i32 to vector<16xi32>
      %sub3A_857 = arith.subi %div3A_830, %sub3A_856 : vector<16xi32>
      %select_n3A_858 = arith.select %and3A_854, %sub3A_857, %div3A_830 : vector<16xi1>, vector<16xi32>
      %jit3A_859 = arith.constant 128 : i32
      %eq3A_860 = arith.constant 0 : i32
      %eq3A_861 = arith.cmpi eq, %jit3A_859, %eq3A_860 : i32
      %jit3A_862 = arith.constant 1 : i32
      %select_n3A_863 = arith.select %eq3A_861, %jit3A_862, %jit3A_859 : i32
      %rem3A_864 = vector.broadcast %select_n3A_863 : i32 to vector<16xi32>
      %rem3A_865 = arith.remsi %add3A_827, %rem3A_864 : vector<16xi32>
      %ne3A_866 = arith.constant 0 : i32
      %ne3A_867 = vector.broadcast %ne3A_866 : i32 to vector<16xi32>
      %ne3A_868 = arith.cmpi ne, %rem3A_865, %ne3A_867 : vector<16xi32>
      %lt3A_869 = arith.constant 0 : i32
      %lt3A_870 = vector.broadcast %lt3A_869 : i32 to vector<16xi32>
      %lt3A_871 = arith.cmpi slt, %rem3A_865, %lt3A_870 : vector<16xi32>
      %lt3A_872 = arith.constant 0 : i32
      %lt3A_873 = arith.cmpi slt, %select_n3A_863, %lt3A_872 : i32
      %ne3A_874 = vector.broadcast %lt3A_873 : i1 to vector<16xi1>
      %ne3A_875 = vector.broadcast %ne3A_874 : vector<16xi1> to vector<16xi1>
      %ne3A_876 = arith.xori %lt3A_871, %ne3A_875 : vector<16xi1>
      %and3A_877 = arith.andi %ne3A_876, %ne3A_868 : vector<16xi1>
      %add3A_878 = vector.broadcast %select_n3A_863 : i32 to vector<16xi32>
      %add3A_879 = arith.addi %rem3A_865, %add3A_878 : vector<16xi32>
      %select_n3A_880 = arith.select %and3A_877, %add3A_879, %rem3A_865 : vector<16xi1>, vector<16xi32>
      %broadcast_in_dim3A_881 = vector.broadcast %reduce_max3A_32 : i32 to vector<16xi32>
      tpu.vector_store_idx %arg8[%select_n3A_858, %select_n3A_880], %broadcast_in_dim3A_881 : memref<33x128xi32, #tpu.memory_space<vmem>>[vector<16xi32>, vector<16xi32>], vector<16xi32>,
      %jit3A_882 = arith.constant 128 : i32
      %div3A_883 = vector.broadcast %jit3A_882 : i32 to vector<16xi32>
      %div3A_884 = arith.divsi %add3A_827, %div3A_883 : vector<16xi32>
      %sign3A_885 = arith.constant 0 : i32
      %sign3A_886 = vector.broadcast %sign3A_885 : i32 to vector<16xi32>
      %sign3A_887 = arith.cmpi sgt, %add3A_827, %sign3A_886 : vector<16xi32>
      %sign3A_888 = arith.extui %sign3A_887 : vector<16xi1> to vector<16xi32>
      %sign3A_889 = arith.constant 0 : i32
      %sign3A_890 = vector.broadcast %sign3A_889 : i32 to vector<16xi32>
      %sign3A_891 = arith.cmpi slt, %add3A_827, %sign3A_890 : vector<16xi32>
      %sign3A_892 = arith.extui %sign3A_891 : vector<16xi1> to vector<16xi32>
      %sign3A_893 = arith.subi %sign3A_888, %sign3A_892 : vector<16xi32>
      %sign3A_894 = arith.constant 0 : i32
      %sign3A_895 = arith.cmpi sgt, %jit3A_882, %sign3A_894 : i32
      %sign3A_896 = arith.extui %sign3A_895 : i1 to i32
      %sign3A_897 = arith.constant 0 : i32
      %sign3A_898 = arith.cmpi slt, %jit3A_882, %sign3A_897 : i32
      %sign3A_899 = arith.extui %sign3A_898 : i1 to i32
      %sign3A_900 = arith.subi %sign3A_896, %sign3A_899 : i32
      %ne3A_901 = vector.broadcast %sign3A_900 : i32 to vector<16xi32>
      %ne3A_902 = arith.cmpi ne, %sign3A_893, %ne3A_901 : vector<16xi32>
      %rem3A_903 = vector.broadcast %jit3A_882 : i32 to vector<16xi32>
      %rem3A_904 = arith.remsi %add3A_827, %rem3A_903 : vector<16xi32>
      %ne3A_905 = arith.constant 0 : i32
      %ne3A_906 = vector.broadcast %ne3A_905 : i32 to vector<16xi32>
      %ne3A_907 = arith.cmpi ne, %rem3A_904, %ne3A_906 : vector<16xi32>
      %and3A_908 = arith.andi %ne3A_902, %ne3A_907 : vector<16xi1>
      %sub3A_909 = arith.constant 1 : i32
      %sub3A_910 = vector.broadcast %sub3A_909 : i32 to vector<16xi32>
      %sub3A_911 = arith.subi %div3A_884, %sub3A_910 : vector<16xi32>
      %select_n3A_912 = arith.select %and3A_908, %sub3A_911, %div3A_884 : vector<16xi1>, vector<16xi32>
      %jit3A_913 = arith.constant 128 : i32
      %eq3A_914 = arith.constant 0 : i32
      %eq3A_915 = arith.cmpi eq, %jit3A_913, %eq3A_914 : i32
      %jit3A_916 = arith.constant 1 : i32
      %select_n3A_917 = arith.select %eq3A_915, %jit3A_916, %jit3A_913 : i32
      %rem3A_918 = vector.broadcast %select_n3A_917 : i32 to vector<16xi32>
      %rem3A_919 = arith.remsi %add3A_827, %rem3A_918 : vector<16xi32>
      %ne3A_920 = arith.constant 0 : i32
      %ne3A_921 = vector.broadcast %ne3A_920 : i32 to vector<16xi32>
      %ne3A_922 = arith.cmpi ne, %rem3A_919, %ne3A_921 : vector<16xi32>
      %lt3A_923 = arith.constant 0 : i32
      %lt3A_924 = vector.broadcast %lt3A_923 : i32 to vector<16xi32>
      %lt3A_925 = arith.cmpi slt, %rem3A_919, %lt3A_924 : vector<16xi32>
      %lt3A_926 = arith.constant 0 : i32
      %lt3A_927 = arith.cmpi slt, %select_n3A_917, %lt3A_926 : i32
      %ne3A_928 = vector.broadcast %lt3A_927 : i1 to vector<16xi1>
      %ne3A_929 = vector.broadcast %ne3A_928 : vector<16xi1> to vector<16xi1>
      %ne3A_930 = arith.xori %lt3A_925, %ne3A_929 : vector<16xi1>
      %and3A_931 = arith.andi %ne3A_930, %ne3A_922 : vector<16xi1>
      %add3A_932 = vector.broadcast %select_n3A_917 : i32 to vector<16xi32>
      %add3A_933 = arith.addi %rem3A_919, %add3A_932 : vector<16xi32>
      %select_n3A_934 = arith.select %and3A_931, %add3A_933, %rem3A_919 : vector<16xi1>, vector<16xi32>
      %broadcast_in_dim3A_935 = vector.broadcast %reduce_max3A_46 : i32 to vector<16xi32>
      tpu.vector_store_idx %arg9[%select_n3A_912, %select_n3A_934], %broadcast_in_dim3A_935 : memref<33x128xi32, #tpu.memory_space<vmem>>[vector<16xi32>, vector<16xi32>], vector<16xi32>,
      %add3A_936 = arith.constant 128 : i32
      %add3A_937 = arith.addi %scan3A_13, %add3A_936 : i32
      %sub3A_938 = arith.constant 1 : i32
      %sub3A_939 = arith.subi %add3A_937, %sub3A_938 : i32
      %jit3A_940 = arith.constant 128 : i32
      %div3A_941 = arith.divsi %sub3A_939, %jit3A_940 : i32
      %sign3A_942 = arith.constant 0 : i32
      %sign3A_943 = arith.cmpi sgt, %sub3A_939, %sign3A_942 : i32
      %sign3A_944 = arith.extui %sign3A_943 : i1 to i32
      %sign3A_945 = arith.constant 0 : i32
      %sign3A_946 = arith.cmpi slt, %sub3A_939, %sign3A_945 : i32
      %sign3A_947 = arith.extui %sign3A_946 : i1 to i32
      %sign3A_948 = arith.subi %sign3A_944, %sign3A_947 : i32
      %sign3A_949 = arith.constant 0 : i32
      %sign3A_950 = arith.cmpi sgt, %jit3A_940, %sign3A_949 : i32
      %sign3A_951 = arith.extui %sign3A_950 : i1 to i32
      %sign3A_952 = arith.constant 0 : i32
      %sign3A_953 = arith.cmpi slt, %jit3A_940, %sign3A_952 : i32
      %sign3A_954 = arith.extui %sign3A_953 : i1 to i32
      %sign3A_955 = arith.subi %sign3A_951, %sign3A_954 : i32
      %ne3A_956 = arith.cmpi ne, %sign3A_948, %sign3A_955 : i32
      %rem3A_957 = arith.remsi %sub3A_939, %jit3A_940 : i32
      %ne3A_958 = arith.constant 0 : i32
      %ne3A_959 = arith.cmpi ne, %rem3A_957, %ne3A_958 : i32
      %and3A_960 = arith.andi %ne3A_956, %ne3A_959 : i1
      %sub3A_961 = arith.constant 1 : i32
      %sub3A_962 = arith.subi %div3A_941, %sub3A_961 : i32
      %select_n3A_963 = arith.select %and3A_960, %sub3A_962, %div3A_941 : i32
      %while3A = arith.constant 0 : i32
      %while3A_964 = arith.constant 0 : i32
      %while3A_965 = arith.subi %select_n3A_963, %while3A_964 : i32
      %while3A_966 = arith.addi %while3A_964, %while3A_965 : i32
      %while3A_967 = arith.constant 1 : i32
      %while3A_968 = arith.divsi %while3A_965, %while3A_967 : i32
      %while3A_969 = arith.muli %while3A_968, %while3A_967 : i32
      %while3A_970 = arith.addi %while3A_964, %while3A_969 : i32
      %while3A_971 = arith.constant 1 : i32
      scf.for %while3A_973 = %while3A_964 to %while3A_970 step %while3A_971  : i32 {
        %dma_start3A = arith.constant 0 : i32
        %dma_start3A_974 = tpu.memref_slice %arg9[%while3A_973, %dma_start3A] : memref<33x128xi32, #tpu.memory_space<vmem>> -> memref<1x128xi32, #tpu.memory_space<vmem>>
        %dma_start3A_975 = tpu.memref_squeeze %dma_start3A_974 : memref<1x128xi32, #tpu.memory_space<vmem>> -> memref<128xi32, #tpu.memory_space<vmem>>
        %dma_start3A_976 = arith.constant 0 : i32
        %dma_start3A_977 = arith.constant 0 : i32
        %dma_start3A_978 = tpu.memref_slice %arg4[%dma_start3A_976, %dma_start3A_977] : memref<4096x128xf32, #tpu.memory_space<hbm>> -> memref<4096x128xf32, #tpu.memory_space<hbm>>
        tpu.enqueue_indirect_dma source(%dma_start3A_978 : memref<4096x128xf32, #tpu.memory_space<hbm>>) target(%arg10 : memref<128x128xf32, #tpu.memory_space<vmem>>) offsets(%dma_start3A_975 : memref<128xi32, #tpu.memory_space<vmem>>) semaphore(%arg12 : memref<!tpu.dma_semaphore, #tpu.memory_space<semaphore_mem>>)
        %dma_wait3A = arith.constant 0 : i32
        %dma_wait3A_979 = tpu.memref_slice %arg9[%while3A_973, %dma_wait3A] : memref<33x128xi32, #tpu.memory_space<vmem>> -> memref<1x128xi32, #tpu.memory_space<vmem>>
        %dma_wait3A_980 = tpu.memref_squeeze %dma_wait3A_979 : memref<1x128xi32, #tpu.memory_space<vmem>> -> memref<128xi32, #tpu.memory_space<vmem>>
        %dma_wait3A_981 = arith.constant 0 : i32
        %dma_wait3A_982 = arith.constant 0 : i32
        %dma_wait3A_983 = tpu.memref_slice %arg4[%dma_wait3A_981, %dma_wait3A_982] : memref<4096x128xf32, #tpu.memory_space<hbm>> -> memref<4096x128xf32, #tpu.memory_space<hbm>>
        tpu.wait_indirect_dma semaphore(%arg12 : memref<!tpu.dma_semaphore, #tpu.memory_space<semaphore_mem>>) src(%dma_wait3A_983 : memref<4096x128xf32, #tpu.memory_space<hbm>>) dst(%arg10 : memref<128x128xf32, #tpu.memory_space<vmem>>)
        %dma_start3A_984 = arith.constant 0 : i32
        %dma_start3A_985 = tpu.memref_slice %arg8[%while3A_973, %dma_start3A_984] : memref<33x128xi32, #tpu.memory_space<vmem>> -> memref<1x128xi32, #tpu.memory_space<vmem>>
        %dma_start3A_986 = tpu.memref_squeeze %dma_start3A_985 : memref<1x128xi32, #tpu.memory_space<vmem>> -> memref<128xi32, #tpu.memory_space<vmem>>
        %dma_start3A_987 = arith.constant 0 : i32
        %dma_start3A_988 = arith.constant 0 : i32
        %dma_start3A_989 = tpu.memref_slice %arg2[%dma_start3A_987, %dma_start3A_988] : memref<100000x128xf32, #tpu.memory_space<hbm>> -> memref<100000x128xf32, #tpu.memory_space<hbm>>
        tpu.enqueue_indirect_dma source(%arg10 : memref<128x128xf32, #tpu.memory_space<vmem>>) target(%dma_start3A_989 : memref<100000x128xf32, #tpu.memory_space<hbm>>) offsets(%dma_start3A_986 : memref<128xi32, #tpu.memory_space<vmem>>) semaphore(%arg13 : memref<!tpu.dma_semaphore, #tpu.memory_space<semaphore_mem>>)
        %dma_wait3A_990 = arith.constant 0 : i32
        %dma_wait3A_991 = tpu.memref_slice %arg8[%while3A_973, %dma_wait3A_990] : memref<33x128xi32, #tpu.memory_space<vmem>> -> memref<1x128xi32, #tpu.memory_space<vmem>>
        %dma_wait3A_992 = tpu.memref_squeeze %dma_wait3A_991 : memref<1x128xi32, #tpu.memory_space<vmem>> -> memref<128xi32, #tpu.memory_space<vmem>>
        %dma_wait3A_993 = arith.constant 0 : i32
        %dma_wait3A_994 = arith.constant 0 : i32
        %dma_wait3A_995 = tpu.memref_slice %arg2[%dma_wait3A_993, %dma_wait3A_994] : memref<100000x128xf32, #tpu.memory_space<hbm>> -> memref<100000x128xf32, #tpu.memory_space<hbm>>
        tpu.wait_indirect_dma semaphore(%arg13 : memref<!tpu.dma_semaphore, #tpu.memory_space<semaphore_mem>>) src(%arg10 : memref<128x128xf32, #tpu.memory_space<vmem>>) dst(%dma_wait3A_995 : memref<100000x128xf32, #tpu.memory_space<hbm>>)
      }
      %while3A_972 = arith.constant 1 : i32
      scf.for %while3A_973 = %while3A_970 to %while3A_966 step %while3A_972  : i32 {
        %dma_start3A = arith.constant 0 : i32
        %dma_start3A_974 = tpu.memref_slice %arg9[%while3A_973, %dma_start3A] : memref<33x128xi32, #tpu.memory_space<vmem>> -> memref<1x128xi32, #tpu.memory_space<vmem>>
        %dma_start3A_975 = tpu.memref_squeeze %dma_start3A_974 : memref<1x128xi32, #tpu.memory_space<vmem>> -> memref<128xi32, #tpu.memory_space<vmem>>
        %dma_start3A_976 = arith.constant 0 : i32
        %dma_start3A_977 = arith.constant 0 : i32
        %dma_start3A_978 = tpu.memref_slice %arg4[%dma_start3A_976, %dma_start3A_977] : memref<4096x128xf32, #tpu.memory_space<hbm>> -> memref<4096x128xf32, #tpu.memory_space<hbm>>
        tpu.enqueue_indirect_dma source(%dma_start3A_978 : memref<4096x128xf32, #tpu.memory_space<hbm>>) target(%arg10 : memref<128x128xf32, #tpu.memory_space<vmem>>) offsets(%dma_start3A_975 : memref<128xi32, #tpu.memory_space<vmem>>) semaphore(%arg12 : memref<!tpu.dma_semaphore, #tpu.memory_space<semaphore_mem>>)
        %dma_wait3A = arith.constant 0 : i32
        %dma_wait3A_979 = tpu.memref_slice %arg9[%while3A_973, %dma_wait3A] : memref<33x128xi32, #tpu.memory_space<vmem>> -> memref<1x128xi32, #tpu.memory_space<vmem>>
        %dma_wait3A_980 = tpu.memref_squeeze %dma_wait3A_979 : memref<1x128xi32, #tpu.memory_space<vmem>> -> memref<128xi32, #tpu.memory_space<vmem>>
        %dma_wait3A_981 = arith.constant 0 : i32
        %dma_wait3A_982 = arith.constant 0 : i32
        %dma_wait3A_983 = tpu.memref_slice %arg4[%dma_wait3A_981, %dma_wait3A_982] : memref<4096x128xf32, #tpu.memory_space<hbm>> -> memref<4096x128xf32, #tpu.memory_space<hbm>>
        tpu.wait_indirect_dma semaphore(%arg12 : memref<!tpu.dma_semaphore, #tpu.memory_space<semaphore_mem>>) src(%dma_wait3A_983 : memref<4096x128xf32, #tpu.memory_space<hbm>>) dst(%arg10 : memref<128x128xf32, #tpu.memory_space<vmem>>)
        %dma_start3A_984 = arith.constant 0 : i32
        %dma_start3A_985 = tpu.memref_slice %arg8[%while3A_973, %dma_start3A_984] : memref<33x128xi32, #tpu.memory_space<vmem>> -> memref<1x128xi32, #tpu.memory_space<vmem>>
        %dma_start3A_986 = tpu.memref_squeeze %dma_start3A_985 : memref<1x128xi32, #tpu.memory_space<vmem>> -> memref<128xi32, #tpu.memory_space<vmem>>
        %dma_start3A_987 = arith.constant 0 : i32
        %dma_start3A_988 = arith.constant 0 : i32
        %dma_start3A_989 = tpu.memref_slice %arg2[%dma_start3A_987, %dma_start3A_988] : memref<100000x128xf32, #tpu.memory_space<hbm>> -> memref<100000x128xf32, #tpu.memory_space<hbm>>
        tpu.enqueue_indirect_dma source(%arg10 : memref<128x128xf32, #tpu.memory_space<vmem>>) target(%dma_start3A_989 : memref<100000x128xf32, #tpu.memory_space<hbm>>) offsets(%dma_start3A_986 : memref<128xi32, #tpu.memory_space<vmem>>) semaphore(%arg13 : memref<!tpu.dma_semaphore, #tpu.memory_space<semaphore_mem>>)
        %dma_wait3A_990 = arith.constant 0 : i32
        %dma_wait3A_991 = tpu.memref_slice %arg8[%while3A_973, %dma_wait3A_990] : memref<33x128xi32, #tpu.memory_space<vmem>> -> memref<1x128xi32, #tpu.memory_space<vmem>>
        %dma_wait3A_992 = tpu.memref_squeeze %dma_wait3A_991 : memref<1x128xi32, #tpu.memory_space<vmem>> -> memref<128xi32, #tpu.memory_space<vmem>>
        %dma_wait3A_993 = arith.constant 0 : i32
        %dma_wait3A_994 = arith.constant 0 : i32
        %dma_wait3A_995 = tpu.memref_slice %arg2[%dma_wait3A_993, %dma_wait3A_994] : memref<100000x128xf32, #tpu.memory_space<hbm>> -> memref<100000x128xf32, #tpu.memory_space<hbm>>
        tpu.wait_indirect_dma semaphore(%arg13 : memref<!tpu.dma_semaphore, #tpu.memory_space<semaphore_mem>>) src(%arg10 : memref<128x128xf32, #tpu.memory_space<vmem>>) dst(%dma_wait3A_995 : memref<100000x128xf32, #tpu.memory_space<hbm>>)
      }
    } else {
    }
    return
  }
}

module attributes {stable_mosaic.version = 14 : i64} {
  func.func @body(%arg0: i32, %arg1: memref<8000x128xf32, #tpu.memory_space<vmem>>, %arg2: memref<8000x128xf32, #tpu.memory_space<vmem>>) attributes {dimension_semantics = [#tpu.dimension_semantics<arbitrary>], iteration_bounds = array<i64: 13>, scalar_prefetch = 0 : i64, scratch_operands = 0 : i64, tpu.core_type = #tpu.core_type<tc>, window_params = [{transform_indices = @transform_0, window_bounds = array<i64: 8000, 128>}, {transform_indices = @transform_1, window_bounds = array<i64: 8000, 128>}]} {
    %get3A = arith.constant 0 : index
    %get3A_0 = arith.constant 0 : index
    %get3A_1 = vector.load %arg1[%get3A, %get3A_0] : memref<8000x128xf32, #tpu.memory_space<vmem>>, vector<8000x128xf32>
    %swap3A = arith.constant 0 : index
    %swap3A_2 = arith.constant 0 : index
    %swap3A_3 = vector.load %arg2[%swap3A, %swap3A_2] : memref<8000x128xf32, #tpu.memory_space<vmem>>, vector<8000x128xf32>
    tpu.vector_store %arg2[%swap3A, %swap3A_2], %get3A_1 {strides = array<i32>} : memref<8000x128xf32, #tpu.memory_space<vmem>>, vector<8000x128xf32>,
    return
  }
  func.func @transform_0(%arg0: i32) -> (i32, i32) {
    %c0_i32 = arith.constant 0 : i32
    %c0_i32_0 = arith.constant 0 : i32
    return %arg0, %c0_i32 : i32, i32
  }
  func.func @transform_1(%arg0: i32) -> (i32, i32) {
    %c0_i32 = arith.constant 0 : i32
    %c0_i32_0 = arith.constant 0 : i32
    return %arg0, %c0_i32 : i32, i32
  }
}

</mosaic_0001>

<sc_bundles>
// kernel: kernel.4.cloned.1.call-start
scs
__scs_entry_jumppad:
0x0: {  	(pc) =	sbr.rel $0x88, $3  }
0x1: {  	(tag) =	ssettag $0x0;
	lr =	simm.s32 $0x1  }
0x2: {  	[smem:$0x3F9E] =	sst lr;
	_ =	strace $0xD0000000  }
0x3: {  	_ = 	snop  }
0x4: {  	_ = 	snop  }
0x5: {  	_ = 	snop  }
0x6: {  	_ = 	snop  }
0x7: {  	_ = 	snop  }
__scs_overlays_trampoline_lowered:
0x8: {  	[smem:$0x3FAD] =	sst s0  }
0x9: {  	[smem:$0x3FAE] =	sst s1  }
0xa: {  	[smem:$0x3FAF] =	sst s2  }
0xb: {  	[smem:$0x3FB0] =	sst s3  }
0xc: {  	[smem:$0x3FB1] =	sst s4  }
0xd: {  	[smem:$0x3FB2] =	sst s5  }
0xe: {  	[smem:$0x3FB3] =	sst s6  }
0xf: {  	[smem:$0x3FB4] =	sst s7  }
0x10: {  	[smem:$0x3FB5] =	sst s8  }
0x11: {  	[smem:$0x3FB6] =	sst s9;
	s0 =	simm.s32 @!p0 $0x0  }
0x12: {  	s1 =	sld [smem:$0x3F9C];
	s0 =	simm.s32 @p0 $0x1  }
0x13: {  	[smem:$0x3FB7] =	sst s0;
	s0 =	simm.s32 @!p1 $0x0  }
0x14: {  	s2 =	sld [smem:$0x3F9B];
	s0 =	simm.s32 @p1 $0x1  }
0x15: {  	[smem:$0x3FB8] =	sst s0;
	s0 =	simm.s32 @!p2 $0x0  }
0x16: {  	s3 =	sld [smem:$0x3FDB];
	s0 =	simm.s32 @p2 $0x1  }
0x17: {  	s4 =	simm.s32 $0x1BF5;
	[smem:$0x3FBA] =	sst s0  }
0x18: {  	s0 =	sld [smem:$0x3F9D];
	_ =	swait.ge [sflag:s4], $0x0  }
0x19: {  	s7 =	sld [smem:$0x3F9E]  }
0x1a: {  	s8 =	sadd.s32 $0xFFFFE003, lr  }
0x1b: {  	s9 =	sadd.s32 $0xFFFFFEF7, lr;
	s5 =	simm.s32 $0xFFFFFFFF;
	p2 =	slt.u32 s8, $0xFFFFF086  }
0x1c: {  	p1 =	slt.u32 s9, $0xF7A;
	s5 =	simm.s32 @!p2 $0x0  }
0x1d: {  	s5 =	simm.s32 @p1 $0x1;
	p0 =	seq.s32 s7, s2  }
0x1e: {  	s7 =	smul.u32 @!p0 $0xF7A, s2;
	p2 =	seq.s32 @!p0 s5, $0x0  }
0x1f: {  	s9 =	smul.u32 $0xF7A, s1;
	s8 =	simm.s32 @!p0 $0x1BF5;
	p2 =	por !p2, p0  }
0x20: {  	[sflag:s8] =	ssyncset.s32 @!p0 $0xFFFFF086;
	s6 =	sadd.s32 @!p0 s3, s7;
	s7 =	simm.s32 @!p0 $0x108  }
0x21: {  	s3 =	sadd.s32 s3, s9;
	s6 =	sadd.s32 @!p0 $0x88, s6;
	s7 =	simm.s32 @p2 $0x1082  }
0x22: {  	[simem:s7], [sflag:s8] =	dma.local @!p0 [hbm:s6], $0xF7A  }
0x23: {  	s9 =	sor.u32 $0xD0000000, s2;
	s6 =	simm.s32 $0x108;
	_ =	swait.ge @!p0 [sflag:s8], $0x0  }
0x24: {  	s3 =	sadd.s32 $0x88, s3;
	s6 =	simm.s32 @!p1 $0x1082;
	[sflag:s4] =	ssyncset.s32 $0xFFFFF086  }
0x25: {  	[simem:s6], [sflag:s4] =	dma.local [hbm:s3], $0xF7A  }
0x26: {  	[smem:$0x3F9E] =	sst s1;
	(tag) =	ssettag s2;
	_ =	strace s9  }
0x27: {  	s1 =	sld [smem:$0x3FAE]  }
0x28: {  	s2 =	sld [smem:$0x3FAF]  }
0x29: {  	s4 =	sld [smem:$0x3FB1]  }
0x2a: {  	p0 =	seq.s32 s5, $0x0;
	s5 =	sld [smem:$0x3FB2]  }
0x2b: {  	s6 =	sld [smem:$0x3FB3]  }
0x2c: {  	s7 =	sld [smem:$0x3FB4]  }
0x2d: {  	s3 =	simm.s32 $0x108;
	s8 =	sld [smem:$0x3FB5]  }
0x2e: {  	s3 =	simm.s32 @!p0 $0x1082;
	s9 =	sld [smem:$0x3FB6]  }
0x2f: {  	lr =	sadd.s32 s0, s3;
	s0 =	sld [smem:$0x3FAD]  }
0x30: {  	s3 =	sld [smem:$0x3FB0]  }
0x31: {  	[smem:$0x3FB9] =	sst s10  }
0x32: {  	s10 =	sld [smem:$0x3FB7];
	_ =	sdelay $0x3  }
0x33: {  	p0 =	seq.s32 s10, $0x1;
	s10 =	sld [smem:$0x3FB9];
	_ =	sdelay $0x3  }
0x34: {  	[smem:$0x3FB9] =	sst s10  }
0x35: {  	s10 =	sld [smem:$0x3FB8];
	_ =	sdelay $0x3  }
0x36: {  	p1 =	seq.s32 s10, $0x1;
	s10 =	sld [smem:$0x3FB9];
	_ =	sdelay $0x3  }
0x37: {  	[smem:$0x3FB9] =	sst s10  }
0x38: {  	s10 =	sld [smem:$0x3FBA]  }
0x39: {  	_ = 	snop;
	(pc) =	sbr.ind lr, $3  }
0x3a: {  	_ = 	snop  }
0x3b: {  	_ = 	snop  }
0x3c: {  	p2 =	seq.s32 s10, $0x1;
	s10 =	sld [smem:$0x3FB9]  }
0x3d: {  	_ =	shalt  }
0x3e: {  	_ =	shalt  }
0x3f: {  	_ =	shalt  }
0x40: {  	_ =	shalt  }
0x41: {  	_ =	shalt  }
0x42: {  	_ =	shalt  }
0x43: {  	_ =	shalt  }
0x44: {  	_ =	shalt  }
0x45: {  	_ =	shalt  }
0x46: {  	_ =	shalt  }
0x47: {  	_ =	shalt  }
0x48: {  	_ =	shalt  }
0x49: {  	_ =	shalt  }
0x4a: {  	_ =	shalt  }
0x4b: {  	_ =	shalt  }
0x4c: {  	_ =	shalt  }
0x4d: {  	_ =	shalt  }
0x4e: {  	_ =	shalt  }
0x4f: {  	_ =	shalt  }
0x50: {  	_ =	shalt  }
0x51: {  	_ =	shalt  }
0x52: {  	_ =	shalt  }
0x53: {  	_ =	shalt  }
0x54: {  	_ =	shalt  }
0x55: {  	_ =	shalt  }
0x56: {  	_ =	shalt  }
0x57: {  	_ =	shalt  }
0x58: {  	_ =	shalt  }
0x59: {  	_ =	shalt  }
0x5a: {  	_ =	shalt  }
0x5b: {  	_ =	shalt  }
0x5c: {  	_ =	shalt  }
0x5d: {  	_ =	shalt  }
0x5e: {  	_ =	shalt  }
0x5f: {  	_ =	shalt  }
0x60: {  	_ =	shalt  }
0x61: {  	_ =	shalt  }
0x62: {  	_ =	shalt  }
0x63: {  	_ =	shalt  }
0x64: {  	_ =	shalt  }
0x65: {  	_ =	shalt  }
0x66: {  	_ =	shalt  }
0x67: {  	_ =	shalt  }
0x68: {  	_ =	shalt  }
0x69: {  	_ =	shalt  }
0x6a: {  	_ =	shalt  }
0x6b: {  	_ =	shalt  }
0x6c: {  	_ =	shalt  }
0x6d: {  	_ =	shalt  }
0x6e: {  	_ =	shalt  }
0x6f: {  	_ =	shalt  }
0x70: {  	_ =	shalt  }
0x71: {  	_ =	shalt  }
0x72: {  	_ =	shalt  }
0x73: {  	_ =	shalt  }
0x74: {  	_ =	shalt  }
0x75: {  	_ =	shalt  }
0x76: {  	_ =	shalt  }
0x77: {  	_ =	shalt  }
0x78: {  	_ =	shalt  }
0x79: {  	_ =	shalt  }
0x7a: {  	_ =	shalt  }
0x7b: {  	_ =	shalt  }
0x7c: {  	_ =	shalt  }
0x7d: {  	_ =	shalt  }
0x7e: {  	_ =	shalt  }
0x7f: {  	_ =	shalt  }
0x80: {  	_ =	shalt  }
0x81: {  	_ =	shalt  }
0x82: {  	_ =	shalt  }
0x83: {  	_ =	shalt  }
0x84: {  	_ =	shalt  }
0x85: {  	_ =	shalt  }
0x86: {  	_ =	shalt  }
0x87: {  	_ =	shalt  }
.Lfunc_end0:
.L_simem_size_0:
called_computation_lowered:
.L_overlay_start_0:
0x88: {  	s2 =	sld [smem:$0x3FD9]  }
0x89: {  	s3 =	sld [smem:$0x3FFE];
	_ =	sdelay $0x1  }
0x8a: {  	s1 =	srdreg.scid  }
0x8b: {  	s0 =	sand.u32 $0x1, s1  }
0x8c: {  	s18 =	sshll.u32 s0, $0xA;
	s2 =	sadd.s32 s3, s2  }
0x8d: {  	s2 =	sadd.s32 s2, s18  }
0x8e: {  	[smem:$0x3FC5] =	sst s2  }
0x8f: {  	_ = 	snop  }
0x90: {  	s2 =	sld [smem:$0x3FC8]  }
0x91: {  	s19 =	sld [smem:$0x3FC7]  }
0x92: {  	s4 =	sld [smem:$0x3FD0];
	(tm) =	ssettm $0x1  }
0x93: {  	s5 =	sld [smem:$0x3FFB];
	_ =	sdelay $0x3  }
0x94: {  	_ =	strace s5  }
0x95: {  	s5 =	sld [smem:$0x3FFC];
	_ =	sdelay $0x3  }
0x96: {  	_ =	strace s5  }
0x97: {  	s5 =	sld [smem:$0x3FFD];
	_ =	sdelay $0x3  }
0x98: {  	_ =	strace s5  }
0x99: {  	_ =	strace $0x8FFFFFFF  }
0x9a: {  	s20 =	sld [smem:$0x3FDB];
	_ =	sdelay $0x1  }
0x9b: {  	s6 =	simm.s32 $_scs_section_size  }
0x9c: {  	s7 =	simm.s32 $_size__tile_overlayer_lowered;
	s8 =	simm.s32 $_tile_overlayer_lowered  }
0x9d: {  	s23 =	simm.s32 $0x1BFF;
	s22 =	sshll.u32 s8, $0x1;
	s5 =	sadd.s32 s6, s20  }
0x9e: {  	s9 =	simm.s32 $0x0;
	s21 =	sshll.u32 s7, $0x1;
	s7 =	sadd.s32 s22, s5  }
0x9f: {  	[timem:s9], [sflag:s23] =	dma.local [hbm:s7], s21  }
0xa0: {  	_ =	swait.ge [sflag:s23], s21  }
0xa1: {  	s6 =	ssub.s32 $0x0, s21;
	[sflag:s23] =	ssyncset.done $0x0  }
0xa2: {  	[sflag:s23] =	ssyncadd.s32 s6;
	_ =	sdelay $0x1  }
0xa3: {  	s24 =	simm.s32 $0x1B8B  }
0xa4: {  	_ =	swait.ge [sflag:s24], $0x1  }
0xa5: {  	[sflag:s24] =	ssyncset.done $0x0  }
0xa6: {  	s25 =	simm.s32 $0x1B8E;
	[sflag:s24] =	ssyncadd.s32 $0xFFFFFFFF  }
0xa7: {  	s26 =	simm.s32 $execute0_lowered;
	[smem:$0x3FD2] =	sst s25  }
0xa8: {  	s6 =	sshll.u32 s26, $0x1;
	_ =	strace $0x80000046;
	[dreg:$0x1] =	wrdreg $0xFFFFFFFF  }
0xa9: {  	s28 =	simm.s32 $_size_execute0_lowered;
	s5 =	sadd.s32 s5, s6;
	[dreg:$0x0] =	wrdreg $0x0  }
0xaa: {  	s6 =	sshll.u32 s28, $0x1;
	[dreg:$0x2] =	wrdreg s5  }
0xab: {  	[dreg:$0x3] =	wrdreg s6  }
0xac: {  	[dreg:$0x4] =	wrdreg $0xC0  }
0xad: {  	_ =	task [dreg:s9], $0x5FFFF  }
0xae: {  	[dreg:$0x1] =	wrdreg $0xFFFFFFFF  }
0xaf: {  	[dreg:$0x0] =	wrdreg $0x60  }
0xb0: {  	[dreg:$0x2] =	wrdreg s4  }
0xb1: {  	[dreg:$0x3] =	wrdreg s2  }
0xb2: {  	[dreg:$0x4] =	wrdreg s19  }
0xb3: {  	[dreg:$0x5] =	wrdreg $0x9  }
0xb4: {  	_ =	task.clear_ibuf [dreg:s9], $0x6FFFF;
	_ =	strace $0x90000046  }
0xb5: {  	s29 =	simm.s32 $0x9;
	_ =	strace $0x80000048  }
0xb6: {  	_ =	swait.ge [sflag:s29], $0x1  }
0xb7: {  	[sflag:s29] =	ssyncadd.s32 $0xFFFFFFFF  }
0xb8: {  	_ =	strace $0x90000048  }
0xb9: {  	_ =	sfence  }
0xba: {  	s30 =	sld [smem:$0x0];
	_ =	sdelay $0x2  }
0xbb: {  	s31 =	sshll.u32 s1, $0xD;
	s1 =	sshrl.u32 s1, $0x2  }
0xbc: {  	s3 =	sand.u32 $0x4000, s31;
	s1 =	sadd.s32 s1, s30  }
0xbd: {  	s0 =	sor.u32 s3, s0;
	s1 =	sshll.u32 s1, $0x11  }
0xbe: {  	s0 =	sor.u32 s1, s0  }
0xbf: {  	s0 =	sadd.s32 $0x8F2B, s0  }
0xc0: {  	[sflag:s0] =	ssyncadd.remote.s32 $0x1  }
0xc1: {  	_ =	sfence.sel $0xFFFF  }
0xc2: {  	[dreg:$0x0] =	wrdreg $0xFFFFFFFF;
	(pc) =	sbr.abs _section_cstart, $3  }
0xc3: {  	[dreg:$0x1] =	wrdreg $0xFFFFFFFF  }
0xc4: {  	_ =	task.clear_ibuf [dreg:s9], $0x2FFFF;
	_ =	strace $0x9FFFFFFF  }
0xc5: {  	(tm) =	ssettm $0x7FFFFFFF  }
tec
execute0_lowered:
.L_overlay_start_1:
0x0: {  	(tag) =	ssettag $0x1  }
0x1: {  	s0 =	rddreg [dreg:$0x0]  }
0x2: {  	s1 =	srdreg.scid;
	s3 =	rddreg [dreg:$0x1]  }
0x3: {  	s4 =	rddreg [dreg:$0x2];
	s2 =	stileid.u32  }
0x4: {  	s9 =	simm.s32 $0x1C38;
	s10 =	simm.s32 $0x2CB8;
	s11 =	simm.s32 $0x80  }
0x5: {  	s12 =	simm.s32 $0x3D38;
	s14 =	simm.s32 $0x3;
	s15 =	simm.s32 $0x0  }
.Ltmp0:
0x6: {  	s5 =	sand.u32 $0x1, s1;
	s8 =	sshll.u32 s2, $0x1;
	(pc) =	sbr.rel .LBB2_1-.Ltmp0, $4  }
0x7: {  	s1 =	rddreg [dreg:$0x3];
	s6 =	ssub.s32 $0x2, s5;
	s5 =	sor.u32 s5, s8  }
0x8: {  	_ =	strace $0x80000047;
	s7 =	sshrl.u32 s6, $0x1;
	s13 =	smul.u32 $0xC35, s5  }
0x9: {  	s8 =	simm.s32 $0x1000;
	s6 =	ssub.s32 s6, s7;
	s7 =	simm.s32 $0x1  }
0xa: {  	v1 =	vlaneseq.u32;
	v2 =	vimm.s32 $0x0;
	s5 =	smax.u32 s6, $0x1;
	s6 =	simm.s32 $0x0;
	v0 =	vmov s13;
	s13 =	simm.s32 $0x2  }
.LBB2_8:
0xb: {  	[sflag:s14] =	ssyncadd.s32 $0xFFFFC000  }
.LBB2_9:
0xc: {  	s15 =	sadd.s32 $0x1, s15  }
0xd: {  	p0 =	sne.s32 s15, s5  }
.Ltmp1:
0xe: {  	_ = 	snop;
	(pc) =	sbr.rel @!p0 .LBB2_10-.Ltmp1, $1  }
0xf: {  	_ =	sdelay $0x3  }
.LBB2_1:
0x10: {  	[tilespmem:s6], [sflag:$0x1] =	stream.linear.gather [hbm4b:s3+s6], $0x1000, $0x38;
	[tilespmem:$0x7D38] =	vst v63  }
0x11: {  	s16 =	simm.s32 $0xFFFFFFF8;
	_ =	swait.ge [sflag:s7], $0x1000  }
0x12: {  	s17 =	simm.s32 $0x40;
	s19 =	simm.s32 $0x40;
	[sflag:s7] =	ssyncset.done $0x0  }
0x13: {  	s20 =	simm.s32 $0x0;
	s21 =	simm.s32 $0xFFFFFFF8;
	[sflag:s7] =	ssyncadd.s32 $0xFFFFF000  }
.LBB2_2:
0x14: {  	v3 =	vld [tilespmem:s19+$0xFFFFFFC0];
	_ =	sdelay $0x4  }
0x15: {  	v3 =	vsub.s32 v3, v0  }
0x16: {  	vm0 =	vlt.u32 v3, $0xC35  }
0x17: {  	v3 =	vnsel vm0, $0x0, v3;
	_ =	sdelay $0x3  }
0x18: {  	v4 =	vor.u32 s20, v1  }
0x19: {  	[tilespmem:v3+s8+$0x0] =	vst.idx.msk vm0, v4  }
0x1a: {  	v3 =	vld [tilespmem:s19+$0xFFFFFFD0];
	_ =	sdelay $0x4  }
0x1b: {  	v3 =	vsub.s32 v3, v0  }
0x1c: {  	vm9 =	vlt.u32 v3, $0xC35  }
0x1d: {  	v3 =	vnsel vm9, $0x0, v3;
	_ =	sdelay $0x2  }
0x1e: {  	s18 =	sadd.s32 $0x10, s20  }
0x1f: {  	v57 =	vor.u32 s18, v1  }
0x20: {  	[tilespmem:v3+s8+$0x0] =	vst.idx.msk vm9, v57  }
0x21: {  	v3 =	vld [tilespmem:s19+$0xFFFFFFE0];
	_ =	sdelay $0x4  }
0x22: {  	v3 =	vsub.s32 v3, v0  }
0x23: {  	vm10 =	vlt.u32 v3, $0xC35  }
0x24: {  	v3 =	vnsel vm10, $0x0, v3;
	_ =	sdelay $0x2  }
0x25: {  	s25 =	sadd.s32 $0x20, s20  }
0x26: {  	v58 =	vor.u32 s25, v1  }
0x27: {  	[tilespmem:v3+s8+$0x0] =	vst.idx.msk vm10, v58  }
0x28: {  	v3 =	vld [tilespmem:s19+$0xFFFFFFF0];
	_ =	sdelay $0x4  }
0x29: {  	v3 =	vsub.s32 v3, v0  }
0x2a: {  	vm11 =	vlt.u32 v3, $0xC35  }
0x2b: {  	v3 =	vnsel vm11, $0x0, v3;
	_ =	sdelay $0x2  }
0x2c: {  	s26 =	sadd.s32 $0x30, s20  }
0x2d: {  	v59 =	vor.u32 s26, v1  }
0x2e: {  	[tilespmem:v3+s8+$0x0] =	vst.idx.msk vm11, v59  }
0x2f: {  	v3 =	vld [tilespmem:s19+$0x0];
	_ =	sdelay $0x4  }
0x30: {  	v3 =	vsub.s32 v3, v0  }
0x31: {  	vm12 =	vlt.u32 v3, $0xC35  }
0x32: {  	v3 =	vnsel vm12, $0x0, v3;
	_ =	sdelay $0x2  }
0x33: {  	s28 =	sadd.s32 $0x40, s20  }
0x34: {  	v60 =	vor.u32 s28, v1  }
0x35: {  	[tilespmem:v3+s8+$0x0] =	vst.idx.msk vm12, v60  }
0x36: {  	v3 =	vld [tilespmem:s19+$0x10];
	_ =	sdelay $0x4  }
0x37: {  	v3 =	vsub.s32 v3, v0  }
0x38: {  	vm13 =	vlt.u32 v3, $0xC35  }
0x39: {  	v3 =	vnsel vm13, $0x0, v3;
	_ =	sdelay $0x2  }
0x3a: {  	s29 =	sadd.s32 $0x50, s20  }
0x3b: {  	v61 =	vor.u32 s29, v1  }
0x3c: {  	[tilespmem:v3+s8+$0x0] =	vst.idx.msk vm13, v61  }
0x3d: {  	v3 =	vld [tilespmem:s19+$0x20];
	_ =	sdelay $0x4  }
0x3e: {  	v3 =	vsub.s32 v3, v0  }
0x3f: {  	vm14 =	vlt.u32 v3, $0xC35  }
0x40: {  	v3 =	vnsel vm14, $0x0, v3;
	_ =	sdelay $0x2  }
0x41: {  	s30 =	sadd.s32 $0x60, s20  }
0x42: {  	v62 =	vor.u32 s30, v1  }
0x43: {  	[tilespmem:v3+s8+$0x0] =	vst.idx.msk vm14, v62  }
0x44: {  	v3 =	vld [tilespmem:s19+$0x30];
	_ =	sdelay $0x4  }
0x45: {  	v3 =	vsub.s32 v3, v0  }
0x46: {  	s21 =	sadd.s32 $0x8, s21;
	vm15 =	vlt.u32 v3, $0xC35  }
0x47: {  	p0 =	slt.u32 s21, $0xF8;
	v3 =	vnsel vm15, $0x0, v3  }
.Ltmp2:
0x48: {  	_ = 	snop;
	(pc) =	sbr.rel @p0 .LBB2_2-.Ltmp2, $4  }
0x49: {  	_ = 	snop  }
0x4a: {  	s31 =	sadd.s32 $0x70, s20  }
0x4b: {  	v63 =	vor.u32 s31, v1  }
0x4c: {  	s20 =	sadd.s32 $0x80, s20;
	s18 =	simm.s32 $0x0;
	s19 =	sadd.s32 $0x80, s19;
	[tilespmem:v3+s8+$0x0] =	vst.idx.msk vm15, v63  }
0x4d: {  	s19 =	simm.s32 $0x0  }
.LBB2_4:
0x4e: {  	v3 =	vld [tilespmem:s17+$0xFFFFFFC0];
	_ =	sdelay $0x4  }
0x4f: {  	v4 =	vsub.s32 v3, v0  }
0x50: {  	vm0 =	vlt.u32 v4, $0xC35  }
0x51: {  	v4 =	vnsel vm0, $0x0, v4;
	_ =	sdelay $0x4  }
0x52: {  	v4 =	vld.idx.msk [tilespmem:v4+s8+$0x0], vm0;
	_ =	sdelay $0x3  }
0x53: {  	v5 =	vor.u32 s18, v1  }
0x54: {  	vm1 =	veq.s32 v4, v5  }
0x55: {  	vm0 =	vmand vm0, vm1  }
0x56: {  	v49 =	vsel vm0, $0x1, v2  }
0x57: {  	(xrf0) =	vadd.scan.msk.s32 $0xffff, v49;
	_ =	sdelay $0x2  }
0x58: {  	v50 =	vmov s19  }
0x59: {  	v4 =	vadd.s32 $0xFFFFFFFF, v50  }
0x5a: {  	v4 =	vbroadcast v4, $0x0  }
0x5b: {  	v6, _, _ =	vpop (xrf0)  }
0x5c: {  	v4 =	vadd.s32 v6, v4  }
0x5d: {  	v4 =	vnsel vm0, $0x0, v4  }
0x5e: {  	v7 =	vshra.s32 v4, $0x1F  }
0x5f: {  	v7 =	vshrl.u32 v7, $0x19  }
0x60: {  	v7 =	vadd.s32 v7, v4  }
0x61: {  	v7 =	vshra.s32 v7, $0x7  }
0x62: {  	v8 =	vshll.u32 v7, $0x7  }
0x63: {  	vm11 =	vlt.s32 v4, $0x1;
	vm2 =	vne.s32 v4, v8  }
0x64: {  	vm1 =	vmand vm11, vm2  }
0x65: {  	v51 =	vsel vm1, $0xFFFFFFFF, v2  }
0x66: {  	v7 =	vadd.s32 v51, v7  }
0x67: {  	v4 =	vand.u32 $0x7F, v4;
	v7 =	vshll.u32 v7, $0x7  }
0x68: {  	v4 =	vor.u32 v4, v7;
	_ =	sdelay $0x3  }
0x69: {  	v6 =	vxor.u32 $0x80000000, v6  }
0x6a: {  	(xrf0) =	vmax.scan.msk.u32 $0xffff, v6;
	[tilespmem:v4+s9+$0x0] =	vst.idx.msk vm0, v3  }
0x6b: {  	[tilespmem:v4+s10+$0x0] =	vst.idx.msk vm0, v5  }
0x6c: {  	v3 =	vld [tilespmem:s17+$0xFFFFFFD0];
	_ =	sdelay $0x3  }
0x6d: {  	v52, _, _ =	vpop (xrf0)  }
0x6e: {  	(v2sf) =	vpush v52, $0xF;
	v53 =	vsub.s32 v3, v0  }
0x6f: {  	vm12 =	vlt.u32 v53, $0xC35  }
0x70: {  	v4 =	vnsel vm12, $0x0, v53;
	_ =	sdelay $0x4  }
0x71: {  	v4 =	vld.idx.msk [tilespmem:v4+s8+$0x0], vm12;
	_ =	sdelay $0x2  }
0x72: {  	s20 =	sadd.s32 $0x10, s18  }
0x73: {  	v54 =	vor.u32 s20, v1  }
0x74: {  	vm13 =	veq.s32 v4, v54  }
0x75: {  	vm0 =	vmand vm12, vm13  }
0x76: {  	v55 =	vsel vm0, $0x1, v2  }
0x77: {  	s26 =	spop (v2sf);
	(xrf0) =	vadd.scan.msk.s32 $0xffff, v55  }
0x78: {  	s28 =	sadd.s32 s26, s19  }
0x79: {  	s19 =	sadd.s32 $0x80000000, s28  }
0x7a: {  	v56 =	vmov s19  }
0x7b: {  	v4 =	vadd.s32 $0xFFFFFFFF, v56  }
0x7c: {  	v4 =	vbroadcast v4, $0x0  }
0x7d: {  	v57, _, _ =	vpop (xrf0)  }
0x7e: {  	v4 =	vadd.s32 v57, v4  }
0x7f: {  	v4 =	vnsel vm0, $0x0, v4  }
0x80: {  	v58 =	vshra.s32 v4, $0x1F  }
0x81: {  	v7 =	vshrl.u32 v58, $0x19  }
0x82: {  	v7 =	vadd.s32 v7, v4  }
0x83: {  	v59 =	vand.u32 $0xFFFFFF80, v7  }
0x84: {  	vm14 =	vlt.s32 v4, $0x1;
	vm15 =	vne.s32 v4, v59  }
0x85: {  	vm1 =	vmand vm14, vm15  }
0x86: {  	v7 =	vshrl.u32 v7, $0x7;
	v60 =	vsel vm1, $0xFFFFFFFF, v2  }
0x87: {  	v7 =	vadd.s32 v60, v7  }
0x88: {  	v4 =	vand.u32 $0x7F, v4;
	v7 =	vshll.u32 v7, $0x7  }
0x89: {  	v4 =	vor.u32 v4, v7;
	_ =	sdelay $0x3  }
0x8a: {  	v6 =	vxor.u32 $0x80000000, v57  }
0x8b: {  	(xrf0) =	vmax.scan.msk.u32 $0xffff, v6;
	[tilespmem:v4+s9+$0x0] =	vst.idx.msk vm0, v3  }
0x8c: {  	[tilespmem:v4+s10+$0x0] =	vst.idx.msk vm0, v54  }
0x8d: {  	v3 =	vld [tilespmem:s17+$0xFFFFFFE0];
	_ =	sdelay $0x3  }
0x8e: {  	v61, _, _ =	vpop (xrf0)  }
0x8f: {  	(v2sf) =	vpush v61, $0xF;
	v62 =	vsub.s32 v3, v0  }
0x90: {  	vm4 =	vlt.u32 v62, $0xC35  }
0x91: {  	v4 =	vnsel vm4, $0x0, v62;
	_ =	sdelay $0x4  }
0x92: {  	v4 =	vld.idx.msk [tilespmem:v4+s8+$0x0], vm4;
	_ =	sdelay $0x2  }
0x93: {  	s29 =	sadd.s32 $0x20, s18  }
0x94: {  	v63 =	vor.u32 s29, v1  }
0x95: {  	vm5 =	veq.s32 v4, v63  }
0x96: {  	vm0 =	vmand vm4, vm5  }
0x97: {  	v10 =	vsel vm0, $0x1, v2  }
0x98: {  	s30 =	spop (v2sf);
	(xrf0) =	vadd.scan.msk.s32 $0xffff, v10  }
0x99: {  	s19 =	sadd.s32 s30, s19  }
0x9a: {  	s19 =	sadd.s32 $0x80000000, s19  }
0x9b: {  	v11 =	vmov s19  }
0x9c: {  	v4 =	vadd.s32 $0xFFFFFFFF, v11  }
0x9d: {  	v4 =	vbroadcast v4, $0x0  }
0x9e: {  	v12, _, _ =	vpop (xrf0)  }
0x9f: {  	v4 =	vadd.s32 v12, v4  }
0xa0: {  	v4 =	vnsel vm0, $0x0, v4  }
0xa1: {  	v13 =	vshra.s32 v4, $0x1F  }
0xa2: {  	v7 =	vshrl.u32 v13, $0x19  }
0xa3: {  	v7 =	vadd.s32 v7, v4  }
0xa4: {  	v14 =	vand.u32 $0xFFFFFF80, v7  }
0xa5: {  	vm6 =	vlt.s32 v4, $0x1;
	vm7 =	vne.s32 v4, v14  }
0xa6: {  	vm1 =	vmand vm6, vm7  }
0xa7: {  	v7 =	vshrl.u32 v7, $0x7;
	v15 =	vsel vm1, $0xFFFFFFFF, v2  }
0xa8: {  	v7 =	vadd.s32 v15, v7  }
0xa9: {  	v4 =	vand.u32 $0x7F, v4;
	v7 =	vshll.u32 v7, $0x7  }
0xaa: {  	v4 =	vor.u32 v4, v7;
	_ =	sdelay $0x3  }
0xab: {  	v6 =	vxor.u32 $0x80000000, v12  }
0xac: {  	(xrf0) =	vmax.scan.msk.u32 $0xffff, v6;
	[tilespmem:v4+s9+$0x0] =	vst.idx.msk vm0, v3  }
0xad: {  	[tilespmem:v4+s10+$0x0] =	vst.idx.msk vm0, v63  }
0xae: {  	v3 =	vld [tilespmem:s17+$0xFFFFFFF0];
	_ =	sdelay $0x3  }
0xaf: {  	v16, _, _ =	vpop (xrf0)  }
0xb0: {  	(v2sf) =	vpush v16, $0xF;
	v17 =	vsub.s32 v3, v0  }
0xb1: {  	vm8 =	vlt.u32 v17, $0xC35  }
0xb2: {  	v4 =	vnsel vm8, $0x0, v17;
	_ =	sdelay $0x4  }
0xb3: {  	v4 =	vld.idx.msk [tilespmem:v4+s8+$0x0], vm8;
	_ =	sdelay $0x2  }
0xb4: {  	s31 =	sadd.s32 $0x30, s18  }
0xb5: {  	v18 =	vor.u32 s31, v1  }
0xb6: {  	vm9 =	veq.s32 v4, v18  }
0xb7: {  	vm0 =	vmand vm8, vm9  }
0xb8: {  	v19 =	vsel vm0, $0x1, v2  }
0xb9: {  	s21 =	spop (v2sf);
	(xrf0) =	vadd.scan.msk.s32 $0xffff, v19  }
0xba: {  	s19 =	sadd.s32 s21, s19  }
0xbb: {  	s19 =	sadd.s32 $0x80000000, s19  }
0xbc: {  	v20 =	vmov s19  }
0xbd: {  	v4 =	vadd.s32 $0xFFFFFFFF, v20  }
0xbe: {  	v4 =	vbroadcast v4, $0x0  }
0xbf: {  	v21, _, _ =	vpop (xrf0)  }
0xc0: {  	v4 =	vadd.s32 v21, v4  }
0xc1: {  	v4 =	vnsel vm0, $0x0, v4  }
0xc2: {  	v22 =	vshra.s32 v4, $0x1F  }
0xc3: {  	v7 =	vshrl.u32 v22, $0x19  }
0xc4: {  	v7 =	vadd.s32 v7, v4  }
0xc5: {  	v23 =	vand.u32 $0xFFFFFF80, v7  }
0xc6: {  	vm10 =	vlt.s32 v4, $0x1;
	vm11 =	vne.s32 v4, v23  }
0xc7: {  	vm1 =	vmand vm10, vm11  }
0xc8: {  	v7 =	vshrl.u32 v7, $0x7;
	v24 =	vsel vm1, $0xFFFFFFFF, v2  }
0xc9: {  	v7 =	vadd.s32 v24, v7  }
0xca: {  	v4 =	vand.u32 $0x7F, v4;
	v7 =	vshll.u32 v7, $0x7  }
0xcb: {  	v4 =	vor.u32 v4, v7;
	_ =	sdelay $0x3  }
0xcc: {  	v6 =	vxor.u32 $0x80000000, v21  }
0xcd: {  	(xrf0) =	vmax.scan.msk.u32 $0xffff, v6;
	[tilespmem:v4+s9+$0x0] =	vst.idx.msk vm0, v3  }
0xce: {  	[tilespmem:v4+s10+$0x0] =	vst.idx.msk vm0, v18  }
0xcf: {  	v3 =	vld [tilespmem:s17+$0x0];
	_ =	sdelay $0x3  }
0xd0: {  	v25, _, _ =	vpop (xrf0)  }
0xd1: {  	(v2sf) =	vpush v25, $0xF;
	v26 =	vsub.s32 v3, v0  }
0xd2: {  	vm12 =	vlt.u32 v26, $0xC35  }
0xd3: {  	v4 =	vnsel vm12, $0x0, v26;
	_ =	sdelay $0x4  }
0xd4: {  	v4 =	vld.idx.msk [tilespmem:v4+s8+$0x0], vm12;
	_ =	sdelay $0x2  }
0xd5: {  	s22 =	sadd.s32 $0x40, s18  }
0xd6: {  	v27 =	vor.u32 s22, v1  }
0xd7: {  	vm13 =	veq.s32 v4, v27  }
0xd8: {  	vm0 =	vmand vm12, vm13  }
0xd9: {  	v28 =	vsel vm0, $0x1, v2  }
0xda: {  	s23 =	spop (v2sf);
	(xrf0) =	vadd.scan.msk.s32 $0xffff, v28  }
0xdb: {  	s19 =	sadd.s32 s23, s19  }
0xdc: {  	s19 =	sadd.s32 $0x80000000, s19  }
0xdd: {  	v29 =	vmov s19  }
0xde: {  	v4 =	vadd.s32 $0xFFFFFFFF, v29  }
0xdf: {  	v4 =	vbroadcast v4, $0x0  }
0xe0: {  	v30, _, _ =	vpop (xrf0)  }
0xe1: {  	v4 =	vadd.s32 v30, v4  }
0xe2: {  	v4 =	vnsel vm0, $0x0, v4  }
0xe3: {  	v31 =	vshra.s32 v4, $0x1F  }
0xe4: {  	v7 =	vshrl.u32 v31, $0x19  }
0xe5: {  	v7 =	vadd.s32 v7, v4  }
0xe6: {  	v32 =	vand.u32 $0xFFFFFF80, v7  }
0xe7: {  	vm14 =	vlt.s32 v4, $0x1;
	vm15 =	vne.s32 v4, v32  }
0xe8: {  	vm1 =	vmand vm14, vm15  }
0xe9: {  	v7 =	vshrl.u32 v7, $0x7;
	v33 =	vsel vm1, $0xFFFFFFFF, v2  }
0xea: {  	v7 =	vadd.s32 v33, v7  }
0xeb: {  	v4 =	vand.u32 $0x7F, v4;
	v7 =	vshll.u32 v7, $0x7  }
0xec: {  	v4 =	vor.u32 v4, v7;
	_ =	sdelay $0x3  }
0xed: {  	v6 =	vxor.u32 $0x80000000, v30  }
0xee: {  	(xrf0) =	vmax.scan.msk.u32 $0xffff, v6;
	[tilespmem:v4+s9+$0x0] =	vst.idx.msk vm0, v3  }
0xef: {  	[tilespmem:v4+s10+$0x0] =	vst.idx.msk vm0, v27  }
0xf0: {  	v3 =	vld [tilespmem:s17+$0x10];
	_ =	sdelay $0x3  }
0xf1: {  	v34, _, _ =	vpop (xrf0)  }
0xf2: {  	(v2sf) =	vpush v34, $0xF;
	v35 =	vsub.s32 v3, v0  }
0xf3: {  	vm4 =	vlt.u32 v35, $0xC35  }
0xf4: {  	v4 =	vnsel vm4, $0x0, v35;
	_ =	sdelay $0x4  }
0xf5: {  	v4 =	vld.idx.msk [tilespmem:v4+s8+$0x0], vm4;
	_ =	sdelay $0x2  }
0xf6: {  	s24 =	sadd.s32 $0x50, s18  }
0xf7: {  	v36 =	vor.u32 s24, v1  }
0xf8: {  	vm5 =	veq.s32 v4, v36  }
0xf9: {  	vm0 =	vmand vm4, vm5  }
0xfa: {  	v37 =	vsel vm0, $0x1, v2  }
0xfb: {  	s25 =	spop (v2sf);
	(xrf0) =	vadd.scan.msk.s32 $0xffff, v37  }
0xfc: {  	s19 =	sadd.s32 s25, s19  }
0xfd: {  	s19 =	sadd.s32 $0x80000000, s19  }
0xfe: {  	v38 =	vmov s19  }
0xff: {  	v4 =	vadd.s32 $0xFFFFFFFF, v38  }
0x100: {  	v4 =	vbroadcast v4, $0x0  }
0x101: {  	v39, _, _ =	vpop (xrf0)  }
0x102: {  	v4 =	vadd.s32 v39, v4  }
0x103: {  	v4 =	vnsel vm0, $0x0, v4  }
0x104: {  	v40 =	vshra.s32 v4, $0x1F  }
0x105: {  	v7 =	vshrl.u32 v40, $0x19  }
0x106: {  	v7 =	vadd.s32 v7, v4  }
0x107: {  	v41 =	vand.u32 $0xFFFFFF80, v7  }
0x108: {  	vm6 =	vlt.s32 v4, $0x1;
	vm7 =	vne.s32 v4, v41  }
0x109: {  	vm1 =	vmand vm6, vm7  }
0x10a: {  	v7 =	vshrl.u32 v7, $0x7;
	v42 =	vsel vm1, $0xFFFFFFFF, v2  }
0x10b: {  	v7 =	vadd.s32 v42, v7  }
0x10c: {  	v4 =	vand.u32 $0x7F, v4;
	v7 =	vshll.u32 v7, $0x7  }
0x10d: {  	v4 =	vor.u32 v4, v7;
	_ =	sdelay $0x3  }
0x10e: {  	v6 =	vxor.u32 $0x80000000, v39  }
0x10f: {  	(xrf0) =	vmax.scan.msk.u32 $0xffff, v6;
	[tilespmem:v4+s9+$0x0] =	vst.idx.msk vm0, v3  }
0x110: {  	[tilespmem:v4+s10+$0x0] =	vst.idx.msk vm0, v36  }
0x111: {  	v3 =	vld [tilespmem:s17+$0x20];
	_ =	sdelay $0x3  }
0x112: {  	v43, _, _ =	vpop (xrf0)  }
0x113: {  	(v2sf) =	vpush v43, $0xF;
	v44 =	vsub.s32 v3, v0  }
0x114: {  	vm8 =	vlt.u32 v44, $0xC35  }
0x115: {  	v4 =	vnsel vm8, $0x0, v44;
	_ =	sdelay $0x4  }
0x116: {  	v4 =	vld.idx.msk [tilespmem:v4+s8+$0x0], vm8;
	_ =	sdelay $0x2  }
0x117: {  	s26 =	sadd.s32 $0x60, s18  }
0x118: {  	v45 =	vor.u32 s26, v1  }
0x119: {  	vm9 =	veq.s32 v4, v45  }
0x11a: {  	vm0 =	vmand vm8, vm9  }
0x11b: {  	v46 =	vsel vm0, $0x1, v2  }
0x11c: {  	s28 =	spop (v2sf);
	(xrf0) =	vadd.scan.msk.s32 $0xffff, v46  }
0x11d: {  	s19 =	sadd.s32 s28, s19  }
0x11e: {  	s19 =	sadd.s32 $0x80000000, s19  }
0x11f: {  	v47 =	vmov s19  }
0x120: {  	v4 =	vadd.s32 $0xFFFFFFFF, v47  }
0x121: {  	v4 =	vbroadcast v4, $0x0  }
0x122: {  	v48, _, _ =	vpop (xrf0)  }
0x123: {  	v4 =	vadd.s32 v48, v4  }
0x124: {  	v4 =	vnsel vm0, $0x0, v4  }
0x125: {  	v49 =	vshra.s32 v4, $0x1F  }
0x126: {  	v7 =	vshrl.u32 v49, $0x19  }
0x127: {  	v7 =	vadd.s32 v7, v4  }
0x128: {  	v50 =	vand.u32 $0xFFFFFF80, v7  }
0x129: {  	vm10 =	vlt.s32 v4, $0x1;
	vm11 =	vne.s32 v4, v50  }
0x12a: {  	vm1 =	vmand vm10, vm11  }
0x12b: {  	v7 =	vshrl.u32 v7, $0x7;
	v51 =	vsel vm1, $0xFFFFFFFF, v2  }
0x12c: {  	v7 =	vadd.s32 v51, v7  }
0x12d: {  	v4 =	vand.u32 $0x7F, v4;
	v7 =	vshll.u32 v7, $0x7  }
0x12e: {  	v4 =	vor.u32 v4, v7;
	_ =	sdelay $0x4  }
0x12f: {  	[tilespmem:v4+s9+$0x0] =	vst.idx.msk vm0, v3  }
0x130: {  	[tilespmem:v4+s10+$0x0] =	vst.idx.msk vm0, v45  }
0x131: {  	v3 =	vld [tilespmem:s17+$0x30];
	_ =	sdelay $0x4  }
0x132: {  	v52 =	vxor.u32 $0x80000000, v48;
	v53 =	vsub.s32 v3, v0  }
0x133: {  	(xrf0) =	vmax.scan.msk.u32 $0xffff, v52;
	vm12 =	vlt.u32 v53, $0xC35  }
0x134: {  	v54 =	vnsel vm12, $0x0, v53;
	_ =	sdelay $0x4  }
0x135: {  	v55, _, _ =	vpop (xrf0);
	v4 =	vld.idx.msk [tilespmem:v54+s8+$0x0], vm12  }
0x136: {  	(v2sf) =	vpush v55, $0xF;
	_ =	sdelay $0x1  }
0x137: {  	s29 =	sadd.s32 $0x70, s18  }
0x138: {  	v56 =	vor.u32 s29, v1  }
0x139: {  	vm13 =	veq.s32 v4, v56  }
0x13a: {  	vm0 =	vmand vm12, vm13  }
0x13b: {  	v57 =	vsel vm0, $0x1, v2  }
0x13c: {  	(xrf0) =	vadd.scan.msk.s32 $0xffff, v57;
	_ =	sdelay $0x5  }
0x13d: {  	v4, _, _ =	vpop (xrf0)  }
0x13e: {  	v58 =	vxor.u32 $0x80000000, v4  }
0x13f: {  	s30 =	spop (v2sf);
	(xrf0) =	vmax.scan.msk.u32 $0xffff, v58  }
0x140: {  	s19 =	sadd.s32 s30, s19  }
0x141: {  	s19 =	sadd.s32 $0x80000000, s19  }
0x142: {  	v59 =	vmov s19  }
0x143: {  	v6 =	vadd.s32 $0xFFFFFFFF, v59  }
0x144: {  	v6 =	vbroadcast v6, $0x0  }
0x145: {  	v60, _, _ =	vpop (xrf0)  }
0x146: {  	v4 =	vadd.s32 v4, v6;
	(v2sf) =	vpush v60, $0xF  }
0x147: {  	v4 =	vnsel vm0, $0x0, v4  }
0x148: {  	v61 =	vshra.s32 v4, $0x1F  }
0x149: {  	v6 =	vshrl.u32 v61, $0x19  }
0x14a: {  	v6 =	vadd.s32 v6, v4  }
0x14b: {  	v62 =	vand.u32 $0xFFFFFF80, v6  }
0x14c: {  	vm14 =	vlt.s32 v4, $0x1;
	vm15 =	vne.s32 v4, v62  }
0x14d: {  	vm1 =	vmand vm14, vm15  }
0x14e: {  	v6 =	vshrl.u32 v6, $0x7;
	v63 =	vsel vm1, $0xFFFFFFFF, v2  }
0x14f: {  	v6 =	vadd.s32 v63, v6  }
0x150: {  	v4 =	vand.u32 $0x7F, v4;
	v6 =	vshll.u32 v6, $0x7  }
0x151: {  	s16 =	sadd.s32 $0x8, s16;
	v4 =	vor.u32 v4, v6  }
0x152: {  	p0 =	slt.u32 s16, $0xF8  }
.Ltmp3:
0x153: {  	_ = 	snop;
	(pc) =	sbr.rel @p0 .LBB2_4-.Ltmp3, $4  }
0x154: {  	_ = 	snop  }
0x155: {  	s31 =	spop (v2sf)  }
0x156: {  	[tilespmem:v4+s9+$0x0] =	vst.idx.msk vm0, v3;
	s19 =	sadd.s32 s31, s19  }
0x157: {  	s18 =	sadd.s32 $0x80, s18;
	s17 =	sadd.s32 $0x80, s17;
	[tilespmem:v4+s10+$0x0] =	vst.idx.msk vm0, v56;
	s19 =	sadd.s32 $0x80000000, s19  }
0x158: {  	p0 =	slt.s32 s19, $0x1  }
0x159: {  	v3 =	vld @!p0 [tilespmem:$0x1C38];
	_ =	sdelay $0x3  }
0x15a: {  	vm0 =	vmmov @!p0 $0x1  }
0x15b: {  	v3 =	vnsel @!p0 vm0, $0xFFFFFFFF, v3  }
0x15c: {  	v3 =	vxor.u32 @!p0 $0x80000000, v3  }
0x15d: {  	(xrf0) =	vmax.scan.msk.u32 @!p0 $0xffff, v3;
	_ =	sdelay $0x5  }
0x15e: {  	v3, _, _ =	vpop @!p0 (xrf0)  }
0x15f: {  	(v2sf) =	vpush @!p0 v3, $0xF  }
0x160: {  	v3 =	vld @!p0 [tilespmem:$0x2CB8];
	_ =	sdelay $0x3  }
0x161: {  	v5 =	vlaneseq.u32 @!p0  }
0x162: {  	v6 =	vadd.s32 @!p0 s19, v5;
	v3 =	vnsel @!p0 vm0, $0xFFFFFFFF, v3  }
0x163: {  	v4 =	vshra.s32 @!p0 v6, $0x1F;
	v3 =	vxor.u32 @!p0 $0x80000000, v3  }
0x164: {  	(xrf0) =	vmax.scan.msk.u32 @!p0 $0xffff, v3;
	v3 =	vshrl.u32 @!p0 v4, $0x19  }
0x165: {  	v3 =	vadd.s32 @!p0 v3, v6  }
0x166: {  	s16 =	sadd.s32 @!p0 $0x10, s19;
	s17 =	sadd.s32 @!p0 $0x20, s19;
	v3 =	vshra.s32 @!p0 v3, $0x7  }
0x167: {  	v7 =	vmov @!p0 s16;
	v10 =	vmov @!p0 s17;
	v4 =	vshll.u32 @!p0 v3, $0x7  }
0x168: {  	v7 =	vbroadcast @!p0 v7, $0x0;
	vm0 =	vlt.s32 @!p0 v6, $0x0;
	vm1 =	vne.s32 @!p0 v6, v4  }
0x169: {  	v10 =	vbroadcast @!p0 v10, $0x0;
	v4 =	vimm.s32 @!p0 $0x0;
	vm0 =	vmand @!p0 vm0, vm1  }
0x16a: {  	v7 =	vadd.s32 @!p0 v5, v7;
	v6 =	vand.u32 @!p0 $0x7F, v6;
	v8, _, _ =	vpop @!p0 (xrf0);
	v9 =	vsel @!p0 vm0, $0xFFFFFFFF, v4  }
0x16b: {  	s16 =	spop @!p0 (v2sf);
	(v2sf) =	vpush @!p0 v8, $0xF;
	v8 =	vadd.s32 @!p0 v9, v3;
	v9 =	vshra.s32 @!p0 v7, $0x1F  }
0x16c: {  	vm0 =	vlt.s32 @!p0 v7, $0x1;
	s16 =	sxor.u32 @!p0 $0x80000000, s16;
	v9 =	vshrl.u32 @!p0 v9, $0x19;
	v8 =	vshll.u32 @!p0 v8, $0x7  }
0x16d: {  	v3 =	vmov @!p0 s16;
	v9 =	vadd.s32 @!p0 v9, v7;
	s16 =	sadd.s32 @!p0 $0x30, s19;
	v6 =	vor.u32 @!p0 v6, v8  }
0x16e: {  	v11 =	vshrl.u32 @!p0 v9, $0x7;
	v9 =	vand.u32 @!p0 $0xFFFFFF80, v9;
	v12 =	vmov @!p0 s16  }
0x16f: {  	vm1 =	vne.s32 @!p0 v7, v9;
	v9 =	vadd.s32 @!p0 v5, v10;
	v12 =	vbroadcast @!p0 v12, $0x0  }
0x170: {  	s16 =	sadd.s32 @!p0 $0x40, s19;
	v7 =	vand.u32 @!p0 $0x7F, v7;
	vm0 =	vmand @!p0 vm0, vm1;
	v10 =	vshra.s32 @!p0 v9, $0x1F  }
0x171: {  	v14 =	vmov @!p0 s16;
	v13 =	vsel @!p0 vm0, $0xFFFFFFFF, v4;
	v10 =	vshrl.u32 @!p0 v10, $0x19  }
0x172: {  	v12 =	vadd.s32 @!p0 v5, v12;
	v8 =	vadd.s32 @!p0 v13, v11;
	v10 =	vadd.s32 @!p0 v10, v9  }
0x173: {  	vm0 =	vlt.s32 @!p0 v9, $0x1;
	v8 =	vshll.u32 @!p0 v8, $0x7;
	v11 =	vand.u32 @!p0 $0xFFFFFF80, v10  }
0x174: {  	v10 =	vshrl.u32 @!p0 v10, $0x7;
	vm1 =	vne.s32 @!p0 v9, v11;
	v11 =	vshra.s32 @!p0 v12, $0x1F  }
0x175: {  	v7 =	vor.u32 @!p0 v7, v8;
	vm0 =	vmand @!p0 vm0, vm1;
	v11 =	vshrl.u32 @!p0 v11, $0x19  }
0x176: {  	v9 =	vand.u32 @!p0 $0x7F, v9;
	v13 =	vsel @!p0 vm0, $0xFFFFFFFF, v4;
	v11 =	vadd.s32 @!p0 v11, v12  }
0x177: {  	vm0 =	vlt.s32 @!p0 v12, $0x1;
	v10 =	vadd.s32 @!p0 v13, v10;
	v13 =	vand.u32 @!p0 $0xFFFFFF80, v11  }
0x178: {  	s16 =	sadd.s32 @!p0 $0x50, s19;
	vm1 =	vne.s32 @!p0 v12, v13;
	v13 =	vbroadcast @!p0 v14, $0x0;
	v8 =	vshll.u32 @!p0 v10, $0x7  }
0x179: {  	v10 =	vshrl.u32 @!p0 v11, $0x7;
	v14 =	vmov @!p0 s16;
	v12 =	vand.u32 @!p0 $0x7F, v12  }
0x17a: {  	s16 =	sadd.s32 @!p0 $0x60, s19;
	vm0 =	vmand @!p0 vm0, vm1;
	v14 =	vbroadcast @!p0 v14, $0x0;
	v8 =	vor.u32 @!p0 v9, v8  }
0x17b: {  	v15 =	vmov @!p0 s16;
	s16 =	sadd.s32 @!p0 $0x70, s19;
	v11 =	vsel @!p0 vm0, $0xFFFFFFFF, v4;
	v13 =	vadd.s32 @!p0 v5, v13  }
0x17c: {  	v15 =	vbroadcast @!p0 v15, $0x0;
	v16 =	vmov @!p0 s16;
	v10 =	vadd.s32 @!p0 v11, v10  }
0x17d: {  	s16 =	spop @!p0 (v2sf);
	v11 =	vshra.s32 @!p0 v13, $0x1F;
	vm0 =	vlt.s32 @!p0 v13, $0x1;
	v16 =	vbroadcast @!p0 v16, $0x0  }
0x17e: {  	s17 =	sxor.u32 @!p0 $0x80000000, s16;
	v10 =	vshll.u32 @!p0 v10, $0x7;
	v11 =	vshrl.u32 @!p0 v11, $0x19;
	v15 =	vadd.s32 @!p0 v5, v15  }
0x17f: {  	v18 =	vmov @!p0 s17;
	v11 =	vadd.s32 @!p0 v11, v13;
	v9 =	vor.u32 @!p0 v12, v10  }
0x180: {  	vm2 =	vlt.s32 @!p0 v15, $0x1;
	v10 =	vand.u32 @!p0 $0xFFFFFF80, v11;
	v11 =	vshrl.u32 @!p0 v11, $0x7  }
0x181: {  	vm1 =	vne.s32 @!p0 v13, v10;
	v10 =	vadd.s32 @!p0 v5, v14;
	v5 =	vadd.s32 @!p0 v5, v16  }
0x182: {  	vm0 =	vmand @!p0 vm0, vm1;
	v12 =	vshra.s32 @!p0 v10, $0x1F;
	v16 =	vshra.s32 @!p0 v5, $0x1F  }
0x183: {  	v14 =	vsel @!p0 vm0, $0xFFFFFFFF, v4;
	v12 =	vshrl.u32 @!p0 v12, $0x19;
	vm0 =	vlt.s32 @!p0 v10, $0x1  }
0x184: {  	s16 =	simm.s32 @!p0 $0x1C38;
	v16 =	vshrl.u32 @!p0 v16, $0x19;
	v12 =	vadd.s32 @!p0 v12, v10;
	v11 =	vadd.s32 @!p0 v14, v11  }
0x185: {  	[tilespmem:v6+s16+$0x0] =	vst.idx.msk @!p0 $0xffff, v3;
	s17 =	simm.s32 @!p0 $0x2CB8;
	v16 =	vadd.s32 @!p0 v16, v5;
	v14 =	vshrl.u32 @!p0 v12, $0x7;
	v12 =	vand.u32 @!p0 $0xFFFFFF80, v12  }
0x186: {  	[tilespmem:v6+s17+$0x0] =	vst.idx.msk @!p0 $0xffff, v18;
	v6 =	vshll.u32 @!p0 v11, $0x7;
	vm1 =	vne.s32 @!p0 v10, v12;
	v12 =	vshra.s32 @!p0 v15, $0x1F  }
0x187: {  	v11 =	vand.u32 @!p0 $0x7F, v13;
	vm0 =	vmand @!p0 vm0, vm1;
	v12 =	vshrl.u32 @!p0 v12, $0x19  }
0x188: {  	v6 =	vor.u32 @!p0 v11, v6;
	v17 =	vsel @!p0 vm0, $0xFFFFFFFF, v4;
	v12 =	vadd.s32 @!p0 v12, v15  }
0x189: {  	s18 =	sadd.s32 @!p0 $0x7F, s19;
	v10 =	vand.u32 @!p0 $0x7F, v10;
	v14 =	vadd.s32 @!p0 v17, v14;
	v17 =	vand.u32 @!p0 $0xFFFFFF80, v12  }
0x18a: {  	s19 =	sand.u32 @!p0 $0x7F, s18;
	[tilespmem:v7+s16+$0x0] =	vst.idx.msk @!p0 $0xffff, v3;
	v11 =	vshrl.u32 @!p0 v12, $0x7;
	vm0 =	vne.s32 @!p0 v15, v17;
	v17 =	vand.u32 @!p0 $0xFFFFFF80, v16  }
0x18b: {  	p1 =	slt.s32 @!p0 s18, $0x0;
	p2 =	sne.s32 @!p0 s19, $0x0;
	[tilespmem:v7+s17+$0x0] =	vst.idx.msk @!p0 $0xffff, v18;
	v7 =	vshll.u32 @!p0 v14, $0x7;
	vm1 =	vne.s32 @!p0 v5, v17;
	vm0 =	vmand @!p0 vm2, vm0  }
0x18c: {  	s19 =	sshra.s32 @!p0 s18, $0x1F;
	p1 =	por @!p0 !p1, !p2;
	[tilespmem:v8+s16+$0x0] =	vst.idx.msk @!p0 $0xffff, v3;
	vm2 =	vlt.s32 @!p0 v5, $0x1;
	v7 =	vor.u32 @!p0 v10, v7;
	v12 =	vsel @!p0 vm0, $0xFFFFFFFF, v4  }
0x18d: {  	s19 =	sshrl.u32 @!p0 s19, $0x19;
	p1 =	por @!p0 !p1, !p1;
	[tilespmem:v8+s17+$0x0] =	vst.idx.msk @!p0 $0xffff, v18;
	v10 =	vand.u32 @!p0 $0x7F, v15;
	vm1 =	vmand @!p0 vm2, vm1;
	v8 =	vadd.s32 @!p0 v12, v11  }
0x18e: {  	s18 =	sadd.s32 @!p0 s19, s18;
	s19 =	simm.s32 @!p0 $0x1;
	p1 =	por !p1, p0;
	[tilespmem:v9+s16+$0x0] =	vst.idx.msk @!p0 $0xffff, v3;
	v4 =	vsel @!p0 vm1, $0xFFFFFFFF, v4;
	v11 =	vshrl.u32 @!p0 v16, $0x7;
	v8 =	vshll.u32 @!p0 v8, $0x7  }
0x18f: {  	s18 =	sshra.s32 @!p0 s18, $0x7;
	s19 =	simm.s32 @p1 $0x0;
	[tilespmem:v9+s17+$0x0] =	vst.idx.msk @!p0 $0xffff, v18;
	v4 =	vadd.s32 @!p0 v4, v11;
	v8 =	vor.u32 @!p0 v10, v8  }
0x190: {  	s18 =	ssub.s32 @!p0 s18, s19;
	[tilespmem:v6+s16+$0x0] =	vst.idx.msk @!p0 $0xffff, v3;
	v5 =	vand.u32 @!p0 $0x7F, v5;
	v4 =	vshll.u32 @!p0 v4, $0x7  }
0x191: {  	p1 =	slt.s32 @!p0 s18, $0x1;
	[tilespmem:v6+s17+$0x0] =	vst.idx.msk @!p0 $0xffff, v18;
	v4 =	vor.u32 @!p0 v5, v4  }
0x192: {  	p1 =	por p0, p1;
	[tilespmem:v7+s16+$0x0] =	vst.idx.msk @!p0 $0xffff, v3  }
.Ltmp4:
0x193: {  	[tilespmem:v7+s17+$0x0] =	vst.idx.msk @!p0 $0xffff, v18;
	(pc) =	sbr.rel @p1 .LBB2_9-.Ltmp4, $4  }
0x194: {  	[tilespmem:v8+s16+$0x0] =	vst.idx.msk @!p0 $0xffff, v3  }
0x195: {  	[tilespmem:v8+s17+$0x0] =	vst.idx.msk @!p0 $0xffff, v18  }
0x196: {  	[tilespmem:v4+s16+$0x0] =	vst.idx.msk @!p0 $0xffff, v3  }
0x197: {  	[tilespmem:v4+s17+$0x0] =	vst.idx.msk @!p0 $0xffff, v18  }
0x198: {  	[tilespmem:s12], [sflag:$0x2] =	stream.indirect.gather [hbm4b:s4+s11], $0x80, s17, s11, $0xb8;
	[tilespmem:$0x7D38] =	vst v63  }
0x199: {  	p0 =	sne.s32 s18, $0x1;
	_ =	swait.ge [sflag:s13], $0x4000  }
.Ltmp5:
0x19a: {  	[sflag:s13] =	ssyncset.done $0x0;
	(pc) =	sbr.rel @!p0 .LBB2_8-.Ltmp5, $4  }
0x19b: {  	[sflag:s13] =	ssyncadd.s32 $0xFFFFC000  }
0x19c: {  	[hbm4b:s0+s11] =	stream.indirect.scatter [tilespmem:s12], [sflag:$0x3], $0x80, s16, s11, $0xb8;
	[tilespmem:$0x7D38] =	vst v63  }
0x19d: {  	_ =	swait.ge [sflag:s14], $0x4000  }
0x19e: {  	s18 =	sadd.s32 $0xFFFFFFFF, s18;
	[sflag:s14] =	ssyncset.done $0x0  }
.LBB2_7:
0x19f: {  	[sflag:s14] =	ssyncadd.s32 $0xFFFFC000;
	s17 =	sadd.s32 $0x80, s17;
	s16 =	sadd.s32 $0x80, s16  }
0x1a0: {  	[tilespmem:s12], [sflag:$0x2] =	stream.indirect.gather [hbm4b:s4+s11], $0x80, s17, s11, $0xb8;
	[tilespmem:$0x7D38] =	vst v63  }
0x1a1: {  	p0 =	sne.s32 s18, $0x1;
	s18 =	sadd.s32 $0xFFFFFFFF, s18;
	_ =	swait.ge [sflag:s13], $0x4000  }
.Ltmp6:
0x1a2: {  	[sflag:s13] =	ssyncset.done $0x0;
	(pc) =	sbr.rel @p0 .LBB2_7-.Ltmp6, $4  }
0x1a3: {  	[sflag:s13] =	ssyncadd.s32 $0xFFFFC000  }
0x1a4: {  	[hbm4b:s0+s11] =	stream.indirect.scatter [tilespmem:s12], [sflag:$0x3], $0x80, s16, s11, $0xb8;
	[tilespmem:$0x7D38] =	vst v63  }
0x1a5: {  	_ =	swait.ge [sflag:s14], $0x4000  }
0x1a6: {  	[sflag:s14] =	ssyncset.done $0x0  }
.Ltmp7:
0x1a7: {  	_ = 	snop;
	(pc) =	sbr.rel .LBB2_8-.Ltmp7, $1  }
0x1a8: {  	_ =	sdelay $0x3  }
.LBB2_10:
0x1a9: {  	_ =	sfence.sel $0x180000  }
0x1aa: {  	[bflag:$0x0] =	sbarrier.arrive $0xFFFF  }
0x1ab: {  	p0 =	sne.s32 s2, $0x0;
	_ =	strace $0x90000047  }
0x1ac: {  	s0 =	sadd.s32 @!p0 $0x100000, s1;
	[bflag:$0x2] =	sbarrier.arrive $0xFFFF  }
0x1ad: {  	[sflag:s0] =	ssyncadd.tile.s32 @!p0 $0x1;
	_ =	shalt  }
.Lfunc_end2:
_tile_overlayer_lowered:
.L_overlay_start_2:
0x1ae: {  	(tag) =	ssettag $0x2  }
0x1af: {  	s0 =	rddreg [dreg:$0x0];
	s2 =	stileid.u32  }
0x1b0: {  	s1 =	rddreg [dreg:$0x1];
	p0 =	sne.s32 s2, $0x0  }
0x1b1: {  	s3 =	rddreg [dreg:$0x2];
	[bflag:$0x3] =	sbarrier.arrive $0xFFFF;
	s2 =	simm.s32 @!p0 $0x1C04  }
0x1b2: {  	[timem:s3], [sflag:s2] =	dma.local @!p0 [hbm:s0], s1  }
0x1b3: {  	s0 =	simm.s32 @!p0 $0x4  }
0x1b4: {  	_ =	swait.ge @!p0 [sflag:s0], s1  }
0x1b5: {  	s1 =	ssub.s32 @!p0 $0x0, s1;
	[sflag:s0] =	ssyncset.done @!p0 $0x0  }
0x1b6: {  	[sflag:s0] =	ssyncadd.s32 @!p0 s1  }
0x1b7: {  	[bflag:$0x3] =	sbarrier.arrive $0xFFFF  }
0x1b8: {  	_ =	shalt  }

</sc_bundles>
